<compile_context>
chip_gen: v7x
topology: tpu7x:2x2x1
jax: 0.10.2.dev20260603
libtpu: 0.0.44.dev20260713+nightly
codegen_flags: <defaults>
</compile_context>

<pallas_src>
import functools

import jax
import jax.numpy as jnp
from jax import lax
from jax.experimental import pallas as pl
from jax.experimental.pallas import tpu as pltpu
from jax.experimental.pallas import tpu_sc as plsc

N = 10000
E = 320000
H = 128
G = 64
NP = 10240
CHUNK = 128
NW = 32
NCH = E // CHUNK
NBC = NCH // NW
NXTRA = NCH - NBC * NW
RPT = NP // 16
BR = 256
NBLK = NP // BR


def _make_seg_sum():
  mesh = plsc.VectorSubcoreMesh(core_axis_name="c", subcore_axis_name="s")
  out_type = [jax.ShapeDtypeStruct((2, NP, H), jnp.float32)]
  scratch = [
      pltpu.VMEM_SHARED((NP, H), jnp.float32),
      pltpu.VMEM((CHUNK, H), jnp.float32),
      pltpu.SemaphoreType.DMA,
      pltpu.VMEM((CHUNK,), jnp.int32),
      pltpu.VMEM((CHUNK,), jnp.int32),
  ]

  @functools.partial(pl.kernel, mesh=mesh, out_type=out_type,
                     scratch_types=scratch)
  def k(table, ei, zrows, part, acc, rowsb, sem, srcb, dstb):
    cid = lax.axis_index("c")
    sid = lax.axis_index("s")
    w = cid * 16 + sid
    r0 = sid * RPT
    nch = RPT // CHUNK
    pltpu.sync_copy(zrows, rowsb)
    for i in range(nch):
      pltpu.sync_copy(rowsb, acc.at[pl.ds(r0 + i * CHUNK, CHUNK)])
    plsc.subcore_barrier()
    cnt = NBC + jnp.where(w < NXTRA, 1, 0)
    c0 = w * NBC + jnp.minimum(w, NXTRA)

    @pl.loop(0, cnt)
    def stage(t):
      off = (c0 + t) * CHUNK
      pltpu.sync_copy(ei.at[0, pl.ds(off, CHUNK)], srcb)
      pltpu.sync_copy(ei.at[1, pl.ds(off, CHUNK)], dstb)
      pltpu.async_copy(table.at[srcb], rowsb, sem).wait()
      pltpu.sync_copy(rowsb, acc.at[dstb], add=True)
    plsc.subcore_barrier()
    for i in range(nch):
      sl = pl.ds(r0 + i * CHUNK, CHUNK)
      pltpu.sync_copy(acc.at[sl], rowsb)
      pltpu.sync_copy(rowsb, part.at[cid, sl])

  return k


def _make_deg_count():
  mesh = plsc.VectorSubcoreMesh(core_axis_name="c", subcore_axis_name="s")
  out_type = [jax.ShapeDtypeStruct((2, NP, H), jnp.float32)]
  scratch = [
      pltpu.VMEM_SHARED((NP, H), jnp.float32),
      pltpu.VMEM((CHUNK, H), jnp.float32),
      pltpu.VMEM((CHUNK,), jnp.int32),
  ]

  @functools.partial(pl.kernel, mesh=mesh, out_type=out_type,
                     scratch_types=scratch)
  def k(ei, zrows, e0rows, dep, degq, dacc, e0b, dstb):
    del dep
    cid = lax.axis_index("c")
    sid = lax.axis_index("s")
    w = cid * 16 + sid
    r0 = sid * RPT
    nch = RPT // CHUNK
    pltpu.sync_copy(zrows, e0b)
    for i in range(nch):
      pltpu.sync_copy(e0b, dacc.at[pl.ds(r0 + i * CHUNK, CHUNK)])
    pltpu.sync_copy(e0rows, e0b)
    plsc.subcore_barrier()
    cnt = NBC + jnp.where(w < NXTRA, 1, 0)
    c0 = w * NBC + jnp.minimum(w, NXTRA)

    @pl.loop(0, cnt)
    def stage(t):
      off = (c0 + t) * CHUNK
      pltpu.sync_copy(ei.at[1, pl.ds(off, CHUNK)], dstb)
      pltpu.sync_copy(e0b, dacc.at[dstb], add=True)
    plsc.subcore_barrier()
    for i in range(nch):
      sl = pl.ds(r0 + i * CHUNK, CHUNK)
      pltpu.sync_copy(dacc.at[sl], e0b)
      pltpu.sync_copy(e0b, degq.at[cid, sl])

  return k


_seg_sum = _make_seg_sum()
_deg_count = _make_deg_count()


def _mlp_h_body(part_ref, x_ref, w1_ref, b1_ref, w2_ref, b2_ref,
                wg_ref, hw_ref):
  a = x_ref[...] + part_ref[0] + part_ref[1]
  h = jnp.maximum(jnp.dot(a, w1_ref[...],
                          preferred_element_type=jnp.float32) + b1_ref[...], 0.0)
  h = jnp.maximum(jnp.dot(h, w2_ref[...],
                          preferred_element_type=jnp.float32) + b2_ref[...], 0.0)
  hw_ref[...] = jnp.dot(h, wg_ref[...], preferred_element_type=jnp.float32)


def _scale_body(hw_ref, deg_ref, u_ref):
  deg = 1.0 + jnp.sum(deg_ref[...], axis=1, keepdims=True)
  u_ref[...] = hw_ref[...] / jnp.sqrt(deg)


def _pool_body(part2_ref, u_ref, deg_ref, bg_ref, batch_ref, wl1_ref,
               bl1_ref, wl2_ref, bl2_ref, out_ref, acc_ref):
  r = pl.program_id(0)
  t = u_ref[...] + part2_ref[0] + part2_ref[1]
  deg = 1.0 + jnp.sum(deg_ref[...], axis=1, keepdims=True)
  h2 = jnp.maximum(t / jnp.sqrt(deg) + bg_ref[...], 0.0)
  b = batch_ref[0]
  onehot = (lax.broadcasted_iota(jnp.int32, (G, BR), 0)
            == jnp.broadcast_to(b, (G, BR))).astype(jnp.float32)
  p = jnp.dot(onehot, h2, preferred_element_type=jnp.float32)

  @pl.when(r == 0)
  def _():
    acc_ref[...] = p

  @pl.when(r > 0)
  def _():
    acc_ref[...] = acc_ref[...] + p

  @pl.when(r == NBLK - 1)
  def _():
    g = jnp.maximum(jnp.dot(acc_ref[...], wl1_ref[...],
                            preferred_element_type=jnp.float32) + bl1_ref[...],
                    0.0)
    out_ref[...] = jnp.dot(g, wl2_ref[...],
                           preferred_element_type=jnp.float32) + bl2_ref[...]


_W_SPEC = pl.BlockSpec((H, H), lambda r: (0, 0))
_B_SPEC = pl.BlockSpec((1, H), lambda r: (0, 0))
_ROW_SPEC = pl.BlockSpec((BR, H), lambda r: (r, 0))
_PART_SPEC = pl.BlockSpec((2, BR, H), lambda r: (0, r, 0))
_DEG_SPEC = pl.BlockSpec((BR, 16), lambda r: (r, 0))

_mlp_h = pl.pallas_call(
    _mlp_h_body,
    grid=(NBLK,),
    in_specs=[_PART_SPEC, _ROW_SPEC,
              _W_SPEC, _B_SPEC, _W_SPEC, _B_SPEC, _W_SPEC],
    out_specs=_ROW_SPEC,
    out_shape=jax.ShapeDtypeStruct((NP, H), jnp.float32),
)

_scale = pl.pallas_call(
    _scale_body,
    grid=(NBLK,),
    in_specs=[_ROW_SPEC, _DEG_SPEC],
    out_specs=_ROW_SPEC,
    out_shape=jax.ShapeDtypeStruct((NP, H), jnp.float32),
)

_pool = pl.pallas_call(
    _pool_body,
    grid=(NBLK,),
    in_specs=[_PART_SPEC, _ROW_SPEC, _DEG_SPEC, _B_SPEC,
              pl.BlockSpec((1, 1, BR), lambda r: (r, 0, 0)),
              _W_SPEC, _B_SPEC, _W_SPEC, _B_SPEC],
    out_specs=pl.BlockSpec((G, H), lambda r: (0, 0)),
    out_shape=jax.ShapeDtypeStruct((G, H), jnp.float32),
    scratch_shapes=[pltpu.VMEM((G, H), jnp.float32)],
)


def kernel(x, edge_index, batch, w_gin1, b_gin1, w_gin2, b_gin2,
           w_gcn, b_gcn, w_lin1, b_lin1, w_lin2, b_lin2):
  x_p = jnp.zeros((NP, H), jnp.float32).at[:N].set(x)
  zrows = jnp.zeros((CHUNK, H), jnp.float32)
  e0rows = jnp.zeros((CHUNK, H), jnp.float32).at[:, 0].set(1.0)
  batch_p = jnp.full((NP,), G, jnp.int32).at[:N].set(batch).reshape(NBLK, 1, BR)

  part1, = _seg_sum(x_p, edge_index, zrows)
  degq, = _deg_count(edge_index, zrows, e0rows, part1)
  deg16 = degq[0, :, :16] + degq[1, :, :16]
  hw = _mlp_h(part1, x_p, w_gin1, b_gin1.reshape(1, H), w_gin2,
              b_gin2.reshape(1, H), w_gcn)
  u = _scale(hw, deg16)
  part2, = _seg_sum(u, edge_index, zrows)
  wl2 = jnp.zeros((H, H), jnp.float32).at[:, :3].set(w_lin2)
  bl2 = jnp.zeros((1, H), jnp.float32).at[0, :3].set(b_lin2)
  out = _pool(part2, u, deg16, b_gcn.reshape(1, H), batch_p,
              w_lin1, b_lin1.reshape(1, H), wl2, bl2)
  return out[:, :3]

# --- scband reference (transcript-rebuilt; emitter-appended) ---
"""Pipeline reference for scband-multi-task-gnn-v4-78795470012789 (READ-ONLY COPY).

The authoritative reference and input builder live on the scoring server;
editing this copy changes nothing except your own understanding.
"""

import jax, jax.numpy as jnp
import numpy as np

N = 10000   # nodes
E = 320000  # edges
D = 128     # in_dim
H = 128     # hidden_dim
O = 3       # out_dim
G = 64      # number of graphs in the batch


def setup_inputs(seed: int = 0) -> dict:
    key = jax.random.key(seed)
    ks = jax.random.split(key, 16)
    x = jax.random.normal(ks[0], (N, D), dtype=jnp.float32)
    edge_index = jax.random.randint(ks[1], (2, E), 0, N, dtype=jnp.int32)
    batch = jnp.sort(jax.random.randint(ks[2], (N,), 0, G, dtype=jnp.int32))
    s = 0.05
    w_gin1 = jax.random.normal(ks[3], (D, H), dtype=jnp.float32) * s
    b_gin1 = jnp.zeros((H,), dtype=jnp.float32)
    w_gin2 = jax.random.normal(ks[4], (H, H), dtype=jnp.float32) * s
    b_gin2 = jnp.zeros((H,), dtype=jnp.float32)
    w_gcn = jax.random.normal(ks[5], (H, H), dtype=jnp.float32) * s
    b_gcn = jnp.zeros((H,), dtype=jnp.float32)
    w_lin1 = jax.random.normal(ks[6], (H, H), dtype=jnp.float32) * s
    b_lin1 = jnp.zeros((H,), dtype=jnp.float32)
    w_lin2 = jax.random.normal(ks[7], (H, O), dtype=jnp.float32) * s
    b_lin2 = jnp.zeros((O,), dtype=jnp.float32)
    return {"x": x, "edge_index": edge_index, "batch": batch,
            "w_gin1": w_gin1, "b_gin1": b_gin1, "w_gin2": w_gin2, "b_gin2": b_gin2,
            "w_gcn": w_gcn, "b_gcn": b_gcn,
            "w_lin1": w_lin1, "b_lin1": b_lin1, "w_lin2": w_lin2, "b_lin2": b_lin2}


def reference(x, edge_index, batch, w_gin1, b_gin1, w_gin2, b_gin2,
              w_gcn, b_gcn, w_lin1, b_lin1, w_lin2, b_lin2):
    src, dst = edge_index[0], edge_index[1]

    # --- GINConv (eps=0): h = MLP(x + sum_{j->i} x_j) ---
    agg = jax.ops.segment_sum(x[src], dst, num_segments=N)
    h = x + agg
    h = jnp.maximum(h @ w_gin1 + b_gin1, 0.0) @ w_gin2 + b_gin2
    h = jax.nn.relu(h)

    # --- GCNConv: add self-loops, symmetric normalization ---
    loop = jnp.arange(N, dtype=src.dtype)
    s2 = jnp.concatenate([src, loop])
    d2 = jnp.concatenate([dst, loop])
    hw = h @ w_gcn
    deg = jax.ops.segment_sum(jnp.ones_like(d2, dtype=jnp.float32), d2, num_segments=N)
    dis = jnp.where(deg > 0, 1.0 / jnp.sqrt(deg), 0.0)
    norm = dis[s2] * dis[d2]
    h = jax.ops.segment_sum(norm[:, None] * hw[s2], d2, num_segments=N) + b_gcn
    h = jax.nn.relu(h)

    # --- global_add_pool over graphs ---
    g = jax.ops.segment_sum(h, batch, num_segments=G)

    g = jax.nn.relu(g @ w_lin1 + b_lin1)
    return g @ w_lin2 + b_lin2

if __name__ == "__main__":
    import jax
    _d = setup_inputs()
    print(jax.jit(kernel)(*tuple(_d.values())))

</pallas_src>

<mosaic_0001>
#map = affine_map<(d0, d1) -> (0, 0)>
#map1 = affine_map<(d0, d1) -> (0, 0, 0)>
module attributes {stable_mosaic.version = 14 : i64} {
  func.func @k(%arg0: i32, %arg1: i32, %arg2: memref<2x320000xi32, #tpu.memory_space<hbm>>, %arg3: memref<128x128xf32, #tpu.memory_space<hbm>>, %arg4: memref<128x128xf32, #tpu.memory_space<hbm>>, %arg5: memref<2x10240x128xf32, #tpu.memory_space<hbm>>, %arg6: memref<2x10240x128xf32, #tpu.memory_space<hbm>>, %arg7: memref<10240x128xf32, #tpu.memory_space<vmem_shared>>, %arg8: memref<128x128xf32, #tpu.memory_space<vmem>>, %arg9: memref<128xi32, #tpu.memory_space<vmem>>) attributes {dimension_semantics = [#tpu.dimension_semantics<core_parallel>, #tpu.dimension_semantics<subcore_parallel>], iteration_bounds = array<i64: 2, 16>, scalar_prefetch = 0 : i64, scratch_operands = 3 : i64, tpu.core_type = #tpu.core_type<sc_vector_subcore>, window_params = [{transform_indices = #map}, {transform_indices = #map}, {transform_indices = #map}, {transform_indices = #map1}, {transform_indices = #map1}]} {
    %mul3A = arith.constant 16 : i32
    %mul3A_0 = arith.muli %arg0, %mul3A : i32
    %add3A = arith.addi %mul3A_0, %arg1 : i32
    %mul3A_1 = arith.constant 640 : i32
    %mul3A_2 = arith.muli %arg1, %mul3A_1 : i32
    "tpu.region"() ({
      %run_scoped3A = tpu.sem_alloc : memref<!tpu.dma_semaphore, #tpu.memory_space<semaphore_mem>>
      tpu.enqueue_dma source(%arg3 : memref<128x128xf32, #tpu.memory_space<hbm>>) target(%arg8 : memref<128x128xf32, #tpu.memory_space<vmem>>) target_semaphore(%run_scoped3A : memref<!tpu.dma_semaphore, #tpu.memory_space<semaphore_mem>>)
      tpu.wait_dma2 semaphore(%run_scoped3A : memref<!tpu.dma_semaphore, #tpu.memory_space<semaphore_mem>>) src(%arg3 : memref<128x128xf32, #tpu.memory_space<hbm>>) dst(%arg8 : memref<128x128xf32, #tpu.memory_space<vmem>>)
      tpu.yield
    }) : () -> ()
    %add3A_3 = arith.constant 0 : i32
    %add3A_4 = arith.addi %mul3A_2, %add3A_3 : i32
    "tpu.region"() ({
      %run_scoped3A = tpu.sem_alloc : memref<!tpu.dma_semaphore, #tpu.memory_space<semaphore_mem>>
      %dma_start3A = arith.constant 0 : i32
      %dma_start3A_48 = tpu.memref_slice %arg7[%add3A_4, %dma_start3A] : memref<10240x128xf32, #tpu.memory_space<vmem_shared>> -> memref<128x128xf32, #tpu.memory_space<vmem_shared>>
      %dma_start3A_49 = arith.constant 0 : i32
      %dma_start3A_50 = tpu.memref_slice %arg7[%add3A_4, %dma_start3A_49] : memref<10240x128xf32, #tpu.memory_space<vmem_shared>> -> memref<128x128xf32, #tpu.memory_space<vmem_shared>>
      tpu.enqueue_dma source(%arg8 : memref<128x128xf32, #tpu.memory_space<vmem>>) target(%dma_start3A_50 : memref<128x128xf32, #tpu.memory_space<vmem_shared>>) target_semaphore(%run_scoped3A : memref<!tpu.dma_semaphore, #tpu.memory_space<semaphore_mem>>)
      %dma_wait3A = arith.constant 0 : i32
      %dma_wait3A_51 = tpu.memref_slice %arg7[%add3A_4, %dma_wait3A] : memref<10240x128xf32, #tpu.memory_space<vmem_shared>> -> memref<128x128xf32, #tpu.memory_space<vmem_shared>>
      %dma_wait3A_52 = arith.constant 0 : i32
      %dma_wait3A_53 = tpu.memref_slice %arg7[%add3A_4, %dma_wait3A_52] : memref<10240x128xf32, #tpu.memory_space<vmem_shared>> -> memref<128x128xf32, #tpu.memory_space<vmem_shared>>
      tpu.wait_dma2 semaphore(%run_scoped3A : memref<!tpu.dma_semaphore, #tpu.memory_space<semaphore_mem>>) src(%arg8 : memref<128x128xf32, #tpu.memory_space<vmem>>) dst(%dma_wait3A_53 : memref<128x128xf32, #tpu.memory_space<vmem_shared>>)
      tpu.yield
    }) : () -> ()
    %add3A_5 = arith.constant 128 : i32
    %add3A_6 = arith.addi %mul3A_2, %add3A_5 : i32
    "tpu.region"() ({
      %run_scoped3A = tpu.sem_alloc : memref<!tpu.dma_semaphore, #tpu.memory_space<semaphore_mem>>
      %dma_start3A = arith.constant 0 : i32
      %dma_start3A_48 = tpu.memref_slice %arg7[%add3A_6, %dma_start3A] : memref<10240x128xf32, #tpu.memory_space<vmem_shared>> -> memref<128x128xf32, #tpu.memory_space<vmem_shared>>
      %dma_start3A_49 = arith.constant 0 : i32
      %dma_start3A_50 = tpu.memref_slice %arg7[%add3A_6, %dma_start3A_49] : memref<10240x128xf32, #tpu.memory_space<vmem_shared>> -> memref<128x128xf32, #tpu.memory_space<vmem_shared>>
      tpu.enqueue_dma source(%arg8 : memref<128x128xf32, #tpu.memory_space<vmem>>) target(%dma_start3A_50 : memref<128x128xf32, #tpu.memory_space<vmem_shared>>) target_semaphore(%run_scoped3A : memref<!tpu.dma_semaphore, #tpu.memory_space<semaphore_mem>>)
      %dma_wait3A = arith.constant 0 : i32
      %dma_wait3A_51 = tpu.memref_slice %arg7[%add3A_6, %dma_wait3A] : memref<10240x128xf32, #tpu.memory_space<vmem_shared>> -> memref<128x128xf32, #tpu.memory_space<vmem_shared>>
      %dma_wait3A_52 = arith.constant 0 : i32
      %dma_wait3A_53 = tpu.memref_slice %arg7[%add3A_6, %dma_wait3A_52] : memref<10240x128xf32, #tpu.memory_space<vmem_shared>> -> memref<128x128xf32, #tpu.memory_space<vmem_shared>>
      tpu.wait_dma2 semaphore(%run_scoped3A : memref<!tpu.dma_semaphore, #tpu.memory_space<semaphore_mem>>) src(%arg8 : memref<128x128xf32, #tpu.memory_space<vmem>>) dst(%dma_wait3A_53 : memref<128x128xf32, #tpu.memory_space<vmem_shared>>)
      tpu.yield
    }) : () -> ()
    %add3A_7 = arith.constant 256 : i32
    %add3A_8 = arith.addi %mul3A_2, %add3A_7 : i32
    "tpu.region"() ({
      %run_scoped3A = tpu.sem_alloc : memref<!tpu.dma_semaphore, #tpu.memory_space<semaphore_mem>>
      %dma_start3A = arith.constant 0 : i32
      %dma_start3A_48 = tpu.memref_slice %arg7[%add3A_8, %dma_start3A] : memref<10240x128xf32, #tpu.memory_space<vmem_shared>> -> memref<128x128xf32, #tpu.memory_space<vmem_shared>>
      %dma_start3A_49 = arith.constant 0 : i32
      %dma_start3A_50 = tpu.memref_slice %arg7[%add3A_8, %dma_start3A_49] : memref<10240x128xf32, #tpu.memory_space<vmem_shared>> -> memref<128x128xf32, #tpu.memory_space<vmem_shared>>
      tpu.enqueue_dma source(%arg8 : memref<128x128xf32, #tpu.memory_space<vmem>>) target(%dma_start3A_50 : memref<128x128xf32, #tpu.memory_space<vmem_shared>>) target_semaphore(%run_scoped3A : memref<!tpu.dma_semaphore, #tpu.memory_space<semaphore_mem>>)
      %dma_wait3A = arith.constant 0 : i32
      %dma_wait3A_51 = tpu.memref_slice %arg7[%add3A_8, %dma_wait3A] : memref<10240x128xf32, #tpu.memory_space<vmem_shared>> -> memref<128x128xf32, #tpu.memory_space<vmem_shared>>
      %dma_wait3A_52 = arith.constant 0 : i32
      %dma_wait3A_53 = tpu.memref_slice %arg7[%add3A_8, %dma_wait3A_52] : memref<10240x128xf32, #tpu.memory_space<vmem_shared>> -> memref<128x128xf32, #tpu.memory_space<vmem_shared>>
      tpu.wait_dma2 semaphore(%run_scoped3A : memref<!tpu.dma_semaphore, #tpu.memory_space<semaphore_mem>>) src(%arg8 : memref<128x128xf32, #tpu.memory_space<vmem>>) dst(%dma_wait3A_53 : memref<128x128xf32, #tpu.memory_space<vmem_shared>>)
      tpu.yield
    }) : () -> ()
    %add3A_9 = arith.constant 384 : i32
    %add3A_10 = arith.addi %mul3A_2, %add3A_9 : i32
    "tpu.region"() ({
      %run_scoped3A = tpu.sem_alloc : memref<!tpu.dma_semaphore, #tpu.memory_space<semaphore_mem>>
      %dma_start3A = arith.constant 0 : i32
      %dma_start3A_48 = tpu.memref_slice %arg7[%add3A_10, %dma_start3A] : memref<10240x128xf32, #tpu.memory_space<vmem_shared>> -> memref<128x128xf32, #tpu.memory_space<vmem_shared>>
      %dma_start3A_49 = arith.constant 0 : i32
      %dma_start3A_50 = tpu.memref_slice %arg7[%add3A_10, %dma_start3A_49] : memref<10240x128xf32, #tpu.memory_space<vmem_shared>> -> memref<128x128xf32, #tpu.memory_space<vmem_shared>>
      tpu.enqueue_dma source(%arg8 : memref<128x128xf32, #tpu.memory_space<vmem>>) target(%dma_start3A_50 : memref<128x128xf32, #tpu.memory_space<vmem_shared>>) target_semaphore(%run_scoped3A : memref<!tpu.dma_semaphore, #tpu.memory_space<semaphore_mem>>)
      %dma_wait3A = arith.constant 0 : i32
      %dma_wait3A_51 = tpu.memref_slice %arg7[%add3A_10, %dma_wait3A] : memref<10240x128xf32, #tpu.memory_space<vmem_shared>> -> memref<128x128xf32, #tpu.memory_space<vmem_shared>>
      %dma_wait3A_52 = arith.constant 0 : i32
      %dma_wait3A_53 = tpu.memref_slice %arg7[%add3A_10, %dma_wait3A_52] : memref<10240x128xf32, #tpu.memory_space<vmem_shared>> -> memref<128x128xf32, #tpu.memory_space<vmem_shared>>
      tpu.wait_dma2 semaphore(%run_scoped3A : memref<!tpu.dma_semaphore, #tpu.memory_space<semaphore_mem>>) src(%arg8 : memref<128x128xf32, #tpu.memory_space<vmem>>) dst(%dma_wait3A_53 : memref<128x128xf32, #tpu.memory_space<vmem_shared>>)
      tpu.yield
    }) : () -> ()
    %add3A_11 = arith.constant 512 : i32
    %add3A_12 = arith.addi %mul3A_2, %add3A_11 : i32
    "tpu.region"() ({
      %run_scoped3A = tpu.sem_alloc : memref<!tpu.dma_semaphore, #tpu.memory_space<semaphore_mem>>
      %dma_start3A = arith.constant 0 : i32
      %dma_start3A_48 = tpu.memref_slice %arg7[%add3A_12, %dma_start3A] : memref<10240x128xf32, #tpu.memory_space<vmem_shared>> -> memref<128x128xf32, #tpu.memory_space<vmem_shared>>
      %dma_start3A_49 = arith.constant 0 : i32
      %dma_start3A_50 = tpu.memref_slice %arg7[%add3A_12, %dma_start3A_49] : memref<10240x128xf32, #tpu.memory_space<vmem_shared>> -> memref<128x128xf32, #tpu.memory_space<vmem_shared>>
      tpu.enqueue_dma source(%arg8 : memref<128x128xf32, #tpu.memory_space<vmem>>) target(%dma_start3A_50 : memref<128x128xf32, #tpu.memory_space<vmem_shared>>) target_semaphore(%run_scoped3A : memref<!tpu.dma_semaphore, #tpu.memory_space<semaphore_mem>>)
      %dma_wait3A = arith.constant 0 : i32
      %dma_wait3A_51 = tpu.memref_slice %arg7[%add3A_12, %dma_wait3A] : memref<10240x128xf32, #tpu.memory_space<vmem_shared>> -> memref<128x128xf32, #tpu.memory_space<vmem_shared>>
      %dma_wait3A_52 = arith.constant 0 : i32
      %dma_wait3A_53 = tpu.memref_slice %arg7[%add3A_12, %dma_wait3A_52] : memref<10240x128xf32, #tpu.memory_space<vmem_shared>> -> memref<128x128xf32, #tpu.memory_space<vmem_shared>>
      tpu.wait_dma2 semaphore(%run_scoped3A : memref<!tpu.dma_semaphore, #tpu.memory_space<semaphore_mem>>) src(%arg8 : memref<128x128xf32, #tpu.memory_space<vmem>>) dst(%dma_wait3A_53 : memref<128x128xf32, #tpu.memory_space<vmem_shared>>)
      tpu.yield
    }) : () -> ()
    "tpu.region"() ({
      %run_scoped3A = tpu.sem_alloc : memref<!tpu.dma_semaphore, #tpu.memory_space<semaphore_mem>>
      tpu.enqueue_dma source(%arg4 : memref<128x128xf32, #tpu.memory_space<hbm>>) target(%arg8 : memref<128x128xf32, #tpu.memory_space<vmem>>) target_semaphore(%run_scoped3A : memref<!tpu.dma_semaphore, #tpu.memory_space<semaphore_mem>>)
      tpu.wait_dma2 semaphore(%run_scoped3A : memref<!tpu.dma_semaphore, #tpu.memory_space<semaphore_mem>>) src(%arg4 : memref<128x128xf32, #tpu.memory_space<hbm>>) dst(%arg8 : memref<128x128xf32, #tpu.memory_space<vmem>>)
      tpu.yield
    }) : () -> ()
    %barrier3A = arith.constant 0 : index
    tpu.barrier barrier_id(%barrier3A)
    %lt3A = arith.constant 4 : i32
    %lt3A_13 = arith.cmpi slt, %add3A, %lt3A : i32
    %jit3A = arith.constant 1 : i32
    %jit3A_14 = arith.constant 0 : i32
    %select_n3A = arith.select %lt3A_13, %jit3A, %jit3A_14 : i32
    %add3A_15 = arith.constant 78 : i32
    %add3A_16 = arith.addi %add3A_15, %select_n3A : i32
    %mul3A_17 = arith.constant 78 : i32
    %mul3A_18 = arith.muli %add3A, %mul3A_17 : i32
    %min3A = arith.constant 4 : i32
    %min3A_19 = arith.minsi %add3A, %min3A : i32
    %add3A_20 = arith.addi %mul3A_18, %min3A_19 : i32
    %sub3A = arith.constant 0 : i32
    %sub3A_21 = arith.subi %add3A_16, %sub3A : i32
    %sub3A_22 = arith.constant 1 : i32
    %sub3A_23 = arith.constant 1 : i32
    %sub3A_24 = arith.subi %sub3A_22, %sub3A_23 : i32
    %add3A_25 = arith.addi %sub3A_21, %sub3A_24 : i32
    %div3A = arith.constant 1 : i32
    %div3A_26 = arith.divsi %add3A_25, %div3A : i32
    %while3A = arith.constant 1 : i32
    %while3A_27 = arith.constant 0 : i32
    %while3A_28 = arith.constant 0 : i32
    %while3A_29 = arith.subi %div3A_26, %while3A_28 : i32
    %while3A_30 = arith.addi %while3A_28, %while3A_29 : i32
    %while3A_31 = arith.constant 1 : i32
    %while3A_32 = arith.divsi %while3A_29, %while3A_31 : i32
    %while3A_33 = arith.muli %while3A_32, %while3A_31 : i32
    %while3A_34 = arith.addi %while3A_28, %while3A_33 : i32
    %while3A_35 = arith.constant 1 : i32
    scf.for %while3A_48 = %while3A_28 to %while3A_34 step %while3A_35  : i32 {
      %mul3A_49 = arith.muli %while3A_48, %while3A : i32
      %add3A_50 = arith.addi %while3A_27, %mul3A_49 : i32
      %add3A_51 = arith.addi %add3A_20, %add3A_50 : i32
      %mul3A_52 = arith.constant 128 : i32
      %mul3A_53 = arith.muli %add3A_51, %mul3A_52 : i32
      %run_scoped3A = arith.constant 1 : i32
      "tpu.region"() ({
        %run_scoped3A_54 = tpu.sem_alloc : memref<!tpu.dma_semaphore, #tpu.memory_space<semaphore_mem>>
        %dma_start3A = tpu.memref_slice %arg2[%run_scoped3A, %mul3A_53] : memref<2x320000xi32, #tpu.memory_space<hbm>> -> memref<1x128xi32, #tpu.memory_space<hbm>>
        %dma_start3A_55 = tpu.memref_squeeze %dma_start3A : memref<1x128xi32, #tpu.memory_space<hbm>> -> memref<128xi32, #tpu.memory_space<hbm>>
        %dma_start3A_56 = tpu.memref_slice %arg2[%run_scoped3A, %mul3A_53] : memref<2x320000xi32, #tpu.memory_space<hbm>> -> memref<1x128xi32, #tpu.memory_space<hbm>>
        %dma_start3A_57 = tpu.memref_squeeze %dma_start3A_56 : memref<1x128xi32, #tpu.memory_space<hbm>> -> memref<128xi32, #tpu.memory_space<hbm>>
        tpu.enqueue_dma source(%dma_start3A_57 : memref<128xi32, #tpu.memory_space<hbm>>) target(%arg9 : memref<128xi32, #tpu.memory_space<vmem>>) target_semaphore(%run_scoped3A_54 : memref<!tpu.dma_semaphore, #tpu.memory_space<semaphore_mem>>)
        %dma_wait3A = tpu.memref_slice %arg2[%run_scoped3A, %mul3A_53] : memref<2x320000xi32, #tpu.memory_space<hbm>> -> memref<1x128xi32, #tpu.memory_space<hbm>>
        %dma_wait3A_58 = tpu.memref_squeeze %dma_wait3A : memref<1x128xi32, #tpu.memory_space<hbm>> -> memref<128xi32, #tpu.memory_space<hbm>>
        %dma_wait3A_59 = tpu.memref_slice %arg2[%run_scoped3A, %mul3A_53] : memref<2x320000xi32, #tpu.memory_space<hbm>> -> memref<1x128xi32, #tpu.memory_space<hbm>>
        %dma_wait3A_60 = tpu.memref_squeeze %dma_wait3A_59 : memref<1x128xi32, #tpu.memory_space<hbm>> -> memref<128xi32, #tpu.memory_space<hbm>>
        tpu.wait_dma2 semaphore(%run_scoped3A_54 : memref<!tpu.dma_semaphore, #tpu.memory_space<semaphore_mem>>) src(%dma_wait3A_60 : memref<128xi32, #tpu.memory_space<hbm>>) dst(%arg9 : memref<128xi32, #tpu.memory_space<vmem>>)
        tpu.yield
      }) : () -> ()
      "tpu.region"() ({
        %run_scoped3A_54 = tpu.sem_alloc : memref<!tpu.dma_semaphore, #tpu.memory_space<semaphore_mem>>
        %dma_start3A = arith.constant 0 : i32
        %dma_start3A_55 = arith.constant 0 : i32
        %dma_start3A_56 = tpu.memref_slice %arg7[%dma_start3A, %dma_start3A_55] : memref<10240x128xf32, #tpu.memory_space<vmem_shared>> -> memref<10240x128xf32, #tpu.memory_space<vmem_shared>>
        tpu.enqueue_indirect_dma source(%arg8 : memref<128x128xf32, #tpu.memory_space<vmem>>) target(%dma_start3A_56 : memref<10240x128xf32, #tpu.memory_space<vmem_shared>>) offsets(%arg9 : memref<128xi32, #tpu.memory_space<vmem>>) semaphore(%run_scoped3A_54 : memref<!tpu.dma_semaphore, #tpu.memory_space<semaphore_mem>>) {add = true}
        %dma_wait3A = arith.constant 0 : i32
        %dma_wait3A_57 = arith.constant 0 : i32
        %dma_wait3A_58 = tpu.memref_slice %arg7[%dma_wait3A, %dma_wait3A_57] : memref<10240x128xf32, #tpu.memory_space<vmem_shared>> -> memref<10240x128xf32, #tpu.memory_space<vmem_shared>>
        tpu.wait_indirect_dma semaphore(%run_scoped3A_54 : memref<!tpu.dma_semaphore, #tpu.memory_space<semaphore_mem>>) src(%arg8 : memref<128x128xf32, #tpu.memory_space<vmem>>) dst(%dma_wait3A_58 : memref<10240x128xf32, #tpu.memory_space<vmem_shared>>)
        tpu.yield
      }) : () -> ()
    }
    %while3A_36 = arith.constant 1 : i32
    scf.for %while3A_48 = %while3A_34 to %while3A_30 step %while3A_36  : i32 {
      %mul3A_49 = arith.muli %while3A_48, %while3A : i32
      %add3A_50 = arith.addi %while3A_27, %mul3A_49 : i32
      %add3A_51 = arith.addi %add3A_20, %add3A_50 : i32
      %mul3A_52 = arith.constant 128 : i32
      %mul3A_53 = arith.muli %add3A_51, %mul3A_52 : i32
      %run_scoped3A = arith.constant 1 : i32
      "tpu.region"() ({
        %run_scoped3A_54 = tpu.sem_alloc : memref<!tpu.dma_semaphore, #tpu.memory_space<semaphore_mem>>
        %dma_start3A = tpu.memref_slice %arg2[%run_scoped3A, %mul3A_53] : memref<2x320000xi32, #tpu.memory_space<hbm>> -> memref<1x128xi32, #tpu.memory_space<hbm>>
        %dma_start3A_55 = tpu.memref_squeeze %dma_start3A : memref<1x128xi32, #tpu.memory_space<hbm>> -> memref<128xi32, #tpu.memory_space<hbm>>
        %dma_start3A_56 = tpu.memref_slice %arg2[%run_scoped3A, %mul3A_53] : memref<2x320000xi32, #tpu.memory_space<hbm>> -> memref<1x128xi32, #tpu.memory_space<hbm>>
        %dma_start3A_57 = tpu.memref_squeeze %dma_start3A_56 : memref<1x128xi32, #tpu.memory_space<hbm>> -> memref<128xi32, #tpu.memory_space<hbm>>
        tpu.enqueue_dma source(%dma_start3A_57 : memref<128xi32, #tpu.memory_space<hbm>>) target(%arg9 : memref<128xi32, #tpu.memory_space<vmem>>) target_semaphore(%run_scoped3A_54 : memref<!tpu.dma_semaphore, #tpu.memory_space<semaphore_mem>>)
        %dma_wait3A = tpu.memref_slice %arg2[%run_scoped3A, %mul3A_53] : memref<2x320000xi32, #tpu.memory_space<hbm>> -> memref<1x128xi32, #tpu.memory_space<hbm>>
        %dma_wait3A_58 = tpu.memref_squeeze %dma_wait3A : memref<1x128xi32, #tpu.memory_space<hbm>> -> memref<128xi32, #tpu.memory_space<hbm>>
        %dma_wait3A_59 = tpu.memref_slice %arg2[%run_scoped3A, %mul3A_53] : memref<2x320000xi32, #tpu.memory_space<hbm>> -> memref<1x128xi32, #tpu.memory_space<hbm>>
        %dma_wait3A_60 = tpu.memref_squeeze %dma_wait3A_59 : memref<1x128xi32, #tpu.memory_space<hbm>> -> memref<128xi32, #tpu.memory_space<hbm>>
        tpu.wait_dma2 semaphore(%run_scoped3A_54 : memref<!tpu.dma_semaphore, #tpu.memory_space<semaphore_mem>>) src(%dma_wait3A_60 : memref<128xi32, #tpu.memory_space<hbm>>) dst(%arg9 : memref<128xi32, #tpu.memory_space<vmem>>)
        tpu.yield
      }) : () -> ()
      "tpu.region"() ({
        %run_scoped3A_54 = tpu.sem_alloc : memref<!tpu.dma_semaphore, #tpu.memory_space<semaphore_mem>>
        %dma_start3A = arith.constant 0 : i32
        %dma_start3A_55 = arith.constant 0 : i32
        %dma_start3A_56 = tpu.memref_slice %arg7[%dma_start3A, %dma_start3A_55] : memref<10240x128xf32, #tpu.memory_space<vmem_shared>> -> memref<10240x128xf32, #tpu.memory_space<vmem_shared>>
        tpu.enqueue_indirect_dma source(%arg8 : memref<128x128xf32, #tpu.memory_space<vmem>>) target(%dma_start3A_56 : memref<10240x128xf32, #tpu.memory_space<vmem_shared>>) offsets(%arg9 : memref<128xi32, #tpu.memory_space<vmem>>) semaphore(%run_scoped3A_54 : memref<!tpu.dma_semaphore, #tpu.memory_space<semaphore_mem>>) {add = true}
        %dma_wait3A = arith.constant 0 : i32
        %dma_wait3A_57 = arith.constant 0 : i32
        %dma_wait3A_58 = tpu.memref_slice %arg7[%dma_wait3A, %dma_wait3A_57] : memref<10240x128xf32, #tpu.memory_space<vmem_shared>> -> memref<10240x128xf32, #tpu.memory_space<vmem_shared>>
        tpu.wait_indirect_dma semaphore(%run_scoped3A_54 : memref<!tpu.dma_semaphore, #tpu.memory_space<semaphore_mem>>) src(%arg8 : memref<128x128xf32, #tpu.memory_space<vmem>>) dst(%dma_wait3A_58 : memref<10240x128xf32, #tpu.memory_space<vmem_shared>>)
        tpu.yield
      }) : () -> ()
    }
    %barrier3A_37 = arith.constant 0 : index
    tpu.barrier barrier_id(%barrier3A_37)
    %add3A_38 = arith.constant 0 : i32
    %add3A_39 = arith.addi %mul3A_2, %add3A_38 : i32
    "tpu.region"() ({
      %run_scoped3A = tpu.sem_alloc : memref<!tpu.dma_semaphore, #tpu.memory_space<semaphore_mem>>
      %dma_start3A = arith.constant 0 : i32
      %dma_start3A_48 = tpu.memref_slice %arg7[%add3A_39, %dma_start3A] : memref<10240x128xf32, #tpu.memory_space<vmem_shared>> -> memref<128x128xf32, #tpu.memory_space<vmem_shared>>
      %dma_start3A_49 = arith.constant 0 : i32
      %dma_start3A_50 = tpu.memref_slice %arg7[%add3A_39, %dma_start3A_49] : memref<10240x128xf32, #tpu.memory_space<vmem_shared>> -> memref<128x128xf32, #tpu.memory_space<vmem_shared>>
      tpu.enqueue_dma source(%dma_start3A_50 : memref<128x128xf32, #tpu.memory_space<vmem_shared>>) target(%arg8 : memref<128x128xf32, #tpu.memory_space<vmem>>) target_semaphore(%run_scoped3A : memref<!tpu.dma_semaphore, #tpu.memory_space<semaphore_mem>>)
      %dma_wait3A = arith.constant 0 : i32
      %dma_wait3A_51 = tpu.memref_slice %arg7[%add3A_39, %dma_wait3A] : memref<10240x128xf32, #tpu.memory_space<vmem_shared>> -> memref<128x128xf32, #tpu.memory_space<vmem_shared>>
      %dma_wait3A_52 = arith.constant 0 : i32
      %dma_wait3A_53 = tpu.memref_slice %arg7[%add3A_39, %dma_wait3A_52] : memref<10240x128xf32, #tpu.memory_space<vmem_shared>> -> memref<128x128xf32, #tpu.memory_space<vmem_shared>>
      tpu.wait_dma2 semaphore(%run_scoped3A : memref<!tpu.dma_semaphore, #tpu.memory_space<semaphore_mem>>) src(%dma_wait3A_53 : memref<128x128xf32, #tpu.memory_space<vmem_shared>>) dst(%arg8 : memref<128x128xf32, #tpu.memory_space<vmem>>)
      tpu.yield
    }) : () -> ()
    "tpu.region"() ({
      %run_scoped3A = tpu.sem_alloc : memref<!tpu.dma_semaphore, #tpu.memory_space<semaphore_mem>>
      %dma_start3A = arith.constant 0 : i32
      %dma_start3A_48 = tpu.memref_slice %arg6[%arg0, %add3A_39, %dma_start3A] : memref<2x10240x128xf32, #tpu.memory_space<hbm>> -> memref<1x128x128xf32, #tpu.memory_space<hbm>>
      %dma_start3A_49 = tpu.memref_squeeze %dma_start3A_48 : memref<1x128x128xf32, #tpu.memory_space<hbm>> -> memref<128x128xf32, #tpu.memory_space<hbm>>
      %dma_start3A_50 = arith.constant 0 : i32
      %dma_start3A_51 = tpu.memref_slice %arg6[%arg0, %add3A_39, %dma_start3A_50] : memref<2x10240x128xf32, #tpu.memory_space<hbm>> -> memref<1x128x128xf32, #tpu.memory_space<hbm>>
      %dma_start3A_52 = tpu.memref_squeeze %dma_start3A_51 : memref<1x128x128xf32, #tpu.memory_space<hbm>> -> memref<128x128xf32, #tpu.memory_space<hbm>>
      tpu.enqueue_dma source(%arg8 : memref<128x128xf32, #tpu.memory_space<vmem>>) target(%dma_start3A_52 : memref<128x128xf32, #tpu.memory_space<hbm>>) target_semaphore(%run_scoped3A : memref<!tpu.dma_semaphore, #tpu.memory_space<semaphore_mem>>)
      %dma_wait3A = arith.constant 0 : i32
      %dma_wait3A_53 = tpu.memref_slice %arg6[%arg0, %add3A_39, %dma_wait3A] : memref<2x10240x128xf32, #tpu.memory_space<hbm>> -> memref<1x128x128xf32, #tpu.memory_space<hbm>>
      %dma_wait3A_54 = tpu.memref_squeeze %dma_wait3A_53 : memref<1x128x128xf32, #tpu.memory_space<hbm>> -> memref<128x128xf32, #tpu.memory_space<hbm>>
      %dma_wait3A_55 = arith.constant 0 : i32
      %dma_wait3A_56 = tpu.memref_slice %arg6[%arg0, %add3A_39, %dma_wait3A_55] : memref<2x10240x128xf32, #tpu.memory_space<hbm>> -> memref<1x128x128xf32, #tpu.memory_space<hbm>>
      %dma_wait3A_57 = tpu.memref_squeeze %dma_wait3A_56 : memref<1x128x128xf32, #tpu.memory_space<hbm>> -> memref<128x128xf32, #tpu.memory_space<hbm>>
      tpu.wait_dma2 semaphore(%run_scoped3A : memref<!tpu.dma_semaphore, #tpu.memory_space<semaphore_mem>>) src(%arg8 : memref<128x128xf32, #tpu.memory_space<vmem>>) dst(%dma_wait3A_57 : memref<128x128xf32, #tpu.memory_space<hbm>>)
      tpu.yield
    }) : () -> ()
    %add3A_40 = arith.constant 128 : i32
    %add3A_41 = arith.addi %mul3A_2, %add3A_40 : i32
    "tpu.region"() ({
      %run_scoped3A = tpu.sem_alloc : memref<!tpu.dma_semaphore, #tpu.memory_space<semaphore_mem>>
      %dma_start3A = arith.constant 0 : i32
      %dma_start3A_48 = tpu.memref_slice %arg7[%add3A_41, %dma_start3A] : memref<10240x128xf32, #tpu.memory_space<vmem_shared>> -> memref<128x128xf32, #tpu.memory_space<vmem_shared>>
      %dma_start3A_49 = arith.constant 0 : i32
      %dma_start3A_50 = tpu.memref_slice %arg7[%add3A_41, %dma_start3A_49] : memref<10240x128xf32, #tpu.memory_space<vmem_shared>> -> memref<128x128xf32, #tpu.memory_space<vmem_shared>>
      tpu.enqueue_dma source(%dma_start3A_50 : memref<128x128xf32, #tpu.memory_space<vmem_shared>>) target(%arg8 : memref<128x128xf32, #tpu.memory_space<vmem>>) target_semaphore(%run_scoped3A : memref<!tpu.dma_semaphore, #tpu.memory_space<semaphore_mem>>)
      %dma_wait3A = arith.constant 0 : i32
      %dma_wait3A_51 = tpu.memref_slice %arg7[%add3A_41, %dma_wait3A] : memref<10240x128xf32, #tpu.memory_space<vmem_shared>> -> memref<128x128xf32, #tpu.memory_space<vmem_shared>>
      %dma_wait3A_52 = arith.constant 0 : i32
      %dma_wait3A_53 = tpu.memref_slice %arg7[%add3A_41, %dma_wait3A_52] : memref<10240x128xf32, #tpu.memory_space<vmem_shared>> -> memref<128x128xf32, #tpu.memory_space<vmem_shared>>
      tpu.wait_dma2 semaphore(%run_scoped3A : memref<!tpu.dma_semaphore, #tpu.memory_space<semaphore_mem>>) src(%dma_wait3A_53 : memref<128x128xf32, #tpu.memory_space<vmem_shared>>) dst(%arg8 : memref<128x128xf32, #tpu.memory_space<vmem>>)
      tpu.yield
    }) : () -> ()
    "tpu.region"() ({
      %run_scoped3A = tpu.sem_alloc : memref<!tpu.dma_semaphore, #tpu.memory_space<semaphore_mem>>
      %dma_start3A = arith.constant 0 : i32
      %dma_start3A_48 = tpu.memref_slice %arg6[%arg0, %add3A_41, %dma_start3A] : memref<2x10240x128xf32, #tpu.memory_space<hbm>> -> memref<1x128x128xf32, #tpu.memory_space<hbm>>
      %dma_start3A_49 = tpu.memref_squeeze %dma_start3A_48 : memref<1x128x128xf32, #tpu.memory_space<hbm>> -> memref<128x128xf32, #tpu.memory_space<hbm>>
      %dma_start3A_50 = arith.constant 0 : i32
      %dma_start3A_51 = tpu.memref_slice %arg6[%arg0, %add3A_41, %dma_start3A_50] : memref<2x10240x128xf32, #tpu.memory_space<hbm>> -> memref<1x128x128xf32, #tpu.memory_space<hbm>>
      %dma_start3A_52 = tpu.memref_squeeze %dma_start3A_51 : memref<1x128x128xf32, #tpu.memory_space<hbm>> -> memref<128x128xf32, #tpu.memory_space<hbm>>
      tpu.enqueue_dma source(%arg8 : memref<128x128xf32, #tpu.memory_space<vmem>>) target(%dma_start3A_52 : memref<128x128xf32, #tpu.memory_space<hbm>>) target_semaphore(%run_scoped3A : memref<!tpu.dma_semaphore, #tpu.memory_space<semaphore_mem>>)
      %dma_wait3A = arith.constant 0 : i32
      %dma_wait3A_53 = tpu.memref_slice %arg6[%arg0, %add3A_41, %dma_wait3A] : memref<2x10240x128xf32, #tpu.memory_space<hbm>> -> memref<1x128x128xf32, #tpu.memory_space<hbm>>
      %dma_wait3A_54 = tpu.memref_squeeze %dma_wait3A_53 : memref<1x128x128xf32, #tpu.memory_space<hbm>> -> memref<128x128xf32, #tpu.memory_space<hbm>>
      %dma_wait3A_55 = arith.constant 0 : i32
      %dma_wait3A_56 = tpu.memref_slice %arg6[%arg0, %add3A_41, %dma_wait3A_55] : memref<2x10240x128xf32, #tpu.memory_space<hbm>> -> memref<1x128x128xf32, #tpu.memory_space<hbm>>
      %dma_wait3A_57 = tpu.memref_squeeze %dma_wait3A_56 : memref<1x128x128xf32, #tpu.memory_space<hbm>> -> memref<128x128xf32, #tpu.memory_space<hbm>>
      tpu.wait_dma2 semaphore(%run_scoped3A : memref<!tpu.dma_semaphore, #tpu.memory_space<semaphore_mem>>) src(%arg8 : memref<128x128xf32, #tpu.memory_space<vmem>>) dst(%dma_wait3A_57 : memref<128x128xf32, #tpu.memory_space<hbm>>)
      tpu.yield
    }) : () -> ()
    %add3A_42 = arith.constant 256 : i32
    %add3A_43 = arith.addi %mul3A_2, %add3A_42 : i32
    "tpu.region"() ({
      %run_scoped3A = tpu.sem_alloc : memref<!tpu.dma_semaphore, #tpu.memory_space<semaphore_mem>>
      %dma_start3A = arith.constant 0 : i32
      %dma_start3A_48 = tpu.memref_slice %arg7[%add3A_43, %dma_start3A] : memref<10240x128xf32, #tpu.memory_space<vmem_shared>> -> memref<128x128xf32, #tpu.memory_space<vmem_shared>>
      %dma_start3A_49 = arith.constant 0 : i32
      %dma_start3A_50 = tpu.memref_slice %arg7[%add3A_43, %dma_start3A_49] : memref<10240x128xf32, #tpu.memory_space<vmem_shared>> -> memref<128x128xf32, #tpu.memory_space<vmem_shared>>
      tpu.enqueue_dma source(%dma_start3A_50 : memref<128x128xf32, #tpu.memory_space<vmem_shared>>) target(%arg8 : memref<128x128xf32, #tpu.memory_space<vmem>>) target_semaphore(%run_scoped3A : memref<!tpu.dma_semaphore, #tpu.memory_space<semaphore_mem>>)
      %dma_wait3A = arith.constant 0 : i32
      %dma_wait3A_51 = tpu.memref_slice %arg7[%add3A_43, %dma_wait3A] : memref<10240x128xf32, #tpu.memory_space<vmem_shared>> -> memref<128x128xf32, #tpu.memory_space<vmem_shared>>
      %dma_wait3A_52 = arith.constant 0 : i32
      %dma_wait3A_53 = tpu.memref_slice %arg7[%add3A_43, %dma_wait3A_52] : memref<10240x128xf32, #tpu.memory_space<vmem_shared>> -> memref<128x128xf32, #tpu.memory_space<vmem_shared>>
      tpu.wait_dma2 semaphore(%run_scoped3A : memref<!tpu.dma_semaphore, #tpu.memory_space<semaphore_mem>>) src(%dma_wait3A_53 : memref<128x128xf32, #tpu.memory_space<vmem_shared>>) dst(%arg8 : memref<128x128xf32, #tpu.memory_space<vmem>>)
      tpu.yield
    }) : () -> ()
    "tpu.region"() ({
      %run_scoped3A = tpu.sem_alloc : memref<!tpu.dma_semaphore, #tpu.memory_space<semaphore_mem>>
      %dma_start3A = arith.constant 0 : i32
      %dma_start3A_48 = tpu.memref_slice %arg6[%arg0, %add3A_43, %dma_start3A] : memref<2x10240x128xf32, #tpu.memory_space<hbm>> -> memref<1x128x128xf32, #tpu.memory_space<hbm>>
      %dma_start3A_49 = tpu.memref_squeeze %dma_start3A_48 : memref<1x128x128xf32, #tpu.memory_space<hbm>> -> memref<128x128xf32, #tpu.memory_space<hbm>>
      %dma_start3A_50 = arith.constant 0 : i32
      %dma_start3A_51 = tpu.memref_slice %arg6[%arg0, %add3A_43, %dma_start3A_50] : memref<2x10240x128xf32, #tpu.memory_space<hbm>> -> memref<1x128x128xf32, #tpu.memory_space<hbm>>
      %dma_start3A_52 = tpu.memref_squeeze %dma_start3A_51 : memref<1x128x128xf32, #tpu.memory_space<hbm>> -> memref<128x128xf32, #tpu.memory_space<hbm>>
      tpu.enqueue_dma source(%arg8 : memref<128x128xf32, #tpu.memory_space<vmem>>) target(%dma_start3A_52 : memref<128x128xf32, #tpu.memory_space<hbm>>) target_semaphore(%run_scoped3A : memref<!tpu.dma_semaphore, #tpu.memory_space<semaphore_mem>>)
      %dma_wait3A = arith.constant 0 : i32
      %dma_wait3A_53 = tpu.memref_slice %arg6[%arg0, %add3A_43, %dma_wait3A] : memref<2x10240x128xf32, #tpu.memory_space<hbm>> -> memref<1x128x128xf32, #tpu.memory_space<hbm>>
      %dma_wait3A_54 = tpu.memref_squeeze %dma_wait3A_53 : memref<1x128x128xf32, #tpu.memory_space<hbm>> -> memref<128x128xf32, #tpu.memory_space<hbm>>
      %dma_wait3A_55 = arith.constant 0 : i32
      %dma_wait3A_56 = tpu.memref_slice %arg6[%arg0, %add3A_43, %dma_wait3A_55] : memref<2x10240x128xf32, #tpu.memory_space<hbm>> -> memref<1x128x128xf32, #tpu.memory_space<hbm>>
      %dma_wait3A_57 = tpu.memref_squeeze %dma_wait3A_56 : memref<1x128x128xf32, #tpu.memory_space<hbm>> -> memref<128x128xf32, #tpu.memory_space<hbm>>
      tpu.wait_dma2 semaphore(%run_scoped3A : memref<!tpu.dma_semaphore, #tpu.memory_space<semaphore_mem>>) src(%arg8 : memref<128x128xf32, #tpu.memory_space<vmem>>) dst(%dma_wait3A_57 : memref<128x128xf32, #tpu.memory_space<hbm>>)
      tpu.yield
    }) : () -> ()
    %add3A_44 = arith.constant 384 : i32
    %add3A_45 = arith.addi %mul3A_2, %add3A_44 : i32
    "tpu.region"() ({
      %run_scoped3A = tpu.sem_alloc : memref<!tpu.dma_semaphore, #tpu.memory_space<semaphore_mem>>
      %dma_start3A = arith.constant 0 : i32
      %dma_start3A_48 = tpu.memref_slice %arg7[%add3A_45, %dma_start3A] : memref<10240x128xf32, #tpu.memory_space<vmem_shared>> -> memref<128x128xf32, #tpu.memory_space<vmem_shared>>
      %dma_start3A_49 = arith.constant 0 : i32
      %dma_start3A_50 = tpu.memref_slice %arg7[%add3A_45, %dma_start3A_49] : memref<10240x128xf32, #tpu.memory_space<vmem_shared>> -> memref<128x128xf32, #tpu.memory_space<vmem_shared>>
      tpu.enqueue_dma source(%dma_start3A_50 : memref<128x128xf32, #tpu.memory_space<vmem_shared>>) target(%arg8 : memref<128x128xf32, #tpu.memory_space<vmem>>) target_semaphore(%run_scoped3A : memref<!tpu.dma_semaphore, #tpu.memory_space<semaphore_mem>>)
      %dma_wait3A = arith.constant 0 : i32
      %dma_wait3A_51 = tpu.memref_slice %arg7[%add3A_45, %dma_wait3A] : memref<10240x128xf32, #tpu.memory_space<vmem_shared>> -> memref<128x128xf32, #tpu.memory_space<vmem_shared>>
      %dma_wait3A_52 = arith.constant 0 : i32
      %dma_wait3A_53 = tpu.memref_slice %arg7[%add3A_45, %dma_wait3A_52] : memref<10240x128xf32, #tpu.memory_space<vmem_shared>> -> memref<128x128xf32, #tpu.memory_space<vmem_shared>>
      tpu.wait_dma2 semaphore(%run_scoped3A : memref<!tpu.dma_semaphore, #tpu.memory_space<semaphore_mem>>) src(%dma_wait3A_53 : memref<128x128xf32, #tpu.memory_space<vmem_shared>>) dst(%arg8 : memref<128x128xf32, #tpu.memory_space<vmem>>)
      tpu.yield
    }) : () -> ()
    "tpu.region"() ({
      %run_scoped3A = tpu.sem_alloc : memref<!tpu.dma_semaphore, #tpu.memory_space<semaphore_mem>>
      %dma_start3A = arith.constant 0 : i32
      %dma_start3A_48 = tpu.memref_slice %arg6[%arg0, %add3A_45, %dma_start3A] : memref<2x10240x128xf32, #tpu.memory_space<hbm>> -> memref<1x128x128xf32, #tpu.memory_space<hbm>>
      %dma_start3A_49 = tpu.memref_squeeze %dma_start3A_48 : memref<1x128x128xf32, #tpu.memory_space<hbm>> -> memref<128x128xf32, #tpu.memory_space<hbm>>
      %dma_start3A_50 = arith.constant 0 : i32
      %dma_start3A_51 = tpu.memref_slice %arg6[%arg0, %add3A_45, %dma_start3A_50] : memref<2x10240x128xf32, #tpu.memory_space<hbm>> -> memref<1x128x128xf32, #tpu.memory_space<hbm>>
      %dma_start3A_52 = tpu.memref_squeeze %dma_start3A_51 : memref<1x128x128xf32, #tpu.memory_space<hbm>> -> memref<128x128xf32, #tpu.memory_space<hbm>>
      tpu.enqueue_dma source(%arg8 : memref<128x128xf32, #tpu.memory_space<vmem>>) target(%dma_start3A_52 : memref<128x128xf32, #tpu.memory_space<hbm>>) target_semaphore(%run_scoped3A : memref<!tpu.dma_semaphore, #tpu.memory_space<semaphore_mem>>)
      %dma_wait3A = arith.constant 0 : i32
      %dma_wait3A_53 = tpu.memref_slice %arg6[%arg0, %add3A_45, %dma_wait3A] : memref<2x10240x128xf32, #tpu.memory_space<hbm>> -> memref<1x128x128xf32, #tpu.memory_space<hbm>>
      %dma_wait3A_54 = tpu.memref_squeeze %dma_wait3A_53 : memref<1x128x128xf32, #tpu.memory_space<hbm>> -> memref<128x128xf32, #tpu.memory_space<hbm>>
      %dma_wait3A_55 = arith.constant 0 : i32
      %dma_wait3A_56 = tpu.memref_slice %arg6[%arg0, %add3A_45, %dma_wait3A_55] : memref<2x10240x128xf32, #tpu.memory_space<hbm>> -> memref<1x128x128xf32, #tpu.memory_space<hbm>>
      %dma_wait3A_57 = tpu.memref_squeeze %dma_wait3A_56 : memref<1x128x128xf32, #tpu.memory_space<hbm>> -> memref<128x128xf32, #tpu.memory_space<hbm>>
      tpu.wait_dma2 semaphore(%run_scoped3A : memref<!tpu.dma_semaphore, #tpu.memory_space<semaphore_mem>>) src(%arg8 : memref<128x128xf32, #tpu.memory_space<vmem>>) dst(%dma_wait3A_57 : memref<128x128xf32, #tpu.memory_space<hbm>>)
      tpu.yield
    }) : () -> ()
    %add3A_46 = arith.constant 512 : i32
    %add3A_47 = arith.addi %mul3A_2, %add3A_46 : i32
    "tpu.region"() ({
      %run_scoped3A = tpu.sem_alloc : memref<!tpu.dma_semaphore, #tpu.memory_space<semaphore_mem>>
      %dma_start3A = arith.constant 0 : i32
      %dma_start3A_48 = tpu.memref_slice %arg7[%add3A_47, %dma_start3A] : memref<10240x128xf32, #tpu.memory_space<vmem_shared>> -> memref<128x128xf32, #tpu.memory_space<vmem_shared>>
      %dma_start3A_49 = arith.constant 0 : i32
      %dma_start3A_50 = tpu.memref_slice %arg7[%add3A_47, %dma_start3A_49] : memref<10240x128xf32, #tpu.memory_space<vmem_shared>> -> memref<128x128xf32, #tpu.memory_space<vmem_shared>>
      tpu.enqueue_dma source(%dma_start3A_50 : memref<128x128xf32, #tpu.memory_space<vmem_shared>>) target(%arg8 : memref<128x128xf32, #tpu.memory_space<vmem>>) target_semaphore(%run_scoped3A : memref<!tpu.dma_semaphore, #tpu.memory_space<semaphore_mem>>)
      %dma_wait3A = arith.constant 0 : i32
      %dma_wait3A_51 = tpu.memref_slice %arg7[%add3A_47, %dma_wait3A] : memref<10240x128xf32, #tpu.memory_space<vmem_shared>> -> memref<128x128xf32, #tpu.memory_space<vmem_shared>>
      %dma_wait3A_52 = arith.constant 0 : i32
      %dma_wait3A_53 = tpu.memref_slice %arg7[%add3A_47, %dma_wait3A_52] : memref<10240x128xf32, #tpu.memory_space<vmem_shared>> -> memref<128x128xf32, #tpu.memory_space<vmem_shared>>
      tpu.wait_dma2 semaphore(%run_scoped3A : memref<!tpu.dma_semaphore, #tpu.memory_space<semaphore_mem>>) src(%dma_wait3A_53 : memref<128x128xf32, #tpu.memory_space<vmem_shared>>) dst(%arg8 : memref<128x128xf32, #tpu.memory_space<vmem>>)
      tpu.yield
    }) : () -> ()
    "tpu.region"() ({
      %run_scoped3A = tpu.sem_alloc : memref<!tpu.dma_semaphore, #tpu.memory_space<semaphore_mem>>
      %dma_start3A = arith.constant 0 : i32
      %dma_start3A_48 = tpu.memref_slice %arg6[%arg0, %add3A_47, %dma_start3A] : memref<2x10240x128xf32, #tpu.memory_space<hbm>> -> memref<1x128x128xf32, #tpu.memory_space<hbm>>
      %dma_start3A_49 = tpu.memref_squeeze %dma_start3A_48 : memref<1x128x128xf32, #tpu.memory_space<hbm>> -> memref<128x128xf32, #tpu.memory_space<hbm>>
      %dma_start3A_50 = arith.constant 0 : i32
      %dma_start3A_51 = tpu.memref_slice %arg6[%arg0, %add3A_47, %dma_start3A_50] : memref<2x10240x128xf32, #tpu.memory_space<hbm>> -> memref<1x128x128xf32, #tpu.memory_space<hbm>>
      %dma_start3A_52 = tpu.memref_squeeze %dma_start3A_51 : memref<1x128x128xf32, #tpu.memory_space<hbm>> -> memref<128x128xf32, #tpu.memory_space<hbm>>
      tpu.enqueue_dma source(%arg8 : memref<128x128xf32, #tpu.memory_space<vmem>>) target(%dma_start3A_52 : memref<128x128xf32, #tpu.memory_space<hbm>>) target_semaphore(%run_scoped3A : memref<!tpu.dma_semaphore, #tpu.memory_space<semaphore_mem>>)
      %dma_wait3A = arith.constant 0 : i32
      %dma_wait3A_53 = tpu.memref_slice %arg6[%arg0, %add3A_47, %dma_wait3A] : memref<2x10240x128xf32, #tpu.memory_space<hbm>> -> memref<1x128x128xf32, #tpu.memory_space<hbm>>
      %dma_wait3A_54 = tpu.memref_squeeze %dma_wait3A_53 : memref<1x128x128xf32, #tpu.memory_space<hbm>> -> memref<128x128xf32, #tpu.memory_space<hbm>>
      %dma_wait3A_55 = arith.constant 0 : i32
      %dma_wait3A_56 = tpu.memref_slice %arg6[%arg0, %add3A_47, %dma_wait3A_55] : memref<2x10240x128xf32, #tpu.memory_space<hbm>> -> memref<1x128x128xf32, #tpu.memory_space<hbm>>
      %dma_wait3A_57 = tpu.memref_squeeze %dma_wait3A_56 : memref<1x128x128xf32, #tpu.memory_space<hbm>> -> memref<128x128xf32, #tpu.memory_space<hbm>>
      tpu.wait_dma2 semaphore(%run_scoped3A : memref<!tpu.dma_semaphore, #tpu.memory_space<semaphore_mem>>) src(%arg8 : memref<128x128xf32, #tpu.memory_space<vmem>>) dst(%dma_wait3A_57 : memref<128x128xf32, #tpu.memory_space<hbm>>)
      tpu.yield
    }) : () -> ()
    return
  }
}

#map = affine_map<(d0, d1) -> (0, 0)>
#map1 = affine_map<(d0, d1) -> (0, 0, 0)>
module attributes {stable_mosaic.version = 14 : i64} {
  func.func @k(%arg0: i32, %arg1: i32, %arg2: memref<10240x128xf32, #tpu.memory_space<hbm>>, %arg3: memref<2x320000xi32, #tpu.memory_space<hbm>>, %arg4: memref<128x128xf32, #tpu.memory_space<hbm>>, %arg5: memref<2x10240x128xf32, #tpu.memory_space<hbm>>, %arg6: memref<10240x128xf32, #tpu.memory_space<vmem_shared>>, %arg7: memref<128x128xf32, #tpu.memory_space<vmem>>, %arg8: memref<!tpu.dma_semaphore, #tpu.memory_space<semaphore_mem>>, %arg9: memref<128xi32, #tpu.memory_space<vmem>>, %arg10: memref<128xi32, #tpu.memory_space<vmem>>) attributes {dimension_semantics = [#tpu.dimension_semantics<core_parallel>, #tpu.dimension_semantics<subcore_parallel>], iteration_bounds = array<i64: 2, 16>, scalar_prefetch = 0 : i64, scratch_operands = 5 : i64, tpu.core_type = #tpu.core_type<sc_vector_subcore>, window_params = [{transform_indices = #map}, {transform_indices = #map}, {transform_indices = #map}, {transform_indices = #map1}]} {
    %mul3A = arith.constant 16 : i32
    %mul3A_0 = arith.muli %arg0, %mul3A : i32
    %add3A = arith.addi %mul3A_0, %arg1 : i32
    %mul3A_1 = arith.constant 640 : i32
    %mul3A_2 = arith.muli %arg1, %mul3A_1 : i32
    "tpu.region"() ({
      %run_scoped3A = tpu.sem_alloc : memref<!tpu.dma_semaphore, #tpu.memory_space<semaphore_mem>>
      tpu.enqueue_dma source(%arg4 : memref<128x128xf32, #tpu.memory_space<hbm>>) target(%arg7 : memref<128x128xf32, #tpu.memory_space<vmem>>) target_semaphore(%run_scoped3A : memref<!tpu.dma_semaphore, #tpu.memory_space<semaphore_mem>>)
      tpu.wait_dma2 semaphore(%run_scoped3A : memref<!tpu.dma_semaphore, #tpu.memory_space<semaphore_mem>>) src(%arg4 : memref<128x128xf32, #tpu.memory_space<hbm>>) dst(%arg7 : memref<128x128xf32, #tpu.memory_space<vmem>>)
      tpu.yield
    }) : () -> ()
    %add3A_3 = arith.constant 0 : i32
    %add3A_4 = arith.addi %mul3A_2, %add3A_3 : i32
    "tpu.region"() ({
      %run_scoped3A = tpu.sem_alloc : memref<!tpu.dma_semaphore, #tpu.memory_space<semaphore_mem>>
      %dma_start3A = arith.constant 0 : i32
      %dma_start3A_48 = tpu.memref_slice %arg6[%add3A_4, %dma_start3A] : memref<10240x128xf32, #tpu.memory_space<vmem_shared>> -> memref<128x128xf32, #tpu.memory_space<vmem_shared>>
      %dma_start3A_49 = arith.constant 0 : i32
      %dma_start3A_50 = tpu.memref_slice %arg6[%add3A_4, %dma_start3A_49] : memref<10240x128xf32, #tpu.memory_space<vmem_shared>> -> memref<128x128xf32, #tpu.memory_space<vmem_shared>>
      tpu.enqueue_dma source(%arg7 : memref<128x128xf32, #tpu.memory_space<vmem>>) target(%dma_start3A_50 : memref<128x128xf32, #tpu.memory_space<vmem_shared>>) target_semaphore(%run_scoped3A : memref<!tpu.dma_semaphore, #tpu.memory_space<semaphore_mem>>)
      %dma_wait3A = arith.constant 0 : i32
      %dma_wait3A_51 = tpu.memref_slice %arg6[%add3A_4, %dma_wait3A] : memref<10240x128xf32, #tpu.memory_space<vmem_shared>> -> memref<128x128xf32, #tpu.memory_space<vmem_shared>>
      %dma_wait3A_52 = arith.constant 0 : i32
      %dma_wait3A_53 = tpu.memref_slice %arg6[%add3A_4, %dma_wait3A_52] : memref<10240x128xf32, #tpu.memory_space<vmem_shared>> -> memref<128x128xf32, #tpu.memory_space<vmem_shared>>
      tpu.wait_dma2 semaphore(%run_scoped3A : memref<!tpu.dma_semaphore, #tpu.memory_space<semaphore_mem>>) src(%arg7 : memref<128x128xf32, #tpu.memory_space<vmem>>) dst(%dma_wait3A_53 : memref<128x128xf32, #tpu.memory_space<vmem_shared>>)
      tpu.yield
    }) : () -> ()
    %add3A_5 = arith.constant 128 : i32
    %add3A_6 = arith.addi %mul3A_2, %add3A_5 : i32
    "tpu.region"() ({
      %run_scoped3A = tpu.sem_alloc : memref<!tpu.dma_semaphore, #tpu.memory_space<semaphore_mem>>
      %dma_start3A = arith.constant 0 : i32
      %dma_start3A_48 = tpu.memref_slice %arg6[%add3A_6, %dma_start3A] : memref<10240x128xf32, #tpu.memory_space<vmem_shared>> -> memref<128x128xf32, #tpu.memory_space<vmem_shared>>
      %dma_start3A_49 = arith.constant 0 : i32
      %dma_start3A_50 = tpu.memref_slice %arg6[%add3A_6, %dma_start3A_49] : memref<10240x128xf32, #tpu.memory_space<vmem_shared>> -> memref<128x128xf32, #tpu.memory_space<vmem_shared>>
      tpu.enqueue_dma source(%arg7 : memref<128x128xf32, #tpu.memory_space<vmem>>) target(%dma_start3A_50 : memref<128x128xf32, #tpu.memory_space<vmem_shared>>) target_semaphore(%run_scoped3A : memref<!tpu.dma_semaphore, #tpu.memory_space<semaphore_mem>>)
      %dma_wait3A = arith.constant 0 : i32
      %dma_wait3A_51 = tpu.memref_slice %arg6[%add3A_6, %dma_wait3A] : memref<10240x128xf32, #tpu.memory_space<vmem_shared>> -> memref<128x128xf32, #tpu.memory_space<vmem_shared>>
      %dma_wait3A_52 = arith.constant 0 : i32
      %dma_wait3A_53 = tpu.memref_slice %arg6[%add3A_6, %dma_wait3A_52] : memref<10240x128xf32, #tpu.memory_space<vmem_shared>> -> memref<128x128xf32, #tpu.memory_space<vmem_shared>>
      tpu.wait_dma2 semaphore(%run_scoped3A : memref<!tpu.dma_semaphore, #tpu.memory_space<semaphore_mem>>) src(%arg7 : memref<128x128xf32, #tpu.memory_space<vmem>>) dst(%dma_wait3A_53 : memref<128x128xf32, #tpu.memory_space<vmem_shared>>)
      tpu.yield
    }) : () -> ()
    %add3A_7 = arith.constant 256 : i32
    %add3A_8 = arith.addi %mul3A_2, %add3A_7 : i32
    "tpu.region"() ({
      %run_scoped3A = tpu.sem_alloc : memref<!tpu.dma_semaphore, #tpu.memory_space<semaphore_mem>>
      %dma_start3A = arith.constant 0 : i32
      %dma_start3A_48 = tpu.memref_slice %arg6[%add3A_8, %dma_start3A] : memref<10240x128xf32, #tpu.memory_space<vmem_shared>> -> memref<128x128xf32, #tpu.memory_space<vmem_shared>>
      %dma_start3A_49 = arith.constant 0 : i32
      %dma_start3A_50 = tpu.memref_slice %arg6[%add3A_8, %dma_start3A_49] : memref<10240x128xf32, #tpu.memory_space<vmem_shared>> -> memref<128x128xf32, #tpu.memory_space<vmem_shared>>
      tpu.enqueue_dma source(%arg7 : memref<128x128xf32, #tpu.memory_space<vmem>>) target(%dma_start3A_50 : memref<128x128xf32, #tpu.memory_space<vmem_shared>>) target_semaphore(%run_scoped3A : memref<!tpu.dma_semaphore, #tpu.memory_space<semaphore_mem>>)
      %dma_wait3A = arith.constant 0 : i32
      %dma_wait3A_51 = tpu.memref_slice %arg6[%add3A_8, %dma_wait3A] : memref<10240x128xf32, #tpu.memory_space<vmem_shared>> -> memref<128x128xf32, #tpu.memory_space<vmem_shared>>
      %dma_wait3A_52 = arith.constant 0 : i32
      %dma_wait3A_53 = tpu.memref_slice %arg6[%add3A_8, %dma_wait3A_52] : memref<10240x128xf32, #tpu.memory_space<vmem_shared>> -> memref<128x128xf32, #tpu.memory_space<vmem_shared>>
      tpu.wait_dma2 semaphore(%run_scoped3A : memref<!tpu.dma_semaphore, #tpu.memory_space<semaphore_mem>>) src(%arg7 : memref<128x128xf32, #tpu.memory_space<vmem>>) dst(%dma_wait3A_53 : memref<128x128xf32, #tpu.memory_space<vmem_shared>>)
      tpu.yield
    }) : () -> ()
    %add3A_9 = arith.constant 384 : i32
    %add3A_10 = arith.addi %mul3A_2, %add3A_9 : i32
    "tpu.region"() ({
      %run_scoped3A = tpu.sem_alloc : memref<!tpu.dma_semaphore, #tpu.memory_space<semaphore_mem>>
      %dma_start3A = arith.constant 0 : i32
      %dma_start3A_48 = tpu.memref_slice %arg6[%add3A_10, %dma_start3A] : memref<10240x128xf32, #tpu.memory_space<vmem_shared>> -> memref<128x128xf32, #tpu.memory_space<vmem_shared>>
      %dma_start3A_49 = arith.constant 0 : i32
      %dma_start3A_50 = tpu.memref_slice %arg6[%add3A_10, %dma_start3A_49] : memref<10240x128xf32, #tpu.memory_space<vmem_shared>> -> memref<128x128xf32, #tpu.memory_space<vmem_shared>>
      tpu.enqueue_dma source(%arg7 : memref<128x128xf32, #tpu.memory_space<vmem>>) target(%dma_start3A_50 : memref<128x128xf32, #tpu.memory_space<vmem_shared>>) target_semaphore(%run_scoped3A : memref<!tpu.dma_semaphore, #tpu.memory_space<semaphore_mem>>)
      %dma_wait3A = arith.constant 0 : i32
      %dma_wait3A_51 = tpu.memref_slice %arg6[%add3A_10, %dma_wait3A] : memref<10240x128xf32, #tpu.memory_space<vmem_shared>> -> memref<128x128xf32, #tpu.memory_space<vmem_shared>>
      %dma_wait3A_52 = arith.constant 0 : i32
      %dma_wait3A_53 = tpu.memref_slice %arg6[%add3A_10, %dma_wait3A_52] : memref<10240x128xf32, #tpu.memory_space<vmem_shared>> -> memref<128x128xf32, #tpu.memory_space<vmem_shared>>
      tpu.wait_dma2 semaphore(%run_scoped3A : memref<!tpu.dma_semaphore, #tpu.memory_space<semaphore_mem>>) src(%arg7 : memref<128x128xf32, #tpu.memory_space<vmem>>) dst(%dma_wait3A_53 : memref<128x128xf32, #tpu.memory_space<vmem_shared>>)
      tpu.yield
    }) : () -> ()
    %add3A_11 = arith.constant 512 : i32
    %add3A_12 = arith.addi %mul3A_2, %add3A_11 : i32
    "tpu.region"() ({
      %run_scoped3A = tpu.sem_alloc : memref<!tpu.dma_semaphore, #tpu.memory_space<semaphore_mem>>
      %dma_start3A = arith.constant 0 : i32
      %dma_start3A_48 = tpu.memref_slice %arg6[%add3A_12, %dma_start3A] : memref<10240x128xf32, #tpu.memory_space<vmem_shared>> -> memref<128x128xf32, #tpu.memory_space<vmem_shared>>
      %dma_start3A_49 = arith.constant 0 : i32
      %dma_start3A_50 = tpu.memref_slice %arg6[%add3A_12, %dma_start3A_49] : memref<10240x128xf32, #tpu.memory_space<vmem_shared>> -> memref<128x128xf32, #tpu.memory_space<vmem_shared>>
      tpu.enqueue_dma source(%arg7 : memref<128x128xf32, #tpu.memory_space<vmem>>) target(%dma_start3A_50 : memref<128x128xf32, #tpu.memory_space<vmem_shared>>) target_semaphore(%run_scoped3A : memref<!tpu.dma_semaphore, #tpu.memory_space<semaphore_mem>>)
      %dma_wait3A = arith.constant 0 : i32
      %dma_wait3A_51 = tpu.memref_slice %arg6[%add3A_12, %dma_wait3A] : memref<10240x128xf32, #tpu.memory_space<vmem_shared>> -> memref<128x128xf32, #tpu.memory_space<vmem_shared>>
      %dma_wait3A_52 = arith.constant 0 : i32
      %dma_wait3A_53 = tpu.memref_slice %arg6[%add3A_12, %dma_wait3A_52] : memref<10240x128xf32, #tpu.memory_space<vmem_shared>> -> memref<128x128xf32, #tpu.memory_space<vmem_shared>>
      tpu.wait_dma2 semaphore(%run_scoped3A : memref<!tpu.dma_semaphore, #tpu.memory_space<semaphore_mem>>) src(%arg7 : memref<128x128xf32, #tpu.memory_space<vmem>>) dst(%dma_wait3A_53 : memref<128x128xf32, #tpu.memory_space<vmem_shared>>)
      tpu.yield
    }) : () -> ()
    %barrier3A = arith.constant 0 : index
    tpu.barrier barrier_id(%barrier3A)
    %lt3A = arith.constant 4 : i32
    %lt3A_13 = arith.cmpi slt, %add3A, %lt3A : i32
    %jit3A = arith.constant 1 : i32
    %jit3A_14 = arith.constant 0 : i32
    %select_n3A = arith.select %lt3A_13, %jit3A, %jit3A_14 : i32
    %add3A_15 = arith.constant 78 : i32
    %add3A_16 = arith.addi %add3A_15, %select_n3A : i32
    %mul3A_17 = arith.constant 78 : i32
    %mul3A_18 = arith.muli %add3A, %mul3A_17 : i32
    %min3A = arith.constant 4 : i32
    %min3A_19 = arith.minsi %add3A, %min3A : i32
    %add3A_20 = arith.addi %mul3A_18, %min3A_19 : i32
    %sub3A = arith.constant 0 : i32
    %sub3A_21 = arith.subi %add3A_16, %sub3A : i32
    %sub3A_22 = arith.constant 1 : i32
    %sub3A_23 = arith.constant 1 : i32
    %sub3A_24 = arith.subi %sub3A_22, %sub3A_23 : i32
    %add3A_25 = arith.addi %sub3A_21, %sub3A_24 : i32
    %div3A = arith.constant 1 : i32
    %div3A_26 = arith.divsi %add3A_25, %div3A : i32
    %while3A = arith.constant 1 : i32
    %while3A_27 = arith.constant 0 : i32
    %while3A_28 = arith.constant 0 : i32
    %while3A_29 = arith.subi %div3A_26, %while3A_28 : i32
    %while3A_30 = arith.addi %while3A_28, %while3A_29 : i32
    %while3A_31 = arith.constant 1 : i32
    %while3A_32 = arith.divsi %while3A_29, %while3A_31 : i32
    %while3A_33 = arith.muli %while3A_32, %while3A_31 : i32
    %while3A_34 = arith.addi %while3A_28, %while3A_33 : i32
    %while3A_35 = arith.constant 1 : i32
    scf.for %while3A_48 = %while3A_28 to %while3A_34 step %while3A_35  : i32 {
      %mul3A_49 = arith.muli %while3A_48, %while3A : i32
      %add3A_50 = arith.addi %while3A_27, %mul3A_49 : i32
      %add3A_51 = arith.addi %add3A_20, %add3A_50 : i32
      %mul3A_52 = arith.constant 128 : i32
      %mul3A_53 = arith.muli %add3A_51, %mul3A_52 : i32
      %run_scoped3A = arith.constant 0 : i32
      "tpu.region"() ({
        %run_scoped3A_59 = tpu.sem_alloc : memref<!tpu.dma_semaphore, #tpu.memory_space<semaphore_mem>>
        %dma_start3A_60 = tpu.memref_slice %arg3[%run_scoped3A, %mul3A_53] : memref<2x320000xi32, #tpu.memory_space<hbm>> -> memref<1x128xi32, #tpu.memory_space<hbm>>
        %dma_start3A_61 = tpu.memref_squeeze %dma_start3A_60 : memref<1x128xi32, #tpu.memory_space<hbm>> -> memref<128xi32, #tpu.memory_space<hbm>>
        %dma_start3A_62 = tpu.memref_slice %arg3[%run_scoped3A, %mul3A_53] : memref<2x320000xi32, #tpu.memory_space<hbm>> -> memref<1x128xi32, #tpu.memory_space<hbm>>
        %dma_start3A_63 = tpu.memref_squeeze %dma_start3A_62 : memref<1x128xi32, #tpu.memory_space<hbm>> -> memref<128xi32, #tpu.memory_space<hbm>>
        tpu.enqueue_dma source(%dma_start3A_63 : memref<128xi32, #tpu.memory_space<hbm>>) target(%arg9 : memref<128xi32, #tpu.memory_space<vmem>>) target_semaphore(%run_scoped3A_59 : memref<!tpu.dma_semaphore, #tpu.memory_space<semaphore_mem>>)
        %dma_wait3A_64 = tpu.memref_slice %arg3[%run_scoped3A, %mul3A_53] : memref<2x320000xi32, #tpu.memory_space<hbm>> -> memref<1x128xi32, #tpu.memory_space<hbm>>
        %dma_wait3A_65 = tpu.memref_squeeze %dma_wait3A_64 : memref<1x128xi32, #tpu.memory_space<hbm>> -> memref<128xi32, #tpu.memory_space<hbm>>
        %dma_wait3A_66 = tpu.memref_slice %arg3[%run_scoped3A, %mul3A_53] : memref<2x320000xi32, #tpu.memory_space<hbm>> -> memref<1x128xi32, #tpu.memory_space<hbm>>
        %dma_wait3A_67 = tpu.memref_squeeze %dma_wait3A_66 : memref<1x128xi32, #tpu.memory_space<hbm>> -> memref<128xi32, #tpu.memory_space<hbm>>
        tpu.wait_dma2 semaphore(%run_scoped3A_59 : memref<!tpu.dma_semaphore, #tpu.memory_space<semaphore_mem>>) src(%dma_wait3A_67 : memref<128xi32, #tpu.memory_space<hbm>>) dst(%arg9 : memref<128xi32, #tpu.memory_space<vmem>>)
        tpu.yield
      }) : () -> ()
      %run_scoped3A_54 = arith.constant 1 : i32
      "tpu.region"() ({
        %run_scoped3A_59 = tpu.sem_alloc : memref<!tpu.dma_semaphore, #tpu.memory_space<semaphore_mem>>
        %dma_start3A_60 = tpu.memref_slice %arg3[%run_scoped3A_54, %mul3A_53] : memref<2x320000xi32, #tpu.memory_space<hbm>> -> memref<1x128xi32, #tpu.memory_space<hbm>>
        %dma_start3A_61 = tpu.memref_squeeze %dma_start3A_60 : memref<1x128xi32, #tpu.memory_space<hbm>> -> memref<128xi32, #tpu.memory_space<hbm>>
        %dma_start3A_62 = tpu.memref_slice %arg3[%run_scoped3A_54, %mul3A_53] : memref<2x320000xi32, #tpu.memory_space<hbm>> -> memref<1x128xi32, #tpu.memory_space<hbm>>
        %dma_start3A_63 = tpu.memref_squeeze %dma_start3A_62 : memref<1x128xi32, #tpu.memory_space<hbm>> -> memref<128xi32, #tpu.memory_space<hbm>>
        tpu.enqueue_dma source(%dma_start3A_63 : memref<128xi32, #tpu.memory_space<hbm>>) target(%arg10 : memref<128xi32, #tpu.memory_space<vmem>>) target_semaphore(%run_scoped3A_59 : memref<!tpu.dma_semaphore, #tpu.memory_space<semaphore_mem>>)
        %dma_wait3A_64 = tpu.memref_slice %arg3[%run_scoped3A_54, %mul3A_53] : memref<2x320000xi32, #tpu.memory_space<hbm>> -> memref<1x128xi32, #tpu.memory_space<hbm>>
        %dma_wait3A_65 = tpu.memref_squeeze %dma_wait3A_64 : memref<1x128xi32, #tpu.memory_space<hbm>> -> memref<128xi32, #tpu.memory_space<hbm>>
        %dma_wait3A_66 = tpu.memref_slice %arg3[%run_scoped3A_54, %mul3A_53] : memref<2x320000xi32, #tpu.memory_space<hbm>> -> memref<1x128xi32, #tpu.memory_space<hbm>>
        %dma_wait3A_67 = tpu.memref_squeeze %dma_wait3A_66 : memref<1x128xi32, #tpu.memory_space<hbm>> -> memref<128xi32, #tpu.memory_space<hbm>>
        tpu.wait_dma2 semaphore(%run_scoped3A_59 : memref<!tpu.dma_semaphore, #tpu.memory_space<semaphore_mem>>) src(%dma_wait3A_67 : memref<128xi32, #tpu.memory_space<hbm>>) dst(%arg10 : memref<128xi32, #tpu.memory_space<vmem>>)
        tpu.yield
      }) : () -> ()
      %dma_start3A = arith.constant 0 : i32
      %dma_start3A_55 = arith.constant 0 : i32
      %dma_start3A_56 = tpu.memref_slice %arg2[%dma_start3A, %dma_start3A_55] : memref<10240x128xf32, #tpu.memory_space<hbm>> -> memref<10240x128xf32, #tpu.memory_space<hbm>>
      tpu.enqueue_indirect_dma source(%dma_start3A_56 : memref<10240x128xf32, #tpu.memory_space<hbm>>) target(%arg7 : memref<128x128xf32, #tpu.memory_space<vmem>>) offsets(%arg9 : memref<128xi32, #tpu.memory_space<vmem>>) semaphore(%arg8 : memref<!tpu.dma_semaphore, #tpu.memory_space<semaphore_mem>>)
      %dma_wait3A = arith.constant 0 : i32
      %dma_wait3A_57 = arith.constant 0 : i32
      %dma_wait3A_58 = tpu.memref_slice %arg2[%dma_wait3A, %dma_wait3A_57] : memref<10240x128xf32, #tpu.memory_space<hbm>> -> memref<10240x128xf32, #tpu.memory_space<hbm>>
      tpu.wait_indirect_dma semaphore(%arg8 : memref<!tpu.dma_semaphore, #tpu.memory_space<semaphore_mem>>) src(%dma_wait3A_58 : memref<10240x128xf32, #tpu.memory_space<hbm>>) dst(%arg7 : memref<128x128xf32, #tpu.memory_space<vmem>>)
      "tpu.region"() ({
        %run_scoped3A_59 = tpu.sem_alloc : memref<!tpu.dma_semaphore, #tpu.memory_space<semaphore_mem>>
        %dma_start3A_60 = arith.constant 0 : i32
        %dma_start3A_61 = arith.constant 0 : i32
        %dma_start3A_62 = tpu.memref_slice %arg6[%dma_start3A_60, %dma_start3A_61] : memref<10240x128xf32, #tpu.memory_space<vmem_shared>> -> memref<10240x128xf32, #tpu.memory_space<vmem_shared>>
        tpu.enqueue_indirect_dma source(%arg7 : memref<128x128xf32, #tpu.memory_space<vmem>>) target(%dma_start3A_62 : memref<10240x128xf32, #tpu.memory_space<vmem_shared>>) offsets(%arg10 : memref<128xi32, #tpu.memory_space<vmem>>) semaphore(%run_scoped3A_59 : memref<!tpu.dma_semaphore, #tpu.memory_space<semaphore_mem>>) {add = true}
        %dma_wait3A_63 = arith.constant 0 : i32
        %dma_wait3A_64 = arith.constant 0 : i32
        %dma_wait3A_65 = tpu.memref_slice %arg6[%dma_wait3A_63, %dma_wait3A_64] : memref<10240x128xf32, #tpu.memory_space<vmem_shared>> -> memref<10240x128xf32, #tpu.memory_space<vmem_shared>>
        tpu.wait_indirect_dma semaphore(%run_scoped3A_59 : memref<!tpu.dma_semaphore, #tpu.memory_space<semaphore_mem>>) src(%arg7 : memref<128x128xf32, #tpu.memory_space<vmem>>) dst(%dma_wait3A_65 : memref<10240x128xf32, #tpu.memory_space<vmem_shared>>)
        tpu.yield
      }) : () -> ()
    }
    %while3A_36 = arith.constant 1 : i32
    scf.for %while3A_48 = %while3A_34 to %while3A_30 step %while3A_36  : i32 {
      %mul3A_49 = arith.muli %while3A_48, %while3A : i32
      %add3A_50 = arith.addi %while3A_27, %mul3A_49 : i32
      %add3A_51 = arith.addi %add3A_20, %add3A_50 : i32
      %mul3A_52 = arith.constant 128 : i32
      %mul3A_53 = arith.muli %add3A_51, %mul3A_52 : i32
      %run_scoped3A = arith.constant 0 : i32
      "tpu.region"() ({
        %run_scoped3A_59 = tpu.sem_alloc : memref<!tpu.dma_semaphore, #tpu.memory_space<semaphore_mem>>
        %dma_start3A_60 = tpu.memref_slice %arg3[%run_scoped3A, %mul3A_53] : memref<2x320000xi32, #tpu.memory_space<hbm>> -> memref<1x128xi32, #tpu.memory_space<hbm>>
        %dma_start3A_61 = tpu.memref_squeeze %dma_start3A_60 : memref<1x128xi32, #tpu.memory_space<hbm>> -> memref<128xi32, #tpu.memory_space<hbm>>
        %dma_start3A_62 = tpu.memref_slice %arg3[%run_scoped3A, %mul3A_53] : memref<2x320000xi32, #tpu.memory_space<hbm>> -> memref<1x128xi32, #tpu.memory_space<hbm>>
        %dma_start3A_63 = tpu.memref_squeeze %dma_start3A_62 : memref<1x128xi32, #tpu.memory_space<hbm>> -> memref<128xi32, #tpu.memory_space<hbm>>
        tpu.enqueue_dma source(%dma_start3A_63 : memref<128xi32, #tpu.memory_space<hbm>>) target(%arg9 : memref<128xi32, #tpu.memory_space<vmem>>) target_semaphore(%run_scoped3A_59 : memref<!tpu.dma_semaphore, #tpu.memory_space<semaphore_mem>>)
        %dma_wait3A_64 = tpu.memref_slice %arg3[%run_scoped3A, %mul3A_53] : memref<2x320000xi32, #tpu.memory_space<hbm>> -> memref<1x128xi32, #tpu.memory_space<hbm>>
        %dma_wait3A_65 = tpu.memref_squeeze %dma_wait3A_64 : memref<1x128xi32, #tpu.memory_space<hbm>> -> memref<128xi32, #tpu.memory_space<hbm>>
        %dma_wait3A_66 = tpu.memref_slice %arg3[%run_scoped3A, %mul3A_53] : memref<2x320000xi32, #tpu.memory_space<hbm>> -> memref<1x128xi32, #tpu.memory_space<hbm>>
        %dma_wait3A_67 = tpu.memref_squeeze %dma_wait3A_66 : memref<1x128xi32, #tpu.memory_space<hbm>> -> memref<128xi32, #tpu.memory_space<hbm>>
        tpu.wait_dma2 semaphore(%run_scoped3A_59 : memref<!tpu.dma_semaphore, #tpu.memory_space<semaphore_mem>>) src(%dma_wait3A_67 : memref<128xi32, #tpu.memory_space<hbm>>) dst(%arg9 : memref<128xi32, #tpu.memory_space<vmem>>)
        tpu.yield
      }) : () -> ()
      %run_scoped3A_54 = arith.constant 1 : i32
      "tpu.region"() ({
        %run_scoped3A_59 = tpu.sem_alloc : memref<!tpu.dma_semaphore, #tpu.memory_space<semaphore_mem>>
        %dma_start3A_60 = tpu.memref_slice %arg3[%run_scoped3A_54, %mul3A_53] : memref<2x320000xi32, #tpu.memory_space<hbm>> -> memref<1x128xi32, #tpu.memory_space<hbm>>
        %dma_start3A_61 = tpu.memref_squeeze %dma_start3A_60 : memref<1x128xi32, #tpu.memory_space<hbm>> -> memref<128xi32, #tpu.memory_space<hbm>>
        %dma_start3A_62 = tpu.memref_slice %arg3[%run_scoped3A_54, %mul3A_53] : memref<2x320000xi32, #tpu.memory_space<hbm>> -> memref<1x128xi32, #tpu.memory_space<hbm>>
        %dma_start3A_63 = tpu.memref_squeeze %dma_start3A_62 : memref<1x128xi32, #tpu.memory_space<hbm>> -> memref<128xi32, #tpu.memory_space<hbm>>
        tpu.enqueue_dma source(%dma_start3A_63 : memref<128xi32, #tpu.memory_space<hbm>>) target(%arg10 : memref<128xi32, #tpu.memory_space<vmem>>) target_semaphore(%run_scoped3A_59 : memref<!tpu.dma_semaphore, #tpu.memory_space<semaphore_mem>>)
        %dma_wait3A_64 = tpu.memref_slice %arg3[%run_scoped3A_54, %mul3A_53] : memref<2x320000xi32, #tpu.memory_space<hbm>> -> memref<1x128xi32, #tpu.memory_space<hbm>>
        %dma_wait3A_65 = tpu.memref_squeeze %dma_wait3A_64 : memref<1x128xi32, #tpu.memory_space<hbm>> -> memref<128xi32, #tpu.memory_space<hbm>>
        %dma_wait3A_66 = tpu.memref_slice %arg3[%run_scoped3A_54, %mul3A_53] : memref<2x320000xi32, #tpu.memory_space<hbm>> -> memref<1x128xi32, #tpu.memory_space<hbm>>
        %dma_wait3A_67 = tpu.memref_squeeze %dma_wait3A_66 : memref<1x128xi32, #tpu.memory_space<hbm>> -> memref<128xi32, #tpu.memory_space<hbm>>
        tpu.wait_dma2 semaphore(%run_scoped3A_59 : memref<!tpu.dma_semaphore, #tpu.memory_space<semaphore_mem>>) src(%dma_wait3A_67 : memref<128xi32, #tpu.memory_space<hbm>>) dst(%arg10 : memref<128xi32, #tpu.memory_space<vmem>>)
        tpu.yield
      }) : () -> ()
      %dma_start3A = arith.constant 0 : i32
      %dma_start3A_55 = arith.constant 0 : i32
      %dma_start3A_56 = tpu.memref_slice %arg2[%dma_start3A, %dma_start3A_55] : memref<10240x128xf32, #tpu.memory_space<hbm>> -> memref<10240x128xf32, #tpu.memory_space<hbm>>
      tpu.enqueue_indirect_dma source(%dma_start3A_56 : memref<10240x128xf32, #tpu.memory_space<hbm>>) target(%arg7 : memref<128x128xf32, #tpu.memory_space<vmem>>) offsets(%arg9 : memref<128xi32, #tpu.memory_space<vmem>>) semaphore(%arg8 : memref<!tpu.dma_semaphore, #tpu.memory_space<semaphore_mem>>)
      %dma_wait3A = arith.constant 0 : i32
      %dma_wait3A_57 = arith.constant 0 : i32
      %dma_wait3A_58 = tpu.memref_slice %arg2[%dma_wait3A, %dma_wait3A_57] : memref<10240x128xf32, #tpu.memory_space<hbm>> -> memref<10240x128xf32, #tpu.memory_space<hbm>>
      tpu.wait_indirect_dma semaphore(%arg8 : memref<!tpu.dma_semaphore, #tpu.memory_space<semaphore_mem>>) src(%dma_wait3A_58 : memref<10240x128xf32, #tpu.memory_space<hbm>>) dst(%arg7 : memref<128x128xf32, #tpu.memory_space<vmem>>)
      "tpu.region"() ({
        %run_scoped3A_59 = tpu.sem_alloc : memref<!tpu.dma_semaphore, #tpu.memory_space<semaphore_mem>>
        %dma_start3A_60 = arith.constant 0 : i32
        %dma_start3A_61 = arith.constant 0 : i32
        %dma_start3A_62 = tpu.memref_slice %arg6[%dma_start3A_60, %dma_start3A_61] : memref<10240x128xf32, #tpu.memory_space<vmem_shared>> -> memref<10240x128xf32, #tpu.memory_space<vmem_shared>>
        tpu.enqueue_indirect_dma source(%arg7 : memref<128x128xf32, #tpu.memory_space<vmem>>) target(%dma_start3A_62 : memref<10240x128xf32, #tpu.memory_space<vmem_shared>>) offsets(%arg10 : memref<128xi32, #tpu.memory_space<vmem>>) semaphore(%run_scoped3A_59 : memref<!tpu.dma_semaphore, #tpu.memory_space<semaphore_mem>>) {add = true}
        %dma_wait3A_63 = arith.constant 0 : i32
        %dma_wait3A_64 = arith.constant 0 : i32
        %dma_wait3A_65 = tpu.memref_slice %arg6[%dma_wait3A_63, %dma_wait3A_64] : memref<10240x128xf32, #tpu.memory_space<vmem_shared>> -> memref<10240x128xf32, #tpu.memory_space<vmem_shared>>
        tpu.wait_indirect_dma semaphore(%run_scoped3A_59 : memref<!tpu.dma_semaphore, #tpu.memory_space<semaphore_mem>>) src(%arg7 : memref<128x128xf32, #tpu.memory_space<vmem>>) dst(%dma_wait3A_65 : memref<10240x128xf32, #tpu.memory_space<vmem_shared>>)
        tpu.yield
      }) : () -> ()
    }
    %barrier3A_37 = arith.constant 0 : index
    tpu.barrier barrier_id(%barrier3A_37)
    %add3A_38 = arith.constant 0 : i32
    %add3A_39 = arith.addi %mul3A_2, %add3A_38 : i32
    "tpu.region"() ({
      %run_scoped3A = tpu.sem_alloc : memref<!tpu.dma_semaphore, #tpu.memory_space<semaphore_mem>>
      %dma_start3A = arith.constant 0 : i32
      %dma_start3A_48 = tpu.memref_slice %arg6[%add3A_39, %dma_start3A] : memref<10240x128xf32, #tpu.memory_space<vmem_shared>> -> memref<128x128xf32, #tpu.memory_space<vmem_shared>>
      %dma_start3A_49 = arith.constant 0 : i32
      %dma_start3A_50 = tpu.memref_slice %arg6[%add3A_39, %dma_start3A_49] : memref<10240x128xf32, #tpu.memory_space<vmem_shared>> -> memref<128x128xf32, #tpu.memory_space<vmem_shared>>
      tpu.enqueue_dma source(%dma_start3A_50 : memref<128x128xf32, #tpu.memory_space<vmem_shared>>) target(%arg7 : memref<128x128xf32, #tpu.memory_space<vmem>>) target_semaphore(%run_scoped3A : memref<!tpu.dma_semaphore, #tpu.memory_space<semaphore_mem>>)
      %dma_wait3A = arith.constant 0 : i32
      %dma_wait3A_51 = tpu.memref_slice %arg6[%add3A_39, %dma_wait3A] : memref<10240x128xf32, #tpu.memory_space<vmem_shared>> -> memref<128x128xf32, #tpu.memory_space<vmem_shared>>
      %dma_wait3A_52 = arith.constant 0 : i32
      %dma_wait3A_53 = tpu.memref_slice %arg6[%add3A_39, %dma_wait3A_52] : memref<10240x128xf32, #tpu.memory_space<vmem_shared>> -> memref<128x128xf32, #tpu.memory_space<vmem_shared>>
      tpu.wait_dma2 semaphore(%run_scoped3A : memref<!tpu.dma_semaphore, #tpu.memory_space<semaphore_mem>>) src(%dma_wait3A_53 : memref<128x128xf32, #tpu.memory_space<vmem_shared>>) dst(%arg7 : memref<128x128xf32, #tpu.memory_space<vmem>>)
      tpu.yield
    }) : () -> ()
    "tpu.region"() ({
      %run_scoped3A = tpu.sem_alloc : memref<!tpu.dma_semaphore, #tpu.memory_space<semaphore_mem>>
      %dma_start3A = arith.constant 0 : i32
      %dma_start3A_48 = tpu.memref_slice %arg5[%arg0, %add3A_39, %dma_start3A] : memref<2x10240x128xf32, #tpu.memory_space<hbm>> -> memref<1x128x128xf32, #tpu.memory_space<hbm>>
      %dma_start3A_49 = tpu.memref_squeeze %dma_start3A_48 : memref<1x128x128xf32, #tpu.memory_space<hbm>> -> memref<128x128xf32, #tpu.memory_space<hbm>>
      %dma_start3A_50 = arith.constant 0 : i32
      %dma_start3A_51 = tpu.memref_slice %arg5[%arg0, %add3A_39, %dma_start3A_50] : memref<2x10240x128xf32, #tpu.memory_space<hbm>> -> memref<1x128x128xf32, #tpu.memory_space<hbm>>
      %dma_start3A_52 = tpu.memref_squeeze %dma_start3A_51 : memref<1x128x128xf32, #tpu.memory_space<hbm>> -> memref<128x128xf32, #tpu.memory_space<hbm>>
      tpu.enqueue_dma source(%arg7 : memref<128x128xf32, #tpu.memory_space<vmem>>) target(%dma_start3A_52 : memref<128x128xf32, #tpu.memory_space<hbm>>) target_semaphore(%run_scoped3A : memref<!tpu.dma_semaphore, #tpu.memory_space<semaphore_mem>>)
      %dma_wait3A = arith.constant 0 : i32
      %dma_wait3A_53 = tpu.memref_slice %arg5[%arg0, %add3A_39, %dma_wait3A] : memref<2x10240x128xf32, #tpu.memory_space<hbm>> -> memref<1x128x128xf32, #tpu.memory_space<hbm>>
      %dma_wait3A_54 = tpu.memref_squeeze %dma_wait3A_53 : memref<1x128x128xf32, #tpu.memory_space<hbm>> -> memref<128x128xf32, #tpu.memory_space<hbm>>
      %dma_wait3A_55 = arith.constant 0 : i32
      %dma_wait3A_56 = tpu.memref_slice %arg5[%arg0, %add3A_39, %dma_wait3A_55] : memref<2x10240x128xf32, #tpu.memory_space<hbm>> -> memref<1x128x128xf32, #tpu.memory_space<hbm>>
      %dma_wait3A_57 = tpu.memref_squeeze %dma_wait3A_56 : memref<1x128x128xf32, #tpu.memory_space<hbm>> -> memref<128x128xf32, #tpu.memory_space<hbm>>
      tpu.wait_dma2 semaphore(%run_scoped3A : memref<!tpu.dma_semaphore, #tpu.memory_space<semaphore_mem>>) src(%arg7 : memref<128x128xf32, #tpu.memory_space<vmem>>) dst(%dma_wait3A_57 : memref<128x128xf32, #tpu.memory_space<hbm>>)
      tpu.yield
    }) : () -> ()
    %add3A_40 = arith.constant 128 : i32
    %add3A_41 = arith.addi %mul3A_2, %add3A_40 : i32
    "tpu.region"() ({
      %run_scoped3A = tpu.sem_alloc : memref<!tpu.dma_semaphore, #tpu.memory_space<semaphore_mem>>
      %dma_start3A = arith.constant 0 : i32
      %dma_start3A_48 = tpu.memref_slice %arg6[%add3A_41, %dma_start3A] : memref<10240x128xf32, #tpu.memory_space<vmem_shared>> -> memref<128x128xf32, #tpu.memory_space<vmem_shared>>
      %dma_start3A_49 = arith.constant 0 : i32
      %dma_start3A_50 = tpu.memref_slice %arg6[%add3A_41, %dma_start3A_49] : memref<10240x128xf32, #tpu.memory_space<vmem_shared>> -> memref<128x128xf32, #tpu.memory_space<vmem_shared>>
      tpu.enqueue_dma source(%dma_start3A_50 : memref<128x128xf32, #tpu.memory_space<vmem_shared>>) target(%arg7 : memref<128x128xf32, #tpu.memory_space<vmem>>) target_semaphore(%run_scoped3A : memref<!tpu.dma_semaphore, #tpu.memory_space<semaphore_mem>>)
      %dma_wait3A = arith.constant 0 : i32
      %dma_wait3A_51 = tpu.memref_slice %arg6[%add3A_41, %dma_wait3A] : memref<10240x128xf32, #tpu.memory_space<vmem_shared>> -> memref<128x128xf32, #tpu.memory_space<vmem_shared>>
      %dma_wait3A_52 = arith.constant 0 : i32
      %dma_wait3A_53 = tpu.memref_slice %arg6[%add3A_41, %dma_wait3A_52] : memref<10240x128xf32, #tpu.memory_space<vmem_shared>> -> memref<128x128xf32, #tpu.memory_space<vmem_shared>>
      tpu.wait_dma2 semaphore(%run_scoped3A : memref<!tpu.dma_semaphore, #tpu.memory_space<semaphore_mem>>) src(%dma_wait3A_53 : memref<128x128xf32, #tpu.memory_space<vmem_shared>>) dst(%arg7 : memref<128x128xf32, #tpu.memory_space<vmem>>)
      tpu.yield
    }) : () -> ()
    "tpu.region"() ({
      %run_scoped3A = tpu.sem_alloc : memref<!tpu.dma_semaphore, #tpu.memory_space<semaphore_mem>>
      %dma_start3A = arith.constant 0 : i32
      %dma_start3A_48 = tpu.memref_slice %arg5[%arg0, %add3A_41, %dma_start3A] : memref<2x10240x128xf32, #tpu.memory_space<hbm>> -> memref<1x128x128xf32, #tpu.memory_space<hbm>>
      %dma_start3A_49 = tpu.memref_squeeze %dma_start3A_48 : memref<1x128x128xf32, #tpu.memory_space<hbm>> -> memref<128x128xf32, #tpu.memory_space<hbm>>
      %dma_start3A_50 = arith.constant 0 : i32
      %dma_start3A_51 = tpu.memref_slice %arg5[%arg0, %add3A_41, %dma_start3A_50] : memref<2x10240x128xf32, #tpu.memory_space<hbm>> -> memref<1x128x128xf32, #tpu.memory_space<hbm>>
      %dma_start3A_52 = tpu.memref_squeeze %dma_start3A_51 : memref<1x128x128xf32, #tpu.memory_space<hbm>> -> memref<128x128xf32, #tpu.memory_space<hbm>>
      tpu.enqueue_dma source(%arg7 : memref<128x128xf32, #tpu.memory_space<vmem>>) target(%dma_start3A_52 : memref<128x128xf32, #tpu.memory_space<hbm>>) target_semaphore(%run_scoped3A : memref<!tpu.dma_semaphore, #tpu.memory_space<semaphore_mem>>)
      %dma_wait3A = arith.constant 0 : i32
      %dma_wait3A_53 = tpu.memref_slice %arg5[%arg0, %add3A_41, %dma_wait3A] : memref<2x10240x128xf32, #tpu.memory_space<hbm>> -> memref<1x128x128xf32, #tpu.memory_space<hbm>>
      %dma_wait3A_54 = tpu.memref_squeeze %dma_wait3A_53 : memref<1x128x128xf32, #tpu.memory_space<hbm>> -> memref<128x128xf32, #tpu.memory_space<hbm>>
      %dma_wait3A_55 = arith.constant 0 : i32
      %dma_wait3A_56 = tpu.memref_slice %arg5[%arg0, %add3A_41, %dma_wait3A_55] : memref<2x10240x128xf32, #tpu.memory_space<hbm>> -> memref<1x128x128xf32, #tpu.memory_space<hbm>>
      %dma_wait3A_57 = tpu.memref_squeeze %dma_wait3A_56 : memref<1x128x128xf32, #tpu.memory_space<hbm>> -> memref<128x128xf32, #tpu.memory_space<hbm>>
      tpu.wait_dma2 semaphore(%run_scoped3A : memref<!tpu.dma_semaphore, #tpu.memory_space<semaphore_mem>>) src(%arg7 : memref<128x128xf32, #tpu.memory_space<vmem>>) dst(%dma_wait3A_57 : memref<128x128xf32, #tpu.memory_space<hbm>>)
      tpu.yield
    }) : () -> ()
    %add3A_42 = arith.constant 256 : i32
    %add3A_43 = arith.addi %mul3A_2, %add3A_42 : i32
    "tpu.region"() ({
      %run_scoped3A = tpu.sem_alloc : memref<!tpu.dma_semaphore, #tpu.memory_space<semaphore_mem>>
      %dma_start3A = arith.constant 0 : i32
      %dma_start3A_48 = tpu.memref_slice %arg6[%add3A_43, %dma_start3A] : memref<10240x128xf32, #tpu.memory_space<vmem_shared>> -> memref<128x128xf32, #tpu.memory_space<vmem_shared>>
      %dma_start3A_49 = arith.constant 0 : i32
      %dma_start3A_50 = tpu.memref_slice %arg6[%add3A_43, %dma_start3A_49] : memref<10240x128xf32, #tpu.memory_space<vmem_shared>> -> memref<128x128xf32, #tpu.memory_space<vmem_shared>>
      tpu.enqueue_dma source(%dma_start3A_50 : memref<128x128xf32, #tpu.memory_space<vmem_shared>>) target(%arg7 : memref<128x128xf32, #tpu.memory_space<vmem>>) target_semaphore(%run_scoped3A : memref<!tpu.dma_semaphore, #tpu.memory_space<semaphore_mem>>)
      %dma_wait3A = arith.constant 0 : i32
      %dma_wait3A_51 = tpu.memref_slice %arg6[%add3A_43, %dma_wait3A] : memref<10240x128xf32, #tpu.memory_space<vmem_shared>> -> memref<128x128xf32, #tpu.memory_space<vmem_shared>>
      %dma_wait3A_52 = arith.constant 0 : i32
      %dma_wait3A_53 = tpu.memref_slice %arg6[%add3A_43, %dma_wait3A_52] : memref<10240x128xf32, #tpu.memory_space<vmem_shared>> -> memref<128x128xf32, #tpu.memory_space<vmem_shared>>
      tpu.wait_dma2 semaphore(%run_scoped3A : memref<!tpu.dma_semaphore, #tpu.memory_space<semaphore_mem>>) src(%dma_wait3A_53 : memref<128x128xf32, #tpu.memory_space<vmem_shared>>) dst(%arg7 : memref<128x128xf32, #tpu.memory_space<vmem>>)
      tpu.yield
    }) : () -> ()
    "tpu.region"() ({
      %run_scoped3A = tpu.sem_alloc : memref<!tpu.dma_semaphore, #tpu.memory_space<semaphore_mem>>
      %dma_start3A = arith.constant 0 : i32
      %dma_start3A_48 = tpu.memref_slice %arg5[%arg0, %add3A_43, %dma_start3A] : memref<2x10240x128xf32, #tpu.memory_space<hbm>> -> memref<1x128x128xf32, #tpu.memory_space<hbm>>
      %dma_start3A_49 = tpu.memref_squeeze %dma_start3A_48 : memref<1x128x128xf32, #tpu.memory_space<hbm>> -> memref<128x128xf32, #tpu.memory_space<hbm>>
      %dma_start3A_50 = arith.constant 0 : i32
      %dma_start3A_51 = tpu.memref_slice %arg5[%arg0, %add3A_43, %dma_start3A_50] : memref<2x10240x128xf32, #tpu.memory_space<hbm>> -> memref<1x128x128xf32, #tpu.memory_space<hbm>>
      %dma_start3A_52 = tpu.memref_squeeze %dma_start3A_51 : memref<1x128x128xf32, #tpu.memory_space<hbm>> -> memref<128x128xf32, #tpu.memory_space<hbm>>
      tpu.enqueue_dma source(%arg7 : memref<128x128xf32, #tpu.memory_space<vmem>>) target(%dma_start3A_52 : memref<128x128xf32, #tpu.memory_space<hbm>>) target_semaphore(%run_scoped3A : memref<!tpu.dma_semaphore, #tpu.memory_space<semaphore_mem>>)
      %dma_wait3A = arith.constant 0 : i32
      %dma_wait3A_53 = tpu.memref_slice %arg5[%arg0, %add3A_43, %dma_wait3A] : memref<2x10240x128xf32, #tpu.memory_space<hbm>> -> memref<1x128x128xf32, #tpu.memory_space<hbm>>
      %dma_wait3A_54 = tpu.memref_squeeze %dma_wait3A_53 : memref<1x128x128xf32, #tpu.memory_space<hbm>> -> memref<128x128xf32, #tpu.memory_space<hbm>>
      %dma_wait3A_55 = arith.constant 0 : i32
      %dma_wait3A_56 = tpu.memref_slice %arg5[%arg0, %add3A_43, %dma_wait3A_55] : memref<2x10240x128xf32, #tpu.memory_space<hbm>> -> memref<1x128x128xf32, #tpu.memory_space<hbm>>
      %dma_wait3A_57 = tpu.memref_squeeze %dma_wait3A_56 : memref<1x128x128xf32, #tpu.memory_space<hbm>> -> memref<128x128xf32, #tpu.memory_space<hbm>>
      tpu.wait_dma2 semaphore(%run_scoped3A : memref<!tpu.dma_semaphore, #tpu.memory_space<semaphore_mem>>) src(%arg7 : memref<128x128xf32, #tpu.memory_space<vmem>>) dst(%dma_wait3A_57 : memref<128x128xf32, #tpu.memory_space<hbm>>)
      tpu.yield
    }) : () -> ()
    %add3A_44 = arith.constant 384 : i32
    %add3A_45 = arith.addi %mul3A_2, %add3A_44 : i32
    "tpu.region"() ({
      %run_scoped3A = tpu.sem_alloc : memref<!tpu.dma_semaphore, #tpu.memory_space<semaphore_mem>>
      %dma_start3A = arith.constant 0 : i32
      %dma_start3A_48 = tpu.memref_slice %arg6[%add3A_45, %dma_start3A] : memref<10240x128xf32, #tpu.memory_space<vmem_shared>> -> memref<128x128xf32, #tpu.memory_space<vmem_shared>>
      %dma_start3A_49 = arith.constant 0 : i32
      %dma_start3A_50 = tpu.memref_slice %arg6[%add3A_45, %dma_start3A_49] : memref<10240x128xf32, #tpu.memory_space<vmem_shared>> -> memref<128x128xf32, #tpu.memory_space<vmem_shared>>
      tpu.enqueue_dma source(%dma_start3A_50 : memref<128x128xf32, #tpu.memory_space<vmem_shared>>) target(%arg7 : memref<128x128xf32, #tpu.memory_space<vmem>>) target_semaphore(%run_scoped3A : memref<!tpu.dma_semaphore, #tpu.memory_space<semaphore_mem>>)
      %dma_wait3A = arith.constant 0 : i32
      %dma_wait3A_51 = tpu.memref_slice %arg6[%add3A_45, %dma_wait3A] : memref<10240x128xf32, #tpu.memory_space<vmem_shared>> -> memref<128x128xf32, #tpu.memory_space<vmem_shared>>
      %dma_wait3A_52 = arith.constant 0 : i32
      %dma_wait3A_53 = tpu.memref_slice %arg6[%add3A_45, %dma_wait3A_52] : memref<10240x128xf32, #tpu.memory_space<vmem_shared>> -> memref<128x128xf32, #tpu.memory_space<vmem_shared>>
      tpu.wait_dma2 semaphore(%run_scoped3A : memref<!tpu.dma_semaphore, #tpu.memory_space<semaphore_mem>>) src(%dma_wait3A_53 : memref<128x128xf32, #tpu.memory_space<vmem_shared>>) dst(%arg7 : memref<128x128xf32, #tpu.memory_space<vmem>>)
      tpu.yield
    }) : () -> ()
    "tpu.region"() ({
      %run_scoped3A = tpu.sem_alloc : memref<!tpu.dma_semaphore, #tpu.memory_space<semaphore_mem>>
      %dma_start3A = arith.constant 0 : i32
      %dma_start3A_48 = tpu.memref_slice %arg5[%arg0, %add3A_45, %dma_start3A] : memref<2x10240x128xf32, #tpu.memory_space<hbm>> -> memref<1x128x128xf32, #tpu.memory_space<hbm>>
      %dma_start3A_49 = tpu.memref_squeeze %dma_start3A_48 : memref<1x128x128xf32, #tpu.memory_space<hbm>> -> memref<128x128xf32, #tpu.memory_space<hbm>>
      %dma_start3A_50 = arith.constant 0 : i32
      %dma_start3A_51 = tpu.memref_slice %arg5[%arg0, %add3A_45, %dma_start3A_50] : memref<2x10240x128xf32, #tpu.memory_space<hbm>> -> memref<1x128x128xf32, #tpu.memory_space<hbm>>
      %dma_start3A_52 = tpu.memref_squeeze %dma_start3A_51 : memref<1x128x128xf32, #tpu.memory_space<hbm>> -> memref<128x128xf32, #tpu.memory_space<hbm>>
      tpu.enqueue_dma source(%arg7 : memref<128x128xf32, #tpu.memory_space<vmem>>) target(%dma_start3A_52 : memref<128x128xf32, #tpu.memory_space<hbm>>) target_semaphore(%run_scoped3A : memref<!tpu.dma_semaphore, #tpu.memory_space<semaphore_mem>>)
      %dma_wait3A = arith.constant 0 : i32
      %dma_wait3A_53 = tpu.memref_slice %arg5[%arg0, %add3A_45, %dma_wait3A] : memref<2x10240x128xf32, #tpu.memory_space<hbm>> -> memref<1x128x128xf32, #tpu.memory_space<hbm>>
      %dma_wait3A_54 = tpu.memref_squeeze %dma_wait3A_53 : memref<1x128x128xf32, #tpu.memory_space<hbm>> -> memref<128x128xf32, #tpu.memory_space<hbm>>
      %dma_wait3A_55 = arith.constant 0 : i32
      %dma_wait3A_56 = tpu.memref_slice %arg5[%arg0, %add3A_45, %dma_wait3A_55] : memref<2x10240x128xf32, #tpu.memory_space<hbm>> -> memref<1x128x128xf32, #tpu.memory_space<hbm>>
      %dma_wait3A_57 = tpu.memref_squeeze %dma_wait3A_56 : memref<1x128x128xf32, #tpu.memory_space<hbm>> -> memref<128x128xf32, #tpu.memory_space<hbm>>
      tpu.wait_dma2 semaphore(%run_scoped3A : memref<!tpu.dma_semaphore, #tpu.memory_space<semaphore_mem>>) src(%arg7 : memref<128x128xf32, #tpu.memory_space<vmem>>) dst(%dma_wait3A_57 : memref<128x128xf32, #tpu.memory_space<hbm>>)
      tpu.yield
    }) : () -> ()
    %add3A_46 = arith.constant 512 : i32
    %add3A_47 = arith.addi %mul3A_2, %add3A_46 : i32
    "tpu.region"() ({
      %run_scoped3A = tpu.sem_alloc : memref<!tpu.dma_semaphore, #tpu.memory_space<semaphore_mem>>
      %dma_start3A = arith.constant 0 : i32
      %dma_start3A_48 = tpu.memref_slice %arg6[%add3A_47, %dma_start3A] : memref<10240x128xf32, #tpu.memory_space<vmem_shared>> -> memref<128x128xf32, #tpu.memory_space<vmem_shared>>
      %dma_start3A_49 = arith.constant 0 : i32
      %dma_start3A_50 = tpu.memref_slice %arg6[%add3A_47, %dma_start3A_49] : memref<10240x128xf32, #tpu.memory_space<vmem_shared>> -> memref<128x128xf32, #tpu.memory_space<vmem_shared>>
      tpu.enqueue_dma source(%dma_start3A_50 : memref<128x128xf32, #tpu.memory_space<vmem_shared>>) target(%arg7 : memref<128x128xf32, #tpu.memory_space<vmem>>) target_semaphore(%run_scoped3A : memref<!tpu.dma_semaphore, #tpu.memory_space<semaphore_mem>>)
      %dma_wait3A = arith.constant 0 : i32
      %dma_wait3A_51 = tpu.memref_slice %arg6[%add3A_47, %dma_wait3A] : memref<10240x128xf32, #tpu.memory_space<vmem_shared>> -> memref<128x128xf32, #tpu.memory_space<vmem_shared>>
      %dma_wait3A_52 = arith.constant 0 : i32
      %dma_wait3A_53 = tpu.memref_slice %arg6[%add3A_47, %dma_wait3A_52] : memref<10240x128xf32, #tpu.memory_space<vmem_shared>> -> memref<128x128xf32, #tpu.memory_space<vmem_shared>>
      tpu.wait_dma2 semaphore(%run_scoped3A : memref<!tpu.dma_semaphore, #tpu.memory_space<semaphore_mem>>) src(%dma_wait3A_53 : memref<128x128xf32, #tpu.memory_space<vmem_shared>>) dst(%arg7 : memref<128x128xf32, #tpu.memory_space<vmem>>)
      tpu.yield
    }) : () -> ()
    "tpu.region"() ({
      %run_scoped3A = tpu.sem_alloc : memref<!tpu.dma_semaphore, #tpu.memory_space<semaphore_mem>>
      %dma_start3A = arith.constant 0 : i32
      %dma_start3A_48 = tpu.memref_slice %arg5[%arg0, %add3A_47, %dma_start3A] : memref<2x10240x128xf32, #tpu.memory_space<hbm>> -> memref<1x128x128xf32, #tpu.memory_space<hbm>>
      %dma_start3A_49 = tpu.memref_squeeze %dma_start3A_48 : memref<1x128x128xf32, #tpu.memory_space<hbm>> -> memref<128x128xf32, #tpu.memory_space<hbm>>
      %dma_start3A_50 = arith.constant 0 : i32
      %dma_start3A_51 = tpu.memref_slice %arg5[%arg0, %add3A_47, %dma_start3A_50] : memref<2x10240x128xf32, #tpu.memory_space<hbm>> -> memref<1x128x128xf32, #tpu.memory_space<hbm>>
      %dma_start3A_52 = tpu.memref_squeeze %dma_start3A_51 : memref<1x128x128xf32, #tpu.memory_space<hbm>> -> memref<128x128xf32, #tpu.memory_space<hbm>>
      tpu.enqueue_dma source(%arg7 : memref<128x128xf32, #tpu.memory_space<vmem>>) target(%dma_start3A_52 : memref<128x128xf32, #tpu.memory_space<hbm>>) target_semaphore(%run_scoped3A : memref<!tpu.dma_semaphore, #tpu.memory_space<semaphore_mem>>)
      %dma_wait3A = arith.constant 0 : i32
      %dma_wait3A_53 = tpu.memref_slice %arg5[%arg0, %add3A_47, %dma_wait3A] : memref<2x10240x128xf32, #tpu.memory_space<hbm>> -> memref<1x128x128xf32, #tpu.memory_space<hbm>>
      %dma_wait3A_54 = tpu.memref_squeeze %dma_wait3A_53 : memref<1x128x128xf32, #tpu.memory_space<hbm>> -> memref<128x128xf32, #tpu.memory_space<hbm>>
      %dma_wait3A_55 = arith.constant 0 : i32
      %dma_wait3A_56 = tpu.memref_slice %arg5[%arg0, %add3A_47, %dma_wait3A_55] : memref<2x10240x128xf32, #tpu.memory_space<hbm>> -> memref<1x128x128xf32, #tpu.memory_space<hbm>>
      %dma_wait3A_57 = tpu.memref_squeeze %dma_wait3A_56 : memref<1x128x128xf32, #tpu.memory_space<hbm>> -> memref<128x128xf32, #tpu.memory_space<hbm>>
      tpu.wait_dma2 semaphore(%run_scoped3A : memref<!tpu.dma_semaphore, #tpu.memory_space<semaphore_mem>>) src(%arg7 : memref<128x128xf32, #tpu.memory_space<vmem>>) dst(%dma_wait3A_57 : memref<128x128xf32, #tpu.memory_space<hbm>>)
      tpu.yield
    }) : () -> ()
    return
  }
}

#map = affine_map<(d0, d1) -> (0, 0)>
#map1 = affine_map<(d0, d1) -> (0, 0, 0)>
module attributes {stable_mosaic.version = 14 : i64} {
  func.func @k(%arg0: i32, %arg1: i32, %arg2: memref<10240x128xf32, #tpu.memory_space<hbm>>, %arg3: memref<2x320000xi32, #tpu.memory_space<hbm>>, %arg4: memref<128x128xf32, #tpu.memory_space<hbm>>, %arg5: memref<2x10240x128xf32, #tpu.memory_space<hbm>>, %arg6: memref<10240x128xf32, #tpu.memory_space<vmem_shared>>, %arg7: memref<128x128xf32, #tpu.memory_space<vmem>>, %arg8: memref<!tpu.dma_semaphore, #tpu.memory_space<semaphore_mem>>, %arg9: memref<128xi32, #tpu.memory_space<vmem>>, %arg10: memref<128xi32, #tpu.memory_space<vmem>>) attributes {dimension_semantics = [#tpu.dimension_semantics<core_parallel>, #tpu.dimension_semantics<subcore_parallel>], iteration_bounds = array<i64: 2, 16>, scalar_prefetch = 0 : i64, scratch_operands = 5 : i64, tpu.core_type = #tpu.core_type<sc_vector_subcore>, window_params = [{transform_indices = #map}, {transform_indices = #map}, {transform_indices = #map}, {transform_indices = #map1}]} {
    %mul3A = arith.constant 16 : i32
    %mul3A_0 = arith.muli %arg0, %mul3A : i32
    %add3A = arith.addi %mul3A_0, %arg1 : i32
    %mul3A_1 = arith.constant 640 : i32
    %mul3A_2 = arith.muli %arg1, %mul3A_1 : i32
    "tpu.region"() ({
      %run_scoped3A = tpu.sem_alloc : memref<!tpu.dma_semaphore, #tpu.memory_space<semaphore_mem>>
      tpu.enqueue_dma source(%arg4 : memref<128x128xf32, #tpu.memory_space<hbm>>) target(%arg7 : memref<128x128xf32, #tpu.memory_space<vmem>>) target_semaphore(%run_scoped3A : memref<!tpu.dma_semaphore, #tpu.memory_space<semaphore_mem>>)
      tpu.wait_dma2 semaphore(%run_scoped3A : memref<!tpu.dma_semaphore, #tpu.memory_space<semaphore_mem>>) src(%arg4 : memref<128x128xf32, #tpu.memory_space<hbm>>) dst(%arg7 : memref<128x128xf32, #tpu.memory_space<vmem>>)
      tpu.yield
    }) : () -> ()
    %add3A_3 = arith.constant 0 : i32
    %add3A_4 = arith.addi %mul3A_2, %add3A_3 : i32
    "tpu.region"() ({
      %run_scoped3A = tpu.sem_alloc : memref<!tpu.dma_semaphore, #tpu.memory_space<semaphore_mem>>
      %dma_start3A = arith.constant 0 : i32
      %dma_start3A_48 = tpu.memref_slice %arg6[%add3A_4, %dma_start3A] : memref<10240x128xf32, #tpu.memory_space<vmem_shared>> -> memref<128x128xf32, #tpu.memory_space<vmem_shared>>
      %dma_start3A_49 = arith.constant 0 : i32
      %dma_start3A_50 = tpu.memref_slice %arg6[%add3A_4, %dma_start3A_49] : memref<10240x128xf32, #tpu.memory_space<vmem_shared>> -> memref<128x128xf32, #tpu.memory_space<vmem_shared>>
      tpu.enqueue_dma source(%arg7 : memref<128x128xf32, #tpu.memory_space<vmem>>) target(%dma_start3A_50 : memref<128x128xf32, #tpu.memory_space<vmem_shared>>) target_semaphore(%run_scoped3A : memref<!tpu.dma_semaphore, #tpu.memory_space<semaphore_mem>>)
      %dma_wait3A = arith.constant 0 : i32
      %dma_wait3A_51 = tpu.memref_slice %arg6[%add3A_4, %dma_wait3A] : memref<10240x128xf32, #tpu.memory_space<vmem_shared>> -> memref<128x128xf32, #tpu.memory_space<vmem_shared>>
      %dma_wait3A_52 = arith.constant 0 : i32
      %dma_wait3A_53 = tpu.memref_slice %arg6[%add3A_4, %dma_wait3A_52] : memref<10240x128xf32, #tpu.memory_space<vmem_shared>> -> memref<128x128xf32, #tpu.memory_space<vmem_shared>>
      tpu.wait_dma2 semaphore(%run_scoped3A : memref<!tpu.dma_semaphore, #tpu.memory_space<semaphore_mem>>) src(%arg7 : memref<128x128xf32, #tpu.memory_space<vmem>>) dst(%dma_wait3A_53 : memref<128x128xf32, #tpu.memory_space<vmem_shared>>)
      tpu.yield
    }) : () -> ()
    %add3A_5 = arith.constant 128 : i32
    %add3A_6 = arith.addi %mul3A_2, %add3A_5 : i32
    "tpu.region"() ({
      %run_scoped3A = tpu.sem_alloc : memref<!tpu.dma_semaphore, #tpu.memory_space<semaphore_mem>>
      %dma_start3A = arith.constant 0 : i32
      %dma_start3A_48 = tpu.memref_slice %arg6[%add3A_6, %dma_start3A] : memref<10240x128xf32, #tpu.memory_space<vmem_shared>> -> memref<128x128xf32, #tpu.memory_space<vmem_shared>>
      %dma_start3A_49 = arith.constant 0 : i32
      %dma_start3A_50 = tpu.memref_slice %arg6[%add3A_6, %dma_start3A_49] : memref<10240x128xf32, #tpu.memory_space<vmem_shared>> -> memref<128x128xf32, #tpu.memory_space<vmem_shared>>
      tpu.enqueue_dma source(%arg7 : memref<128x128xf32, #tpu.memory_space<vmem>>) target(%dma_start3A_50 : memref<128x128xf32, #tpu.memory_space<vmem_shared>>) target_semaphore(%run_scoped3A : memref<!tpu.dma_semaphore, #tpu.memory_space<semaphore_mem>>)
      %dma_wait3A = arith.constant 0 : i32
      %dma_wait3A_51 = tpu.memref_slice %arg6[%add3A_6, %dma_wait3A] : memref<10240x128xf32, #tpu.memory_space<vmem_shared>> -> memref<128x128xf32, #tpu.memory_space<vmem_shared>>
      %dma_wait3A_52 = arith.constant 0 : i32
      %dma_wait3A_53 = tpu.memref_slice %arg6[%add3A_6, %dma_wait3A_52] : memref<10240x128xf32, #tpu.memory_space<vmem_shared>> -> memref<128x128xf32, #tpu.memory_space<vmem_shared>>
      tpu.wait_dma2 semaphore(%run_scoped3A : memref<!tpu.dma_semaphore, #tpu.memory_space<semaphore_mem>>) src(%arg7 : memref<128x128xf32, #tpu.memory_space<vmem>>) dst(%dma_wait3A_53 : memref<128x128xf32, #tpu.memory_space<vmem_shared>>)
      tpu.yield
    }) : () -> ()
    %add3A_7 = arith.constant 256 : i32
    %add3A_8 = arith.addi %mul3A_2, %add3A_7 : i32
    "tpu.region"() ({
      %run_scoped3A = tpu.sem_alloc : memref<!tpu.dma_semaphore, #tpu.memory_space<semaphore_mem>>
      %dma_start3A = arith.constant 0 : i32
      %dma_start3A_48 = tpu.memref_slice %arg6[%add3A_8, %dma_start3A] : memref<10240x128xf32, #tpu.memory_space<vmem_shared>> -> memref<128x128xf32, #tpu.memory_space<vmem_shared>>
      %dma_start3A_49 = arith.constant 0 : i32
      %dma_start3A_50 = tpu.memref_slice %arg6[%add3A_8, %dma_start3A_49] : memref<10240x128xf32, #tpu.memory_space<vmem_shared>> -> memref<128x128xf32, #tpu.memory_space<vmem_shared>>
      tpu.enqueue_dma source(%arg7 : memref<128x128xf32, #tpu.memory_space<vmem>>) target(%dma_start3A_50 : memref<128x128xf32, #tpu.memory_space<vmem_shared>>) target_semaphore(%run_scoped3A : memref<!tpu.dma_semaphore, #tpu.memory_space<semaphore_mem>>)
      %dma_wait3A = arith.constant 0 : i32
      %dma_wait3A_51 = tpu.memref_slice %arg6[%add3A_8, %dma_wait3A] : memref<10240x128xf32, #tpu.memory_space<vmem_shared>> -> memref<128x128xf32, #tpu.memory_space<vmem_shared>>
      %dma_wait3A_52 = arith.constant 0 : i32
      %dma_wait3A_53 = tpu.memref_slice %arg6[%add3A_8, %dma_wait3A_52] : memref<10240x128xf32, #tpu.memory_space<vmem_shared>> -> memref<128x128xf32, #tpu.memory_space<vmem_shared>>
      tpu.wait_dma2 semaphore(%run_scoped3A : memref<!tpu.dma_semaphore, #tpu.memory_space<semaphore_mem>>) src(%arg7 : memref<128x128xf32, #tpu.memory_space<vmem>>) dst(%dma_wait3A_53 : memref<128x128xf32, #tpu.memory_space<vmem_shared>>)
      tpu.yield
    }) : () -> ()
    %add3A_9 = arith.constant 384 : i32
    %add3A_10 = arith.addi %mul3A_2, %add3A_9 : i32
    "tpu.region"() ({
      %run_scoped3A = tpu.sem_alloc : memref<!tpu.dma_semaphore, #tpu.memory_space<semaphore_mem>>
      %dma_start3A = arith.constant 0 : i32
      %dma_start3A_48 = tpu.memref_slice %arg6[%add3A_10, %dma_start3A] : memref<10240x128xf32, #tpu.memory_space<vmem_shared>> -> memref<128x128xf32, #tpu.memory_space<vmem_shared>>
      %dma_start3A_49 = arith.constant 0 : i32
      %dma_start3A_50 = tpu.memref_slice %arg6[%add3A_10, %dma_start3A_49] : memref<10240x128xf32, #tpu.memory_space<vmem_shared>> -> memref<128x128xf32, #tpu.memory_space<vmem_shared>>
      tpu.enqueue_dma source(%arg7 : memref<128x128xf32, #tpu.memory_space<vmem>>) target(%dma_start3A_50 : memref<128x128xf32, #tpu.memory_space<vmem_shared>>) target_semaphore(%run_scoped3A : memref<!tpu.dma_semaphore, #tpu.memory_space<semaphore_mem>>)
      %dma_wait3A = arith.constant 0 : i32
      %dma_wait3A_51 = tpu.memref_slice %arg6[%add3A_10, %dma_wait3A] : memref<10240x128xf32, #tpu.memory_space<vmem_shared>> -> memref<128x128xf32, #tpu.memory_space<vmem_shared>>
      %dma_wait3A_52 = arith.constant 0 : i32
      %dma_wait3A_53 = tpu.memref_slice %arg6[%add3A_10, %dma_wait3A_52] : memref<10240x128xf32, #tpu.memory_space<vmem_shared>> -> memref<128x128xf32, #tpu.memory_space<vmem_shared>>
      tpu.wait_dma2 semaphore(%run_scoped3A : memref<!tpu.dma_semaphore, #tpu.memory_space<semaphore_mem>>) src(%arg7 : memref<128x128xf32, #tpu.memory_space<vmem>>) dst(%dma_wait3A_53 : memref<128x128xf32, #tpu.memory_space<vmem_shared>>)
      tpu.yield
    }) : () -> ()
    %add3A_11 = arith.constant 512 : i32
    %add3A_12 = arith.addi %mul3A_2, %add3A_11 : i32
    "tpu.region"() ({
      %run_scoped3A = tpu.sem_alloc : memref<!tpu.dma_semaphore, #tpu.memory_space<semaphore_mem>>
      %dma_start3A = arith.constant 0 : i32
      %dma_start3A_48 = tpu.memref_slice %arg6[%add3A_12, %dma_start3A] : memref<10240x128xf32, #tpu.memory_space<vmem_shared>> -> memref<128x128xf32, #tpu.memory_space<vmem_shared>>
      %dma_start3A_49 = arith.constant 0 : i32
      %dma_start3A_50 = tpu.memref_slice %arg6[%add3A_12, %dma_start3A_49] : memref<10240x128xf32, #tpu.memory_space<vmem_shared>> -> memref<128x128xf32, #tpu.memory_space<vmem_shared>>
      tpu.enqueue_dma source(%arg7 : memref<128x128xf32, #tpu.memory_space<vmem>>) target(%dma_start3A_50 : memref<128x128xf32, #tpu.memory_space<vmem_shared>>) target_semaphore(%run_scoped3A : memref<!tpu.dma_semaphore, #tpu.memory_space<semaphore_mem>>)
      %dma_wait3A = arith.constant 0 : i32
      %dma_wait3A_51 = tpu.memref_slice %arg6[%add3A_12, %dma_wait3A] : memref<10240x128xf32, #tpu.memory_space<vmem_shared>> -> memref<128x128xf32, #tpu.memory_space<vmem_shared>>
      %dma_wait3A_52 = arith.constant 0 : i32
      %dma_wait3A_53 = tpu.memref_slice %arg6[%add3A_12, %dma_wait3A_52] : memref<10240x128xf32, #tpu.memory_space<vmem_shared>> -> memref<128x128xf32, #tpu.memory_space<vmem_shared>>
      tpu.wait_dma2 semaphore(%run_scoped3A : memref<!tpu.dma_semaphore, #tpu.memory_space<semaphore_mem>>) src(%arg7 : memref<128x128xf32, #tpu.memory_space<vmem>>) dst(%dma_wait3A_53 : memref<128x128xf32, #tpu.memory_space<vmem_shared>>)
      tpu.yield
    }) : () -> ()
    %barrier3A = arith.constant 0 : index
    tpu.barrier barrier_id(%barrier3A)
    %lt3A = arith.constant 4 : i32
    %lt3A_13 = arith.cmpi slt, %add3A, %lt3A : i32
    %jit3A = arith.constant 1 : i32
    %jit3A_14 = arith.constant 0 : i32
    %select_n3A = arith.select %lt3A_13, %jit3A, %jit3A_14 : i32
    %add3A_15 = arith.constant 78 : i32
    %add3A_16 = arith.addi %add3A_15, %select_n3A : i32
    %mul3A_17 = arith.constant 78 : i32
    %mul3A_18 = arith.muli %add3A, %mul3A_17 : i32
    %min3A = arith.constant 4 : i32
    %min3A_19 = arith.minsi %add3A, %min3A : i32
    %add3A_20 = arith.addi %mul3A_18, %min3A_19 : i32
    %sub3A = arith.constant 0 : i32
    %sub3A_21 = arith.subi %add3A_16, %sub3A : i32
    %sub3A_22 = arith.constant 1 : i32
    %sub3A_23 = arith.constant 1 : i32
    %sub3A_24 = arith.subi %sub3A_22, %sub3A_23 : i32
    %add3A_25 = arith.addi %sub3A_21, %sub3A_24 : i32
    %div3A = arith.constant 1 : i32
    %div3A_26 = arith.divsi %add3A_25, %div3A : i32
    %while3A = arith.constant 1 : i32
    %while3A_27 = arith.constant 0 : i32
    %while3A_28 = arith.constant 0 : i32
    %while3A_29 = arith.subi %div3A_26, %while3A_28 : i32
    %while3A_30 = arith.addi %while3A_28, %while3A_29 : i32
    %while3A_31 = arith.constant 1 : i32
    %while3A_32 = arith.divsi %while3A_29, %while3A_31 : i32
    %while3A_33 = arith.muli %while3A_32, %while3A_31 : i32
    %while3A_34 = arith.addi %while3A_28, %while3A_33 : i32
    %while3A_35 = arith.constant 1 : i32
    scf.for %while3A_48 = %while3A_28 to %while3A_34 step %while3A_35  : i32 {
      %mul3A_49 = arith.muli %while3A_48, %while3A : i32
      %add3A_50 = arith.addi %while3A_27, %mul3A_49 : i32
      %add3A_51 = arith.addi %add3A_20, %add3A_50 : i32
      %mul3A_52 = arith.constant 128 : i32
      %mul3A_53 = arith.muli %add3A_51, %mul3A_52 : i32
      %run_scoped3A = arith.constant 0 : i32
      "tpu.region"() ({
        %run_scoped3A_59 = tpu.sem_alloc : memref<!tpu.dma_semaphore, #tpu.memory_space<semaphore_mem>>
        %dma_start3A_60 = tpu.memref_slice %arg3[%run_scoped3A, %mul3A_53] : memref<2x320000xi32, #tpu.memory_space<hbm>> -> memref<1x128xi32, #tpu.memory_space<hbm>>
        %dma_start3A_61 = tpu.memref_squeeze %dma_start3A_60 : memref<1x128xi32, #tpu.memory_space<hbm>> -> memref<128xi32, #tpu.memory_space<hbm>>
        %dma_start3A_62 = tpu.memref_slice %arg3[%run_scoped3A, %mul3A_53] : memref<2x320000xi32, #tpu.memory_space<hbm>> -> memref<1x128xi32, #tpu.memory_space<hbm>>
        %dma_start3A_63 = tpu.memref_squeeze %dma_start3A_62 : memref<1x128xi32, #tpu.memory_space<hbm>> -> memref<128xi32, #tpu.memory_space<hbm>>
        tpu.enqueue_dma source(%dma_start3A_63 : memref<128xi32, #tpu.memory_space<hbm>>) target(%arg9 : memref<128xi32, #tpu.memory_space<vmem>>) target_semaphore(%run_scoped3A_59 : memref<!tpu.dma_semaphore, #tpu.memory_space<semaphore_mem>>)
        %dma_wait3A_64 = tpu.memref_slice %arg3[%run_scoped3A, %mul3A_53] : memref<2x320000xi32, #tpu.memory_space<hbm>> -> memref<1x128xi32, #tpu.memory_space<hbm>>
        %dma_wait3A_65 = tpu.memref_squeeze %dma_wait3A_64 : memref<1x128xi32, #tpu.memory_space<hbm>> -> memref<128xi32, #tpu.memory_space<hbm>>
        %dma_wait3A_66 = tpu.memref_slice %arg3[%run_scoped3A, %mul3A_53] : memref<2x320000xi32, #tpu.memory_space<hbm>> -> memref<1x128xi32, #tpu.memory_space<hbm>>
        %dma_wait3A_67 = tpu.memref_squeeze %dma_wait3A_66 : memref<1x128xi32, #tpu.memory_space<hbm>> -> memref<128xi32, #tpu.memory_space<hbm>>
        tpu.wait_dma2 semaphore(%run_scoped3A_59 : memref<!tpu.dma_semaphore, #tpu.memory_space<semaphore_mem>>) src(%dma_wait3A_67 : memref<128xi32, #tpu.memory_space<hbm>>) dst(%arg9 : memref<128xi32, #tpu.memory_space<vmem>>)
        tpu.yield
      }) : () -> ()
      %run_scoped3A_54 = arith.constant 1 : i32
      "tpu.region"() ({
        %run_scoped3A_59 = tpu.sem_alloc : memref<!tpu.dma_semaphore, #tpu.memory_space<semaphore_mem>>
        %dma_start3A_60 = tpu.memref_slice %arg3[%run_scoped3A_54, %mul3A_53] : memref<2x320000xi32, #tpu.memory_space<hbm>> -> memref<1x128xi32, #tpu.memory_space<hbm>>
        %dma_start3A_61 = tpu.memref_squeeze %dma_start3A_60 : memref<1x128xi32, #tpu.memory_space<hbm>> -> memref<128xi32, #tpu.memory_space<hbm>>
        %dma_start3A_62 = tpu.memref_slice %arg3[%run_scoped3A_54, %mul3A_53] : memref<2x320000xi32, #tpu.memory_space<hbm>> -> memref<1x128xi32, #tpu.memory_space<hbm>>
        %dma_start3A_63 = tpu.memref_squeeze %dma_start3A_62 : memref<1x128xi32, #tpu.memory_space<hbm>> -> memref<128xi32, #tpu.memory_space<hbm>>
        tpu.enqueue_dma source(%dma_start3A_63 : memref<128xi32, #tpu.memory_space<hbm>>) target(%arg10 : memref<128xi32, #tpu.memory_space<vmem>>) target_semaphore(%run_scoped3A_59 : memref<!tpu.dma_semaphore, #tpu.memory_space<semaphore_mem>>)
        %dma_wait3A_64 = tpu.memref_slice %arg3[%run_scoped3A_54, %mul3A_53] : memref<2x320000xi32, #tpu.memory_space<hbm>> -> memref<1x128xi32, #tpu.memory_space<hbm>>
        %dma_wait3A_65 = tpu.memref_squeeze %dma_wait3A_64 : memref<1x128xi32, #tpu.memory_space<hbm>> -> memref<128xi32, #tpu.memory_space<hbm>>
        %dma_wait3A_66 = tpu.memref_slice %arg3[%run_scoped3A_54, %mul3A_53] : memref<2x320000xi32, #tpu.memory_space<hbm>> -> memref<1x128xi32, #tpu.memory_space<hbm>>
        %dma_wait3A_67 = tpu.memref_squeeze %dma_wait3A_66 : memref<1x128xi32, #tpu.memory_space<hbm>> -> memref<128xi32, #tpu.memory_space<hbm>>
        tpu.wait_dma2 semaphore(%run_scoped3A_59 : memref<!tpu.dma_semaphore, #tpu.memory_space<semaphore_mem>>) src(%dma_wait3A_67 : memref<128xi32, #tpu.memory_space<hbm>>) dst(%arg10 : memref<128xi32, #tpu.memory_space<vmem>>)
        tpu.yield
      }) : () -> ()
      %dma_start3A = arith.constant 0 : i32
      %dma_start3A_55 = arith.constant 0 : i32
      %dma_start3A_56 = tpu.memref_slice %arg2[%dma_start3A, %dma_start3A_55] : memref<10240x128xf32, #tpu.memory_space<hbm>> -> memref<10240x128xf32, #tpu.memory_space<hbm>>
      tpu.enqueue_indirect_dma source(%dma_start3A_56 : memref<10240x128xf32, #tpu.memory_space<hbm>>) target(%arg7 : memref<128x128xf32, #tpu.memory_space<vmem>>) offsets(%arg9 : memref<128xi32, #tpu.memory_space<vmem>>) semaphore(%arg8 : memref<!tpu.dma_semaphore, #tpu.memory_space<semaphore_mem>>)
      %dma_wait3A = arith.constant 0 : i32
      %dma_wait3A_57 = arith.constant 0 : i32
      %dma_wait3A_58 = tpu.memref_slice %arg2[%dma_wait3A, %dma_wait3A_57] : memref<10240x128xf32, #tpu.memory_space<hbm>> -> memref<10240x128xf32, #tpu.memory_space<hbm>>
      tpu.wait_indirect_dma semaphore(%arg8 : memref<!tpu.dma_semaphore, #tpu.memory_space<semaphore_mem>>) src(%dma_wait3A_58 : memref<10240x128xf32, #tpu.memory_space<hbm>>) dst(%arg7 : memref<128x128xf32, #tpu.memory_space<vmem>>)
      "tpu.region"() ({
        %run_scoped3A_59 = tpu.sem_alloc : memref<!tpu.dma_semaphore, #tpu.memory_space<semaphore_mem>>
        %dma_start3A_60 = arith.constant 0 : i32
        %dma_start3A_61 = arith.constant 0 : i32
        %dma_start3A_62 = tpu.memref_slice %arg6[%dma_start3A_60, %dma_start3A_61] : memref<10240x128xf32, #tpu.memory_space<vmem_shared>> -> memref<10240x128xf32, #tpu.memory_space<vmem_shared>>
        tpu.enqueue_indirect_dma source(%arg7 : memref<128x128xf32, #tpu.memory_space<vmem>>) target(%dma_start3A_62 : memref<10240x128xf32, #tpu.memory_space<vmem_shared>>) offsets(%arg10 : memref<128xi32, #tpu.memory_space<vmem>>) semaphore(%run_scoped3A_59 : memref<!tpu.dma_semaphore, #tpu.memory_space<semaphore_mem>>) {add = true}
        %dma_wait3A_63 = arith.constant 0 : i32
        %dma_wait3A_64 = arith.constant 0 : i32
        %dma_wait3A_65 = tpu.memref_slice %arg6[%dma_wait3A_63, %dma_wait3A_64] : memref<10240x128xf32, #tpu.memory_space<vmem_shared>> -> memref<10240x128xf32, #tpu.memory_space<vmem_shared>>
        tpu.wait_indirect_dma semaphore(%run_scoped3A_59 : memref<!tpu.dma_semaphore, #tpu.memory_space<semaphore_mem>>) src(%arg7 : memref<128x128xf32, #tpu.memory_space<vmem>>) dst(%dma_wait3A_65 : memref<10240x128xf32, #tpu.memory_space<vmem_shared>>)
        tpu.yield
      }) : () -> ()
    }
    %while3A_36 = arith.constant 1 : i32
    scf.for %while3A_48 = %while3A_34 to %while3A_30 step %while3A_36  : i32 {
      %mul3A_49 = arith.muli %while3A_48, %while3A : i32
      %add3A_50 = arith.addi %while3A_27, %mul3A_49 : i32
      %add3A_51 = arith.addi %add3A_20, %add3A_50 : i32
      %mul3A_52 = arith.constant 128 : i32
      %mul3A_53 = arith.muli %add3A_51, %mul3A_52 : i32
      %run_scoped3A = arith.constant 0 : i32
      "tpu.region"() ({
        %run_scoped3A_59 = tpu.sem_alloc : memref<!tpu.dma_semaphore, #tpu.memory_space<semaphore_mem>>
        %dma_start3A_60 = tpu.memref_slice %arg3[%run_scoped3A, %mul3A_53] : memref<2x320000xi32, #tpu.memory_space<hbm>> -> memref<1x128xi32, #tpu.memory_space<hbm>>
        %dma_start3A_61 = tpu.memref_squeeze %dma_start3A_60 : memref<1x128xi32, #tpu.memory_space<hbm>> -> memref<128xi32, #tpu.memory_space<hbm>>
        %dma_start3A_62 = tpu.memref_slice %arg3[%run_scoped3A, %mul3A_53] : memref<2x320000xi32, #tpu.memory_space<hbm>> -> memref<1x128xi32, #tpu.memory_space<hbm>>
        %dma_start3A_63 = tpu.memref_squeeze %dma_start3A_62 : memref<1x128xi32, #tpu.memory_space<hbm>> -> memref<128xi32, #tpu.memory_space<hbm>>
        tpu.enqueue_dma source(%dma_start3A_63 : memref<128xi32, #tpu.memory_space<hbm>>) target(%arg9 : memref<128xi32, #tpu.memory_space<vmem>>) target_semaphore(%run_scoped3A_59 : memref<!tpu.dma_semaphore, #tpu.memory_space<semaphore_mem>>)
        %dma_wait3A_64 = tpu.memref_slice %arg3[%run_scoped3A, %mul3A_53] : memref<2x320000xi32, #tpu.memory_space<hbm>> -> memref<1x128xi32, #tpu.memory_space<hbm>>
        %dma_wait3A_65 = tpu.memref_squeeze %dma_wait3A_64 : memref<1x128xi32, #tpu.memory_space<hbm>> -> memref<128xi32, #tpu.memory_space<hbm>>
        %dma_wait3A_66 = tpu.memref_slice %arg3[%run_scoped3A, %mul3A_53] : memref<2x320000xi32, #tpu.memory_space<hbm>> -> memref<1x128xi32, #tpu.memory_space<hbm>>
        %dma_wait3A_67 = tpu.memref_squeeze %dma_wait3A_66 : memref<1x128xi32, #tpu.memory_space<hbm>> -> memref<128xi32, #tpu.memory_space<hbm>>
        tpu.wait_dma2 semaphore(%run_scoped3A_59 : memref<!tpu.dma_semaphore, #tpu.memory_space<semaphore_mem>>) src(%dma_wait3A_67 : memref<128xi32, #tpu.memory_space<hbm>>) dst(%arg9 : memref<128xi32, #tpu.memory_space<vmem>>)
        tpu.yield
      }) : () -> ()
      %run_scoped3A_54 = arith.constant 1 : i32
      "tpu.region"() ({
        %run_scoped3A_59 = tpu.sem_alloc : memref<!tpu.dma_semaphore, #tpu.memory_space<semaphore_mem>>
        %dma_start3A_60 = tpu.memref_slice %arg3[%run_scoped3A_54, %mul3A_53] : memref<2x320000xi32, #tpu.memory_space<hbm>> -> memref<1x128xi32, #tpu.memory_space<hbm>>
        %dma_start3A_61 = tpu.memref_squeeze %dma_start3A_60 : memref<1x128xi32, #tpu.memory_space<hbm>> -> memref<128xi32, #tpu.memory_space<hbm>>
        %dma_start3A_62 = tpu.memref_slice %arg3[%run_scoped3A_54, %mul3A_53] : memref<2x320000xi32, #tpu.memory_space<hbm>> -> memref<1x128xi32, #tpu.memory_space<hbm>>
        %dma_start3A_63 = tpu.memref_squeeze %dma_start3A_62 : memref<1x128xi32, #tpu.memory_space<hbm>> -> memref<128xi32, #tpu.memory_space<hbm>>
        tpu.enqueue_dma source(%dma_start3A_63 : memref<128xi32, #tpu.memory_space<hbm>>) target(%arg10 : memref<128xi32, #tpu.memory_space<vmem>>) target_semaphore(%run_scoped3A_59 : memref<!tpu.dma_semaphore, #tpu.memory_space<semaphore_mem>>)
        %dma_wait3A_64 = tpu.memref_slice %arg3[%run_scoped3A_54, %mul3A_53] : memref<2x320000xi32, #tpu.memory_space<hbm>> -> memref<1x128xi32, #tpu.memory_space<hbm>>
        %dma_wait3A_65 = tpu.memref_squeeze %dma_wait3A_64 : memref<1x128xi32, #tpu.memory_space<hbm>> -> memref<128xi32, #tpu.memory_space<hbm>>
        %dma_wait3A_66 = tpu.memref_slice %arg3[%run_scoped3A_54, %mul3A_53] : memref<2x320000xi32, #tpu.memory_space<hbm>> -> memref<1x128xi32, #tpu.memory_space<hbm>>
        %dma_wait3A_67 = tpu.memref_squeeze %dma_wait3A_66 : memref<1x128xi32, #tpu.memory_space<hbm>> -> memref<128xi32, #tpu.memory_space<hbm>>
        tpu.wait_dma2 semaphore(%run_scoped3A_59 : memref<!tpu.dma_semaphore, #tpu.memory_space<semaphore_mem>>) src(%dma_wait3A_67 : memref<128xi32, #tpu.memory_space<hbm>>) dst(%arg10 : memref<128xi32, #tpu.memory_space<vmem>>)
        tpu.yield
      }) : () -> ()
      %dma_start3A = arith.constant 0 : i32
      %dma_start3A_55 = arith.constant 0 : i32
      %dma_start3A_56 = tpu.memref_slice %arg2[%dma_start3A, %dma_start3A_55] : memref<10240x128xf32, #tpu.memory_space<hbm>> -> memref<10240x128xf32, #tpu.memory_space<hbm>>
      tpu.enqueue_indirect_dma source(%dma_start3A_56 : memref<10240x128xf32, #tpu.memory_space<hbm>>) target(%arg7 : memref<128x128xf32, #tpu.memory_space<vmem>>) offsets(%arg9 : memref<128xi32, #tpu.memory_space<vmem>>) semaphore(%arg8 : memref<!tpu.dma_semaphore, #tpu.memory_space<semaphore_mem>>)
      %dma_wait3A = arith.constant 0 : i32
      %dma_wait3A_57 = arith.constant 0 : i32
      %dma_wait3A_58 = tpu.memref_slice %arg2[%dma_wait3A, %dma_wait3A_57] : memref<10240x128xf32, #tpu.memory_space<hbm>> -> memref<10240x128xf32, #tpu.memory_space<hbm>>
      tpu.wait_indirect_dma semaphore(%arg8 : memref<!tpu.dma_semaphore, #tpu.memory_space<semaphore_mem>>) src(%dma_wait3A_58 : memref<10240x128xf32, #tpu.memory_space<hbm>>) dst(%arg7 : memref<128x128xf32, #tpu.memory_space<vmem>>)
      "tpu.region"() ({
        %run_scoped3A_59 = tpu.sem_alloc : memref<!tpu.dma_semaphore, #tpu.memory_space<semaphore_mem>>
        %dma_start3A_60 = arith.constant 0 : i32
        %dma_start3A_61 = arith.constant 0 : i32
        %dma_start3A_62 = tpu.memref_slice %arg6[%dma_start3A_60, %dma_start3A_61] : memref<10240x128xf32, #tpu.memory_space<vmem_shared>> -> memref<10240x128xf32, #tpu.memory_space<vmem_shared>>
        tpu.enqueue_indirect_dma source(%arg7 : memref<128x128xf32, #tpu.memory_space<vmem>>) target(%dma_start3A_62 : memref<10240x128xf32, #tpu.memory_space<vmem_shared>>) offsets(%arg10 : memref<128xi32, #tpu.memory_space<vmem>>) semaphore(%run_scoped3A_59 : memref<!tpu.dma_semaphore, #tpu.memory_space<semaphore_mem>>) {add = true}
        %dma_wait3A_63 = arith.constant 0 : i32
        %dma_wait3A_64 = arith.constant 0 : i32
        %dma_wait3A_65 = tpu.memref_slice %arg6[%dma_wait3A_63, %dma_wait3A_64] : memref<10240x128xf32, #tpu.memory_space<vmem_shared>> -> memref<10240x128xf32, #tpu.memory_space<vmem_shared>>
        tpu.wait_indirect_dma semaphore(%run_scoped3A_59 : memref<!tpu.dma_semaphore, #tpu.memory_space<semaphore_mem>>) src(%arg7 : memref<128x128xf32, #tpu.memory_space<vmem>>) dst(%dma_wait3A_65 : memref<10240x128xf32, #tpu.memory_space<vmem_shared>>)
        tpu.yield
      }) : () -> ()
    }
    %barrier3A_37 = arith.constant 0 : index
    tpu.barrier barrier_id(%barrier3A_37)
    %add3A_38 = arith.constant 0 : i32
    %add3A_39 = arith.addi %mul3A_2, %add3A_38 : i32
    "tpu.region"() ({
      %run_scoped3A = tpu.sem_alloc : memref<!tpu.dma_semaphore, #tpu.memory_space<semaphore_mem>>
      %dma_start3A = arith.constant 0 : i32
      %dma_start3A_48 = tpu.memref_slice %arg6[%add3A_39, %dma_start3A] : memref<10240x128xf32, #tpu.memory_space<vmem_shared>> -> memref<128x128xf32, #tpu.memory_space<vmem_shared>>
      %dma_start3A_49 = arith.constant 0 : i32
      %dma_start3A_50 = tpu.memref_slice %arg6[%add3A_39, %dma_start3A_49] : memref<10240x128xf32, #tpu.memory_space<vmem_shared>> -> memref<128x128xf32, #tpu.memory_space<vmem_shared>>
      tpu.enqueue_dma source(%dma_start3A_50 : memref<128x128xf32, #tpu.memory_space<vmem_shared>>) target(%arg7 : memref<128x128xf32, #tpu.memory_space<vmem>>) target_semaphore(%run_scoped3A : memref<!tpu.dma_semaphore, #tpu.memory_space<semaphore_mem>>)
      %dma_wait3A = arith.constant 0 : i32
      %dma_wait3A_51 = tpu.memref_slice %arg6[%add3A_39, %dma_wait3A] : memref<10240x128xf32, #tpu.memory_space<vmem_shared>> -> memref<128x128xf32, #tpu.memory_space<vmem_shared>>
      %dma_wait3A_52 = arith.constant 0 : i32
      %dma_wait3A_53 = tpu.memref_slice %arg6[%add3A_39, %dma_wait3A_52] : memref<10240x128xf32, #tpu.memory_space<vmem_shared>> -> memref<128x128xf32, #tpu.memory_space<vmem_shared>>
      tpu.wait_dma2 semaphore(%run_scoped3A : memref<!tpu.dma_semaphore, #tpu.memory_space<semaphore_mem>>) src(%dma_wait3A_53 : memref<128x128xf32, #tpu.memory_space<vmem_shared>>) dst(%arg7 : memref<128x128xf32, #tpu.memory_space<vmem>>)
      tpu.yield
    }) : () -> ()
    "tpu.region"() ({
      %run_scoped3A = tpu.sem_alloc : memref<!tpu.dma_semaphore, #tpu.memory_space<semaphore_mem>>
      %dma_start3A = arith.constant 0 : i32
      %dma_start3A_48 = tpu.memref_slice %arg5[%arg0, %add3A_39, %dma_start3A] : memref<2x10240x128xf32, #tpu.memory_space<hbm>> -> memref<1x128x128xf32, #tpu.memory_space<hbm>>
      %dma_start3A_49 = tpu.memref_squeeze %dma_start3A_48 : memref<1x128x128xf32, #tpu.memory_space<hbm>> -> memref<128x128xf32, #tpu.memory_space<hbm>>
      %dma_start3A_50 = arith.constant 0 : i32
      %dma_start3A_51 = tpu.memref_slice %arg5[%arg0, %add3A_39, %dma_start3A_50] : memref<2x10240x128xf32, #tpu.memory_space<hbm>> -> memref<1x128x128xf32, #tpu.memory_space<hbm>>
      %dma_start3A_52 = tpu.memref_squeeze %dma_start3A_51 : memref<1x128x128xf32, #tpu.memory_space<hbm>> -> memref<128x128xf32, #tpu.memory_space<hbm>>
      tpu.enqueue_dma source(%arg7 : memref<128x128xf32, #tpu.memory_space<vmem>>) target(%dma_start3A_52 : memref<128x128xf32, #tpu.memory_space<hbm>>) target_semaphore(%run_scoped3A : memref<!tpu.dma_semaphore, #tpu.memory_space<semaphore_mem>>)
      %dma_wait3A = arith.constant 0 : i32
      %dma_wait3A_53 = tpu.memref_slice %arg5[%arg0, %add3A_39, %dma_wait3A] : memref<2x10240x128xf32, #tpu.memory_space<hbm>> -> memref<1x128x128xf32, #tpu.memory_space<hbm>>
      %dma_wait3A_54 = tpu.memref_squeeze %dma_wait3A_53 : memref<1x128x128xf32, #tpu.memory_space<hbm>> -> memref<128x128xf32, #tpu.memory_space<hbm>>
      %dma_wait3A_55 = arith.constant 0 : i32
      %dma_wait3A_56 = tpu.memref_slice %arg5[%arg0, %add3A_39, %dma_wait3A_55] : memref<2x10240x128xf32, #tpu.memory_space<hbm>> -> memref<1x128x128xf32, #tpu.memory_space<hbm>>
      %dma_wait3A_57 = tpu.memref_squeeze %dma_wait3A_56 : memref<1x128x128xf32, #tpu.memory_space<hbm>> -> memref<128x128xf32, #tpu.memory_space<hbm>>
      tpu.wait_dma2 semaphore(%run_scoped3A : memref<!tpu.dma_semaphore, #tpu.memory_space<semaphore_mem>>) src(%arg7 : memref<128x128xf32, #tpu.memory_space<vmem>>) dst(%dma_wait3A_57 : memref<128x128xf32, #tpu.memory_space<hbm>>)
      tpu.yield
    }) : () -> ()
    %add3A_40 = arith.constant 128 : i32
    %add3A_41 = arith.addi %mul3A_2, %add3A_40 : i32
    "tpu.region"() ({
      %run_scoped3A = tpu.sem_alloc : memref<!tpu.dma_semaphore, #tpu.memory_space<semaphore_mem>>
      %dma_start3A = arith.constant 0 : i32
      %dma_start3A_48 = tpu.memref_slice %arg6[%add3A_41, %dma_start3A] : memref<10240x128xf32, #tpu.memory_space<vmem_shared>> -> memref<128x128xf32, #tpu.memory_space<vmem_shared>>
      %dma_start3A_49 = arith.constant 0 : i32
      %dma_start3A_50 = tpu.memref_slice %arg6[%add3A_41, %dma_start3A_49] : memref<10240x128xf32, #tpu.memory_space<vmem_shared>> -> memref<128x128xf32, #tpu.memory_space<vmem_shared>>
      tpu.enqueue_dma source(%dma_start3A_50 : memref<128x128xf32, #tpu.memory_space<vmem_shared>>) target(%arg7 : memref<128x128xf32, #tpu.memory_space<vmem>>) target_semaphore(%run_scoped3A : memref<!tpu.dma_semaphore, #tpu.memory_space<semaphore_mem>>)
      %dma_wait3A = arith.constant 0 : i32
      %dma_wait3A_51 = tpu.memref_slice %arg6[%add3A_41, %dma_wait3A] : memref<10240x128xf32, #tpu.memory_space<vmem_shared>> -> memref<128x128xf32, #tpu.memory_space<vmem_shared>>
      %dma_wait3A_52 = arith.constant 0 : i32
      %dma_wait3A_53 = tpu.memref_slice %arg6[%add3A_41, %dma_wait3A_52] : memref<10240x128xf32, #tpu.memory_space<vmem_shared>> -> memref<128x128xf32, #tpu.memory_space<vmem_shared>>
      tpu.wait_dma2 semaphore(%run_scoped3A : memref<!tpu.dma_semaphore, #tpu.memory_space<semaphore_mem>>) src(%dma_wait3A_53 : memref<128x128xf32, #tpu.memory_space<vmem_shared>>) dst(%arg7 : memref<128x128xf32, #tpu.memory_space<vmem>>)
      tpu.yield
    }) : () -> ()
    "tpu.region"() ({
      %run_scoped3A = tpu.sem_alloc : memref<!tpu.dma_semaphore, #tpu.memory_space<semaphore_mem>>
      %dma_start3A = arith.constant 0 : i32
      %dma_start3A_48 = tpu.memref_slice %arg5[%arg0, %add3A_41, %dma_start3A] : memref<2x10240x128xf32, #tpu.memory_space<hbm>> -> memref<1x128x128xf32, #tpu.memory_space<hbm>>
      %dma_start3A_49 = tpu.memref_squeeze %dma_start3A_48 : memref<1x128x128xf32, #tpu.memory_space<hbm>> -> memref<128x128xf32, #tpu.memory_space<hbm>>
      %dma_start3A_50 = arith.constant 0 : i32
      %dma_start3A_51 = tpu.memref_slice %arg5[%arg0, %add3A_41, %dma_start3A_50] : memref<2x10240x128xf32, #tpu.memory_space<hbm>> -> memref<1x128x128xf32, #tpu.memory_space<hbm>>
      %dma_start3A_52 = tpu.memref_squeeze %dma_start3A_51 : memref<1x128x128xf32, #tpu.memory_space<hbm>> -> memref<128x128xf32, #tpu.memory_space<hbm>>
      tpu.enqueue_dma source(%arg7 : memref<128x128xf32, #tpu.memory_space<vmem>>) target(%dma_start3A_52 : memref<128x128xf32, #tpu.memory_space<hbm>>) target_semaphore(%run_scoped3A : memref<!tpu.dma_semaphore, #tpu.memory_space<semaphore_mem>>)
      %dma_wait3A = arith.constant 0 : i32
      %dma_wait3A_53 = tpu.memref_slice %arg5[%arg0, %add3A_41, %dma_wait3A] : memref<2x10240x128xf32, #tpu.memory_space<hbm>> -> memref<1x128x128xf32, #tpu.memory_space<hbm>>
      %dma_wait3A_54 = tpu.memref_squeeze %dma_wait3A_53 : memref<1x128x128xf32, #tpu.memory_space<hbm>> -> memref<128x128xf32, #tpu.memory_space<hbm>>
      %dma_wait3A_55 = arith.constant 0 : i32
      %dma_wait3A_56 = tpu.memref_slice %arg5[%arg0, %add3A_41, %dma_wait3A_55] : memref<2x10240x128xf32, #tpu.memory_space<hbm>> -> memref<1x128x128xf32, #tpu.memory_space<hbm>>
      %dma_wait3A_57 = tpu.memref_squeeze %dma_wait3A_56 : memref<1x128x128xf32, #tpu.memory_space<hbm>> -> memref<128x128xf32, #tpu.memory_space<hbm>>
      tpu.wait_dma2 semaphore(%run_scoped3A : memref<!tpu.dma_semaphore, #tpu.memory_space<semaphore_mem>>) src(%arg7 : memref<128x128xf32, #tpu.memory_space<vmem>>) dst(%dma_wait3A_57 : memref<128x128xf32, #tpu.memory_space<hbm>>)
      tpu.yield
    }) : () -> ()
    %add3A_42 = arith.constant 256 : i32
    %add3A_43 = arith.addi %mul3A_2, %add3A_42 : i32
    "tpu.region"() ({
      %run_scoped3A = tpu.sem_alloc : memref<!tpu.dma_semaphore, #tpu.memory_space<semaphore_mem>>
      %dma_start3A = arith.constant 0 : i32
      %dma_start3A_48 = tpu.memref_slice %arg6[%add3A_43, %dma_start3A] : memref<10240x128xf32, #tpu.memory_space<vmem_shared>> -> memref<128x128xf32, #tpu.memory_space<vmem_shared>>
      %dma_start3A_49 = arith.constant 0 : i32
      %dma_start3A_50 = tpu.memref_slice %arg6[%add3A_43, %dma_start3A_49] : memref<10240x128xf32, #tpu.memory_space<vmem_shared>> -> memref<128x128xf32, #tpu.memory_space<vmem_shared>>
      tpu.enqueue_dma source(%dma_start3A_50 : memref<128x128xf32, #tpu.memory_space<vmem_shared>>) target(%arg7 : memref<128x128xf32, #tpu.memory_space<vmem>>) target_semaphore(%run_scoped3A : memref<!tpu.dma_semaphore, #tpu.memory_space<semaphore_mem>>)
      %dma_wait3A = arith.constant 0 : i32
      %dma_wait3A_51 = tpu.memref_slice %arg6[%add3A_43, %dma_wait3A] : memref<10240x128xf32, #tpu.memory_space<vmem_shared>> -> memref<128x128xf32, #tpu.memory_space<vmem_shared>>
      %dma_wait3A_52 = arith.constant 0 : i32
      %dma_wait3A_53 = tpu.memref_slice %arg6[%add3A_43, %dma_wait3A_52] : memref<10240x128xf32, #tpu.memory_space<vmem_shared>> -> memref<128x128xf32, #tpu.memory_space<vmem_shared>>
      tpu.wait_dma2 semaphore(%run_scoped3A : memref<!tpu.dma_semaphore, #tpu.memory_space<semaphore_mem>>) src(%dma_wait3A_53 : memref<128x128xf32, #tpu.memory_space<vmem_shared>>) dst(%arg7 : memref<128x128xf32, #tpu.memory_space<vmem>>)
      tpu.yield
    }) : () -> ()
    "tpu.region"() ({
      %run_scoped3A = tpu.sem_alloc : memref<!tpu.dma_semaphore, #tpu.memory_space<semaphore_mem>>
      %dma_start3A = arith.constant 0 : i32
      %dma_start3A_48 = tpu.memref_slice %arg5[%arg0, %add3A_43, %dma_start3A] : memref<2x10240x128xf32, #tpu.memory_space<hbm>> -> memref<1x128x128xf32, #tpu.memory_space<hbm>>
      %dma_start3A_49 = tpu.memref_squeeze %dma_start3A_48 : memref<1x128x128xf32, #tpu.memory_space<hbm>> -> memref<128x128xf32, #tpu.memory_space<hbm>>
      %dma_start3A_50 = arith.constant 0 : i32
      %dma_start3A_51 = tpu.memref_slice %arg5[%arg0, %add3A_43, %dma_start3A_50] : memref<2x10240x128xf32, #tpu.memory_space<hbm>> -> memref<1x128x128xf32, #tpu.memory_space<hbm>>
      %dma_start3A_52 = tpu.memref_squeeze %dma_start3A_51 : memref<1x128x128xf32, #tpu.memory_space<hbm>> -> memref<128x128xf32, #tpu.memory_space<hbm>>
      tpu.enqueue_dma source(%arg7 : memref<128x128xf32, #tpu.memory_space<vmem>>) target(%dma_start3A_52 : memref<128x128xf32, #tpu.memory_space<hbm>>) target_semaphore(%run_scoped3A : memref<!tpu.dma_semaphore, #tpu.memory_space<semaphore_mem>>)
      %dma_wait3A = arith.constant 0 : i32
      %dma_wait3A_53 = tpu.memref_slice %arg5[%arg0, %add3A_43, %dma_wait3A] : memref<2x10240x128xf32, #tpu.memory_space<hbm>> -> memref<1x128x128xf32, #tpu.memory_space<hbm>>
      %dma_wait3A_54 = tpu.memref_squeeze %dma_wait3A_53 : memref<1x128x128xf32, #tpu.memory_space<hbm>> -> memref<128x128xf32, #tpu.memory_space<hbm>>
      %dma_wait3A_55 = arith.constant 0 : i32
      %dma_wait3A_56 = tpu.memref_slice %arg5[%arg0, %add3A_43, %dma_wait3A_55] : memref<2x10240x128xf32, #tpu.memory_space<hbm>> -> memref<1x128x128xf32, #tpu.memory_space<hbm>>
      %dma_wait3A_57 = tpu.memref_squeeze %dma_wait3A_56 : memref<1x128x128xf32, #tpu.memory_space<hbm>> -> memref<128x128xf32, #tpu.memory_space<hbm>>
      tpu.wait_dma2 semaphore(%run_scoped3A : memref<!tpu.dma_semaphore, #tpu.memory_space<semaphore_mem>>) src(%arg7 : memref<128x128xf32, #tpu.memory_space<vmem>>) dst(%dma_wait3A_57 : memref<128x128xf32, #tpu.memory_space<hbm>>)
      tpu.yield
    }) : () -> ()
    %add3A_44 = arith.constant 384 : i32
    %add3A_45 = arith.addi %mul3A_2, %add3A_44 : i32
    "tpu.region"() ({
      %run_scoped3A = tpu.sem_alloc : memref<!tpu.dma_semaphore, #tpu.memory_space<semaphore_mem>>
      %dma_start3A = arith.constant 0 : i32
      %dma_start3A_48 = tpu.memref_slice %arg6[%add3A_45, %dma_start3A] : memref<10240x128xf32, #tpu.memory_space<vmem_shared>> -> memref<128x128xf32, #tpu.memory_space<vmem_shared>>
      %dma_start3A_49 = arith.constant 0 : i32
      %dma_start3A_50 = tpu.memref_slice %arg6[%add3A_45, %dma_start3A_49] : memref<10240x128xf32, #tpu.memory_space<vmem_shared>> -> memref<128x128xf32, #tpu.memory_space<vmem_shared>>
      tpu.enqueue_dma source(%dma_start3A_50 : memref<128x128xf32, #tpu.memory_space<vmem_shared>>) target(%arg7 : memref<128x128xf32, #tpu.memory_space<vmem>>) target_semaphore(%run_scoped3A : memref<!tpu.dma_semaphore, #tpu.memory_space<semaphore_mem>>)
      %dma_wait3A = arith.constant 0 : i32
      %dma_wait3A_51 = tpu.memref_slice %arg6[%add3A_45, %dma_wait3A] : memref<10240x128xf32, #tpu.memory_space<vmem_shared>> -> memref<128x128xf32, #tpu.memory_space<vmem_shared>>
      %dma_wait3A_52 = arith.constant 0 : i32
      %dma_wait3A_53 = tpu.memref_slice %arg6[%add3A_45, %dma_wait3A_52] : memref<10240x128xf32, #tpu.memory_space<vmem_shared>> -> memref<128x128xf32, #tpu.memory_space<vmem_shared>>
      tpu.wait_dma2 semaphore(%run_scoped3A : memref<!tpu.dma_semaphore, #tpu.memory_space<semaphore_mem>>) src(%dma_wait3A_53 : memref<128x128xf32, #tpu.memory_space<vmem_shared>>) dst(%arg7 : memref<128x128xf32, #tpu.memory_space<vmem>>)
      tpu.yield
    }) : () -> ()
    "tpu.region"() ({
      %run_scoped3A = tpu.sem_alloc : memref<!tpu.dma_semaphore, #tpu.memory_space<semaphore_mem>>
      %dma_start3A = arith.constant 0 : i32
      %dma_start3A_48 = tpu.memref_slice %arg5[%arg0, %add3A_45, %dma_start3A] : memref<2x10240x128xf32, #tpu.memory_space<hbm>> -> memref<1x128x128xf32, #tpu.memory_space<hbm>>
      %dma_start3A_49 = tpu.memref_squeeze %dma_start3A_48 : memref<1x128x128xf32, #tpu.memory_space<hbm>> -> memref<128x128xf32, #tpu.memory_space<hbm>>
      %dma_start3A_50 = arith.constant 0 : i32
      %dma_start3A_51 = tpu.memref_slice %arg5[%arg0, %add3A_45, %dma_start3A_50] : memref<2x10240x128xf32, #tpu.memory_space<hbm>> -> memref<1x128x128xf32, #tpu.memory_space<hbm>>
      %dma_start3A_52 = tpu.memref_squeeze %dma_start3A_51 : memref<1x128x128xf32, #tpu.memory_space<hbm>> -> memref<128x128xf32, #tpu.memory_space<hbm>>
      tpu.enqueue_dma source(%arg7 : memref<128x128xf32, #tpu.memory_space<vmem>>) target(%dma_start3A_52 : memref<128x128xf32, #tpu.memory_space<hbm>>) target_semaphore(%run_scoped3A : memref<!tpu.dma_semaphore, #tpu.memory_space<semaphore_mem>>)
      %dma_wait3A = arith.constant 0 : i32
      %dma_wait3A_53 = tpu.memref_slice %arg5[%arg0, %add3A_45, %dma_wait3A] : memref<2x10240x128xf32, #tpu.memory_space<hbm>> -> memref<1x128x128xf32, #tpu.memory_space<hbm>>
      %dma_wait3A_54 = tpu.memref_squeeze %dma_wait3A_53 : memref<1x128x128xf32, #tpu.memory_space<hbm>> -> memref<128x128xf32, #tpu.memory_space<hbm>>
      %dma_wait3A_55 = arith.constant 0 : i32
      %dma_wait3A_56 = tpu.memref_slice %arg5[%arg0, %add3A_45, %dma_wait3A_55] : memref<2x10240x128xf32, #tpu.memory_space<hbm>> -> memref<1x128x128xf32, #tpu.memory_space<hbm>>
      %dma_wait3A_57 = tpu.memref_squeeze %dma_wait3A_56 : memref<1x128x128xf32, #tpu.memory_space<hbm>> -> memref<128x128xf32, #tpu.memory_space<hbm>>
      tpu.wait_dma2 semaphore(%run_scoped3A : memref<!tpu.dma_semaphore, #tpu.memory_space<semaphore_mem>>) src(%arg7 : memref<128x128xf32, #tpu.memory_space<vmem>>) dst(%dma_wait3A_57 : memref<128x128xf32, #tpu.memory_space<hbm>>)
      tpu.yield
    }) : () -> ()
    %add3A_46 = arith.constant 512 : i32
    %add3A_47 = arith.addi %mul3A_2, %add3A_46 : i32
    "tpu.region"() ({
      %run_scoped3A = tpu.sem_alloc : memref<!tpu.dma_semaphore, #tpu.memory_space<semaphore_mem>>
      %dma_start3A = arith.constant 0 : i32
      %dma_start3A_48 = tpu.memref_slice %arg6[%add3A_47, %dma_start3A] : memref<10240x128xf32, #tpu.memory_space<vmem_shared>> -> memref<128x128xf32, #tpu.memory_space<vmem_shared>>
      %dma_start3A_49 = arith.constant 0 : i32
      %dma_start3A_50 = tpu.memref_slice %arg6[%add3A_47, %dma_start3A_49] : memref<10240x128xf32, #tpu.memory_space<vmem_shared>> -> memref<128x128xf32, #tpu.memory_space<vmem_shared>>
      tpu.enqueue_dma source(%dma_start3A_50 : memref<128x128xf32, #tpu.memory_space<vmem_shared>>) target(%arg7 : memref<128x128xf32, #tpu.memory_space<vmem>>) target_semaphore(%run_scoped3A : memref<!tpu.dma_semaphore, #tpu.memory_space<semaphore_mem>>)
      %dma_wait3A = arith.constant 0 : i32
      %dma_wait3A_51 = tpu.memref_slice %arg6[%add3A_47, %dma_wait3A] : memref<10240x128xf32, #tpu.memory_space<vmem_shared>> -> memref<128x128xf32, #tpu.memory_space<vmem_shared>>
      %dma_wait3A_52 = arith.constant 0 : i32
      %dma_wait3A_53 = tpu.memref_slice %arg6[%add3A_47, %dma_wait3A_52] : memref<10240x128xf32, #tpu.memory_space<vmem_shared>> -> memref<128x128xf32, #tpu.memory_space<vmem_shared>>
      tpu.wait_dma2 semaphore(%run_scoped3A : memref<!tpu.dma_semaphore, #tpu.memory_space<semaphore_mem>>) src(%dma_wait3A_53 : memref<128x128xf32, #tpu.memory_space<vmem_shared>>) dst(%arg7 : memref<128x128xf32, #tpu.memory_space<vmem>>)
      tpu.yield
    }) : () -> ()
    "tpu.region"() ({
      %run_scoped3A = tpu.sem_alloc : memref<!tpu.dma_semaphore, #tpu.memory_space<semaphore_mem>>
      %dma_start3A = arith.constant 0 : i32
      %dma_start3A_48 = tpu.memref_slice %arg5[%arg0, %add3A_47, %dma_start3A] : memref<2x10240x128xf32, #tpu.memory_space<hbm>> -> memref<1x128x128xf32, #tpu.memory_space<hbm>>
      %dma_start3A_49 = tpu.memref_squeeze %dma_start3A_48 : memref<1x128x128xf32, #tpu.memory_space<hbm>> -> memref<128x128xf32, #tpu.memory_space<hbm>>
      %dma_start3A_50 = arith.constant 0 : i32
      %dma_start3A_51 = tpu.memref_slice %arg5[%arg0, %add3A_47, %dma_start3A_50] : memref<2x10240x128xf32, #tpu.memory_space<hbm>> -> memref<1x128x128xf32, #tpu.memory_space<hbm>>
      %dma_start3A_52 = tpu.memref_squeeze %dma_start3A_51 : memref<1x128x128xf32, #tpu.memory_space<hbm>> -> memref<128x128xf32, #tpu.memory_space<hbm>>
      tpu.enqueue_dma source(%arg7 : memref<128x128xf32, #tpu.memory_space<vmem>>) target(%dma_start3A_52 : memref<128x128xf32, #tpu.memory_space<hbm>>) target_semaphore(%run_scoped3A : memref<!tpu.dma_semaphore, #tpu.memory_space<semaphore_mem>>)
      %dma_wait3A = arith.constant 0 : i32
      %dma_wait3A_53 = tpu.memref_slice %arg5[%arg0, %add3A_47, %dma_wait3A] : memref<2x10240x128xf32, #tpu.memory_space<hbm>> -> memref<1x128x128xf32, #tpu.memory_space<hbm>>
      %dma_wait3A_54 = tpu.memref_squeeze %dma_wait3A_53 : memref<1x128x128xf32, #tpu.memory_space<hbm>> -> memref<128x128xf32, #tpu.memory_space<hbm>>
      %dma_wait3A_55 = arith.constant 0 : i32
      %dma_wait3A_56 = tpu.memref_slice %arg5[%arg0, %add3A_47, %dma_wait3A_55] : memref<2x10240x128xf32, #tpu.memory_space<hbm>> -> memref<1x128x128xf32, #tpu.memory_space<hbm>>
      %dma_wait3A_57 = tpu.memref_squeeze %dma_wait3A_56 : memref<1x128x128xf32, #tpu.memory_space<hbm>> -> memref<128x128xf32, #tpu.memory_space<hbm>>
      tpu.wait_dma2 semaphore(%run_scoped3A : memref<!tpu.dma_semaphore, #tpu.memory_space<semaphore_mem>>) src(%arg7 : memref<128x128xf32, #tpu.memory_space<vmem>>) dst(%dma_wait3A_57 : memref<128x128xf32, #tpu.memory_space<hbm>>)
      tpu.yield
    }) : () -> ()
    return
  }
}

module attributes {stable_mosaic.version = 14 : i64} {
  func.func @_mlp_h_body(%arg0: i32, %arg1: memref<2x256x128xf32, #tpu.memory_space<vmem>>, %arg2: memref<256x128xf32, #tpu.memory_space<vmem>>, %arg3: memref<128x128xf32, #tpu.memory_space<vmem>>, %arg4: memref<1x128xf32, #tpu.memory_space<vmem>>, %arg5: memref<128x128xf32, #tpu.memory_space<vmem>>, %arg6: memref<1x128xf32, #tpu.memory_space<vmem>>, %arg7: memref<128x128xf32, #tpu.memory_space<vmem>>, %arg8: memref<256x128xf32, #tpu.memory_space<vmem>>) attributes {dimension_semantics = [#tpu.dimension_semantics<arbitrary>], iteration_bounds = array<i64: 40>, scalar_prefetch = 0 : i64, scratch_operands = 0 : i64, tpu.core_type = #tpu.core_type<tc>, window_params = [{transform_indices = @transform_0, window_bounds = array<i64: 2, 256, 128>}, {transform_indices = @transform_1, window_bounds = array<i64: 256, 128>}, {pipeline_mode = #tpu.pipeline_mode<synchronous>, transform_indices = @transform_2, window_bounds = array<i64: 128, 128>}, {pipeline_mode = #tpu.pipeline_mode<synchronous>, transform_indices = @transform_3, window_bounds = array<i64: 1, 128>}, {pipeline_mode = #tpu.pipeline_mode<synchronous>, transform_indices = @transform_4, window_bounds = array<i64: 128, 128>}, {pipeline_mode = #tpu.pipeline_mode<synchronous>, transform_indices = @transform_5, window_bounds = array<i64: 1, 128>}, {pipeline_mode = #tpu.pipeline_mode<synchronous>, transform_indices = @transform_6, window_bounds = array<i64: 128, 128>}, {transform_indices = @transform_7, window_bounds = array<i64: 256, 128>}]} {
    %get3A = arith.constant 0 : index
    %get3A_0 = arith.constant 0 : index
    %get3A_1 = vector.load %arg2[%get3A, %get3A_0] : memref<256x128xf32, #tpu.memory_space<vmem>>, vector<256x128xf32>
    %get3A_2 = arith.constant 0 : index
    %get3A_3 = arith.constant 0 : index
    %get3A_4 = arith.constant 0 : index
    %get3A_5 = vector.load %arg1[%get3A_2, %get3A_3, %get3A_4] : memref<2x256x128xf32, #tpu.memory_space<vmem>>, vector<1x256x128xf32>
    %get3A_6 = vector.shape_cast %get3A_5 : vector<1x256x128xf32> to vector<256x128xf32>
    %add3A = arith.addf %get3A_1, %get3A_6 : vector<256x128xf32>
    %get3A_7 = arith.constant 1 : index
    %get3A_8 = arith.constant 0 : index
    %get3A_9 = arith.constant 0 : index
    %get3A_10 = vector.load %arg1[%get3A_7, %get3A_8, %get3A_9] : memref<2x256x128xf32, #tpu.memory_space<vmem>>, vector<1x256x128xf32>
    %get3A_11 = vector.shape_cast %get3A_10 : vector<1x256x128xf32> to vector<256x128xf32>
    %add3A_12 = arith.addf %add3A, %get3A_11 : vector<256x128xf32>
    %get3A_13 = arith.constant 0 : index
    %get3A_14 = arith.constant 0 : index
    %get3A_15 = vector.load %arg3[%get3A_13, %get3A_14] : memref<128x128xf32, #tpu.memory_space<vmem>>, vector<128x128xf32>
    %dot_general3A = arith.constant dense<0.000000e+00> : vector<256x128xf32>
    %dot_general3A_16 = tpu.matmul %add3A_12, %get3A_15, %dot_general3A {dimension_numbers = #tpu.dot_dimension_numbers<[1], [0], [0], [1], [0, 0, 1, 1], [], []>, transpose_lhs_hint = false} : vector<256x128xf32>, vector<128x128xf32>, vector<256x128xf32> -> vector<256x128xf32>
    %get3A_17 = arith.constant 0 : index
    %get3A_18 = arith.constant 0 : index
    %get3A_19 = vector.load %arg4[%get3A_17, %get3A_18] : memref<1x128xf32, #tpu.memory_space<vmem>>, vector<1x128xf32>
    %add3A_20 = vector.broadcast %get3A_19 : vector<1x128xf32> to vector<256x128xf32>
    %add3A_21 = arith.addf %dot_general3A_16, %add3A_20 : vector<256x128xf32>
    %max3A = arith.constant 0.000000e+00 : f32
    %max3A_22 = vector.broadcast %max3A : f32 to vector<256x128xf32>
    %max3A_23 = arith.maximumf %add3A_21, %max3A_22 : vector<256x128xf32>
    %get3A_24 = arith.constant 0 : index
    %get3A_25 = arith.constant 0 : index
    %get3A_26 = vector.load %arg5[%get3A_24, %get3A_25] : memref<128x128xf32, #tpu.memory_space<vmem>>, vector<128x128xf32>
    %dot_general3A_27 = arith.constant dense<0.000000e+00> : vector<256x128xf32>
    %dot_general3A_28 = tpu.matmul %max3A_23, %get3A_26, %dot_general3A_27 {dimension_numbers = #tpu.dot_dimension_numbers<[1], [0], [0], [1], [0, 0, 1, 1], [], []>, transpose_lhs_hint = false} : vector<256x128xf32>, vector<128x128xf32>, vector<256x128xf32> -> vector<256x128xf32>
    %get3A_29 = arith.constant 0 : index
    %get3A_30 = arith.constant 0 : index
    %get3A_31 = vector.load %arg6[%get3A_29, %get3A_30] : memref<1x128xf32, #tpu.memory_space<vmem>>, vector<1x128xf32>
    %add3A_32 = vector.broadcast %get3A_31 : vector<1x128xf32> to vector<256x128xf32>
    %add3A_33 = arith.addf %dot_general3A_28, %add3A_32 : vector<256x128xf32>
    %max3A_34 = arith.constant 0.000000e+00 : f32
    %max3A_35 = vector.broadcast %max3A_34 : f32 to vector<256x128xf32>
    %max3A_36 = arith.maximumf %add3A_33, %max3A_35 : vector<256x128xf32>
    %get3A_37 = arith.constant 0 : index
    %get3A_38 = arith.constant 0 : index
    %get3A_39 = vector.load %arg7[%get3A_37, %get3A_38] : memref<128x128xf32, #tpu.memory_space<vmem>>, vector<128x128xf32>
    %dot_general3A_40 = arith.constant dense<0.000000e+00> : vector<256x128xf32>
    %dot_general3A_41 = tpu.matmul %max3A_36, %get3A_39, %dot_general3A_40 {dimension_numbers = #tpu.dot_dimension_numbers<[1], [0], [0], [1], [0, 0, 1, 1], [], []>, transpose_lhs_hint = false} : vector<256x128xf32>, vector<128x128xf32>, vector<256x128xf32> -> vector<256x128xf32>
    %swap3A = arith.constant 0 : index
    %swap3A_42 = arith.constant 0 : index
    %swap3A_43 = vector.load %arg8[%swap3A, %swap3A_42] : memref<256x128xf32, #tpu.memory_space<vmem>>, vector<256x128xf32>
    tpu.vector_store %arg8[%swap3A, %swap3A_42], %dot_general3A_41 {strides = array<i32>} : memref<256x128xf32, #tpu.memory_space<vmem>>, vector<256x128xf32>,
    return
  }
  func.func @transform_0(%arg0: i32) -> (i32, i32, i32) {
    %c0_i32 = arith.constant 0 : i32
    %c0_i32_0 = arith.constant 0 : i32
    %c0_i32_1 = arith.constant 0 : i32
    return %c0_i32, %arg0, %c0_i32_0 : i32, i32, i32
  }
  func.func @transform_1(%arg0: i32) -> (i32, i32) {
    %c0_i32 = arith.constant 0 : i32
    %c0_i32_0 = arith.constant 0 : i32
    return %arg0, %c0_i32 : i32, i32
  }
  func.func @transform_2(%arg0: i32) -> (i32, i32) {
    %c0_i32 = arith.constant 0 : i32
    %c0_i32_0 = arith.constant 0 : i32
    %c0_i32_1 = arith.constant 0 : i32
    return %c0_i32, %c0_i32_0 : i32, i32
  }
  func.func @transform_3(%arg0: i32) -> (i32, i32) {
    %c0_i32 = arith.constant 0 : i32
    %c0_i32_0 = arith.constant 0 : i32
    %c0_i32_1 = arith.constant 0 : i32
    return %c0_i32, %c0_i32_0 : i32, i32
  }
  func.func @transform_4(%arg0: i32) -> (i32, i32) {
    %c0_i32 = arith.constant 0 : i32
    %c0_i32_0 = arith.constant 0 : i32
    %c0_i32_1 = arith.constant 0 : i32
    return %c0_i32, %c0_i32_0 : i32, i32
  }
  func.func @transform_5(%arg0: i32) -> (i32, i32) {
    %c0_i32 = arith.constant 0 : i32
    %c0_i32_0 = arith.constant 0 : i32
    %c0_i32_1 = arith.constant 0 : i32
    return %c0_i32, %c0_i32_0 : i32, i32
  }
  func.func @transform_6(%arg0: i32) -> (i32, i32) {
    %c0_i32 = arith.constant 0 : i32
    %c0_i32_0 = arith.constant 0 : i32
    %c0_i32_1 = arith.constant 0 : i32
    return %c0_i32, %c0_i32_0 : i32, i32
  }
  func.func @transform_7(%arg0: i32) -> (i32, i32) {
    %c0_i32 = arith.constant 0 : i32
    %c0_i32_0 = arith.constant 0 : i32
    return %arg0, %c0_i32 : i32, i32
  }
}

module attributes {stable_mosaic.version = 14 : i64} {
  func.func @_scale_body(%arg0: i32, %arg1: memref<256x128xf32, #tpu.memory_space<vmem>>, %arg2: memref<256x16xf32, #tpu.memory_space<vmem>>, %arg3: memref<256x128xf32, #tpu.memory_space<vmem>>) attributes {dimension_semantics = [#tpu.dimension_semantics<arbitrary>], iteration_bounds = array<i64: 40>, scalar_prefetch = 0 : i64, scratch_operands = 0 : i64, tpu.core_type = #tpu.core_type<tc>, window_params = [{transform_indices = @transform_0, window_bounds = array<i64: 256, 128>}, {transform_indices = @transform_1, window_bounds = array<i64: 256, 16>}, {transform_indices = @transform_2, window_bounds = array<i64: 256, 128>}]} {
    %get3A = arith.constant 0 : index
    %get3A_0 = arith.constant 0 : index
    %get3A_1 = vector.load %arg2[%get3A, %get3A_0] : memref<256x16xf32, #tpu.memory_space<vmem>>, vector<256x16xf32>
    %reduce_sum3A = arith.constant dense<0.000000e+00> : vector<256xf32>
    %reduce_sum3A_2 = vector.multi_reduction <add>, %get3A_1, %reduce_sum3A [1] : vector<256x16xf32> to vector<256xf32>
    %broadcast_in_dim3A = vector.shape_cast %reduce_sum3A_2 : vector<256xf32> to vector<256x1xf32>
    %add3A = arith.constant 1.000000e+00 : f32
    %add3A_3 = vector.broadcast %add3A : f32 to vector<256x1xf32>
    %add3A_4 = arith.addf %add3A_3, %broadcast_in_dim3A : vector<256x1xf32>
    %get3A_5 = arith.constant 0 : index
    %get3A_6 = arith.constant 0 : index
    %get3A_7 = vector.load %arg1[%get3A_5, %get3A_6] : memref<256x128xf32, #tpu.memory_space<vmem>>, vector<256x128xf32>
    %sqrt3A = math.sqrt %add3A_4 : vector<256x1xf32>
    %div3A = vector.broadcast %sqrt3A : vector<256x1xf32> to vector<256x128xf32>
    %div3A_8 = arith.divf %get3A_7, %div3A : vector<256x128xf32>
    %swap3A = arith.constant 0 : index
    %swap3A_9 = arith.constant 0 : index
    %swap3A_10 = vector.load %arg3[%swap3A, %swap3A_9] : memref<256x128xf32, #tpu.memory_space<vmem>>, vector<256x128xf32>
    tpu.vector_store %arg3[%swap3A, %swap3A_9], %div3A_8 {strides = array<i32>} : memref<256x128xf32, #tpu.memory_space<vmem>>, vector<256x128xf32>,
    return
  }
  func.func @transform_0(%arg0: i32) -> (i32, i32) {
    %c0_i32 = arith.constant 0 : i32
    %c0_i32_0 = arith.constant 0 : i32
    return %arg0, %c0_i32 : i32, i32
  }
  func.func @transform_1(%arg0: i32) -> (i32, i32) {
    %c0_i32 = arith.constant 0 : i32
    %c0_i32_0 = arith.constant 0 : i32
    return %arg0, %c0_i32 : i32, i32
  }
  func.func @transform_2(%arg0: i32) -> (i32, i32) {
    %c0_i32 = arith.constant 0 : i32
    %c0_i32_0 = arith.constant 0 : i32
    return %arg0, %c0_i32 : i32, i32
  }
}

module attributes {stable_mosaic.version = 14 : i64} {
  func.func @_pool_body(%arg0: i32, %arg1: memref<2x256x128xf32, #tpu.memory_space<vmem>>, %arg2: memref<256x128xf32, #tpu.memory_space<vmem>>, %arg3: memref<256x16xf32, #tpu.memory_space<vmem>>, %arg4: memref<1x128xf32, #tpu.memory_space<vmem>>, %arg5: memref<1x1x256xi32, #tpu.memory_space<vmem>>, %arg6: memref<128x128xf32, #tpu.memory_space<vmem>>, %arg7: memref<1x128xf32, #tpu.memory_space<vmem>>, %arg8: memref<128x128xf32, #tpu.memory_space<vmem>>, %arg9: memref<1x128xf32, #tpu.memory_space<vmem>>, %arg10: memref<64x128xf32, #tpu.memory_space<vmem>>, %arg11: memref<64x128xf32, #tpu.memory_space<vmem>>) attributes {dimension_semantics = [#tpu.dimension_semantics<arbitrary>], iteration_bounds = array<i64: 40>, scalar_prefetch = 0 : i64, scratch_operands = 1 : i64, tpu.core_type = #tpu.core_type<tc>, window_params = [{transform_indices = @transform_0, window_bounds = array<i64: 2, 256, 128>}, {transform_indices = @transform_1, window_bounds = array<i64: 256, 128>}, {transform_indices = @transform_2, window_bounds = array<i64: 256, 16>}, {pipeline_mode = #tpu.pipeline_mode<synchronous>, transform_indices = @transform_3, window_bounds = array<i64: 1, 128>}, {transform_indices = @transform_4, window_bounds = array<i64: 1, 1, 256>}, {pipeline_mode = #tpu.pipeline_mode<synchronous>, transform_indices = @transform_5, window_bounds = array<i64: 128, 128>}, {pipeline_mode = #tpu.pipeline_mode<synchronous>, transform_indices = @transform_6, window_bounds = array<i64: 1, 128>}, {pipeline_mode = #tpu.pipeline_mode<synchronous>, transform_indices = @transform_7, window_bounds = array<i64: 128, 128>}, {pipeline_mode = #tpu.pipeline_mode<synchronous>, transform_indices = @transform_8, window_bounds = array<i64: 1, 128>}, {pipeline_mode = #tpu.pipeline_mode<synchronous>, transform_indices = @transform_9, window_bounds = array<i64: 64, 128>}]} {
    %get3A = arith.constant 0 : index
    %get3A_0 = arith.constant 0 : index
    %get3A_1 = vector.load %arg2[%get3A, %get3A_0] : memref<256x128xf32, #tpu.memory_space<vmem>>, vector<256x128xf32>
    %get3A_2 = arith.constant 0 : index
    %get3A_3 = arith.constant 0 : index
    %get3A_4 = arith.constant 0 : index
    %get3A_5 = vector.load %arg1[%get3A_2, %get3A_3, %get3A_4] : memref<2x256x128xf32, #tpu.memory_space<vmem>>, vector<1x256x128xf32>
    %get3A_6 = vector.shape_cast %get3A_5 : vector<1x256x128xf32> to vector<256x128xf32>
    %add3A = arith.addf %get3A_1, %get3A_6 : vector<256x128xf32>
    %get3A_7 = arith.constant 1 : index
    %get3A_8 = arith.constant 0 : index
    %get3A_9 = arith.constant 0 : index
    %get3A_10 = vector.load %arg1[%get3A_7, %get3A_8, %get3A_9] : memref<2x256x128xf32, #tpu.memory_space<vmem>>, vector<1x256x128xf32>
    %get3A_11 = vector.shape_cast %get3A_10 : vector<1x256x128xf32> to vector<256x128xf32>
    %add3A_12 = arith.addf %add3A, %get3A_11 : vector<256x128xf32>
    %get3A_13 = arith.constant 0 : index
    %get3A_14 = arith.constant 0 : index
    %get3A_15 = vector.load %arg3[%get3A_13, %get3A_14] : memref<256x16xf32, #tpu.memory_space<vmem>>, vector<256x16xf32>
    %reduce_sum3A = arith.constant dense<0.000000e+00> : vector<256xf32>
    %reduce_sum3A_16 = vector.multi_reduction <add>, %get3A_15, %reduce_sum3A [1] : vector<256x16xf32> to vector<256xf32>
    %broadcast_in_dim3A = vector.shape_cast %reduce_sum3A_16 : vector<256xf32> to vector<256x1xf32>
    %add3A_17 = arith.constant 1.000000e+00 : f32
    %add3A_18 = vector.broadcast %add3A_17 : f32 to vector<256x1xf32>
    %add3A_19 = arith.addf %add3A_18, %broadcast_in_dim3A : vector<256x1xf32>
    %sqrt3A = math.sqrt %add3A_19 : vector<256x1xf32>
    %div3A = vector.broadcast %sqrt3A : vector<256x1xf32> to vector<256x128xf32>
    %div3A_20 = arith.divf %add3A_12, %div3A : vector<256x128xf32>
    %get3A_21 = arith.constant 0 : index
    %get3A_22 = arith.constant 0 : index
    %get3A_23 = vector.load %arg4[%get3A_21, %get3A_22] : memref<1x128xf32, #tpu.memory_space<vmem>>, vector<1x128xf32>
    %add3A_24 = vector.broadcast %get3A_23 : vector<1x128xf32> to vector<256x128xf32>
    %add3A_25 = arith.addf %div3A_20, %add3A_24 : vector<256x128xf32>
    %max3A = arith.constant 0.000000e+00 : f32
    %max3A_26 = vector.broadcast %max3A : f32 to vector<256x128xf32>
    %max3A_27 = arith.maximumf %add3A_25, %max3A_26 : vector<256x128xf32>
    %get3A_28 = arith.constant 0 : index
    %get3A_29 = arith.constant 0 : index
    %get3A_30 = arith.constant 0 : index
    %get3A_31 = vector.load %arg5[%get3A_28, %get3A_29, %get3A_30] : memref<1x1x256xi32, #tpu.memory_space<vmem>>, vector<1x1x256xi32>
    %get3A_32 = vector.shape_cast %get3A_31 : vector<1x1x256xi32> to vector<1x256xi32>
    %iota3A = tpu.iota {dimensions = array<i32: 0>} : vector<64x256xi32>
    %broadcast_in_dim3A_33 = vector.shape_cast %get3A_32 : vector<1x256xi32> to vector<1x256xi32>
    %broadcast_in_dim3A_34 = vector.broadcast %broadcast_in_dim3A_33 : vector<1x256xi32> to vector<64x256xi32>
    %eq3A = arith.cmpi eq, %iota3A, %broadcast_in_dim3A_34 : vector<64x256xi32>
    %convert_element_type3A = arith.extui %eq3A : vector<64x256xi1> to vector<64x256xi32>
    %convert_element_type3A_35 = arith.sitofp %convert_element_type3A : vector<64x256xi32> to vector<64x256xf32>
    %dot_general3A = arith.constant dense<0.000000e+00> : vector<64x128xf32>
    %dot_general3A_36 = tpu.matmul %convert_element_type3A_35, %max3A_27, %dot_general3A {dimension_numbers = #tpu.dot_dimension_numbers<[1], [0], [0], [1], [0, 0, 1, 1], [], []>, transpose_lhs_hint = false} : vector<64x256xf32>, vector<256x128xf32>, vector<64x128xf32> -> vector<64x128xf32>
    %eq3A_37 = arith.constant 0 : i32
    %eq3A_38 = arith.cmpi eq, %arg0, %eq3A_37 : i32
    %convert_element_type3A_39 = arith.extui %eq3A_38 : i1 to i32
    %cond3A = arith.constant 0 : i32
    %cond3A_40 = arith.cmpi ne, %convert_element_type3A_39, %cond3A : i32
    scf.if %cond3A_40 {
      %swap3A = arith.constant 0 : index
      %swap3A_50 = arith.constant 0 : index
      %swap3A_51 = vector.load %arg11[%swap3A, %swap3A_50] : memref<64x128xf32, #tpu.memory_space<vmem>>, vector<64x128xf32>
      tpu.vector_store %arg11[%swap3A, %swap3A_50], %dot_general3A_36 {strides = array<i32>} : memref<64x128xf32, #tpu.memory_space<vmem>>, vector<64x128xf32>,
    } else {
    }
    %gt3A = arith.constant 0 : i32
    %gt3A_41 = arith.cmpi sgt, %arg0, %gt3A : i32
    %convert_element_type3A_42 = arith.extui %gt3A_41 : i1 to i32
    %cond3A_43 = arith.constant 0 : i32
    %cond3A_44 = arith.cmpi ne, %convert_element_type3A_42, %cond3A_43 : i32
    scf.if %cond3A_44 {
      %get3A_50 = arith.constant 0 : index
      %get3A_51 = arith.constant 0 : index
      %get3A_52 = vector.load %arg11[%get3A_50, %get3A_51] : memref<64x128xf32, #tpu.memory_space<vmem>>, vector<64x128xf32>
      %add3A_53 = arith.addf %get3A_52, %dot_general3A_36 : vector<64x128xf32>
      %swap3A = arith.constant 0 : index
      %swap3A_54 = arith.constant 0 : index
      %swap3A_55 = vector.load %arg11[%swap3A, %swap3A_54] : memref<64x128xf32, #tpu.memory_space<vmem>>, vector<64x128xf32>
      tpu.vector_store %arg11[%swap3A, %swap3A_54], %add3A_53 {strides = array<i32>} : memref<64x128xf32, #tpu.memory_space<vmem>>, vector<64x128xf32>,
    } else {
    }
    %eq3A_45 = arith.constant 39 : i32
    %eq3A_46 = arith.cmpi eq, %arg0, %eq3A_45 : i32
    %convert_element_type3A_47 = arith.extui %eq3A_46 : i1 to i32
    %cond3A_48 = arith.constant 0 : i32
    %cond3A_49 = arith.cmpi ne, %convert_element_type3A_47, %cond3A_48 : i32
    scf.if %cond3A_49 {
      %get3A_50 = arith.constant 0 : index
      %get3A_51 = arith.constant 0 : index
      %get3A_52 = vector.load %arg11[%get3A_50, %get3A_51] : memref<64x128xf32, #tpu.memory_space<vmem>>, vector<64x128xf32>
      %get3A_53 = arith.constant 0 : index
      %get3A_54 = arith.constant 0 : index
      %get3A_55 = vector.load %arg6[%get3A_53, %get3A_54] : memref<128x128xf32, #tpu.memory_space<vmem>>, vector<128x128xf32>
      %dot_general3A_56 = arith.constant dense<0.000000e+00> : vector<64x128xf32>
      %dot_general3A_57 = tpu.matmul %get3A_52, %get3A_55, %dot_general3A_56 {dimension_numbers = #tpu.dot_dimension_numbers<[1], [0], [0], [1], [0, 0, 1, 1], [], []>, transpose_lhs_hint = false} : vector<64x128xf32>, vector<128x128xf32>, vector<64x128xf32> -> vector<64x128xf32>
      %get3A_58 = arith.constant 0 : index
      %get3A_59 = arith.constant 0 : index
      %get3A_60 = vector.load %arg7[%get3A_58, %get3A_59] : memref<1x128xf32, #tpu.memory_space<vmem>>, vector<1x128xf32>
      %add3A_61 = vector.broadcast %get3A_60 : vector<1x128xf32> to vector<64x128xf32>
      %add3A_62 = arith.addf %dot_general3A_57, %add3A_61 : vector<64x128xf32>
      %max3A_63 = arith.constant 0.000000e+00 : f32
      %max3A_64 = vector.broadcast %max3A_63 : f32 to vector<64x128xf32>
      %max3A_65 = arith.maximumf %add3A_62, %max3A_64 : vector<64x128xf32>
      %get3A_66 = arith.constant 0 : index
      %get3A_67 = arith.constant 0 : index
      %get3A_68 = vector.load %arg8[%get3A_66, %get3A_67] : memref<128x128xf32, #tpu.memory_space<vmem>>, vector<128x128xf32>
      %dot_general3A_69 = arith.constant dense<0.000000e+00> : vector<64x128xf32>
      %dot_general3A_70 = tpu.matmul %max3A_65, %get3A_68, %dot_general3A_69 {dimension_numbers = #tpu.dot_dimension_numbers<[1], [0], [0], [1], [0, 0, 1, 1], [], []>, transpose_lhs_hint = false} : vector<64x128xf32>, vector<128x128xf32>, vector<64x128xf32> -> vector<64x128xf32>
      %get3A_71 = arith.constant 0 : index
      %get3A_72 = arith.constant 0 : index
      %get3A_73 = vector.load %arg9[%get3A_71, %get3A_72] : memref<1x128xf32, #tpu.memory_space<vmem>>, vector<1x128xf32>
      %add3A_74 = vector.broadcast %get3A_73 : vector<1x128xf32> to vector<64x128xf32>
      %add3A_75 = arith.addf %dot_general3A_70, %add3A_74 : vector<64x128xf32>
      %swap3A = arith.constant 0 : index
      %swap3A_76 = arith.constant 0 : index
      %swap3A_77 = vector.load %arg10[%swap3A, %swap3A_76] : memref<64x128xf32, #tpu.memory_space<vmem>>, vector<64x128xf32>
      tpu.vector_store %arg10[%swap3A, %swap3A_76], %add3A_75 {strides = array<i32>} : memref<64x128xf32, #tpu.memory_space<vmem>>, vector<64x128xf32>,
    } else {
    }
    return
  }
  func.func @transform_0(%arg0: i32) -> (i32, i32, i32) {
    %c0_i32 = arith.constant 0 : i32
    %c0_i32_0 = arith.constant 0 : i32
    %c0_i32_1 = arith.constant 0 : i32
    return %c0_i32, %arg0, %c0_i32_0 : i32, i32, i32
  }
  func.func @transform_1(%arg0: i32) -> (i32, i32) {
    %c0_i32 = arith.constant 0 : i32
    %c0_i32_0 = arith.constant 0 : i32
    return %arg0, %c0_i32 : i32, i32
  }
  func.func @transform_2(%arg0: i32) -> (i32, i32) {
    %c0_i32 = arith.constant 0 : i32
    %c0_i32_0 = arith.constant 0 : i32
    return %arg0, %c0_i32 : i32, i32
  }
  func.func @transform_3(%arg0: i32) -> (i32, i32) {
    %c0_i32 = arith.constant 0 : i32
    %c0_i32_0 = arith.constant 0 : i32
    %c0_i32_1 = arith.constant 0 : i32
    return %c0_i32, %c0_i32_0 : i32, i32
  }
  func.func @transform_4(%arg0: i32) -> (i32, i32, i32) {
    %c0_i32 = arith.constant 0 : i32
    %c0_i32_0 = arith.constant 0 : i32
    %c0_i32_1 = arith.constant 0 : i32
    return %arg0, %c0_i32, %c0_i32_0 : i32, i32, i32
  }
  func.func @transform_5(%arg0: i32) -> (i32, i32) {
    %c0_i32 = arith.constant 0 : i32
    %c0_i32_0 = arith.constant 0 : i32
    %c0_i32_1 = arith.constant 0 : i32
    return %c0_i32, %c0_i32_0 : i32, i32
  }
  func.func @transform_6(%arg0: i32) -> (i32, i32) {
    %c0_i32 = arith.constant 0 : i32
    %c0_i32_0 = arith.constant 0 : i32
    %c0_i32_1 = arith.constant 0 : i32
    return %c0_i32, %c0_i32_0 : i32, i32
  }
  func.func @transform_7(%arg0: i32) -> (i32, i32) {
    %c0_i32 = arith.constant 0 : i32
    %c0_i32_0 = arith.constant 0 : i32
    %c0_i32_1 = arith.constant 0 : i32
    return %c0_i32, %c0_i32_0 : i32, i32
  }
  func.func @transform_8(%arg0: i32) -> (i32, i32) {
    %c0_i32 = arith.constant 0 : i32
    %c0_i32_0 = arith.constant 0 : i32
    %c0_i32_1 = arith.constant 0 : i32
    return %c0_i32, %c0_i32_0 : i32, i32
  }
  func.func @transform_9(%arg0: i32) -> (i32, i32) {
    %c0_i32 = arith.constant 0 : i32
    %c0_i32_0 = arith.constant 0 : i32
    %c0_i32_1 = arith.constant 0 : i32
    return %c0_i32, %c0_i32_0 : i32, i32
  }
}

</mosaic_0001>

<sc_bundles>
// kernel: kernel.11.cloned.1.call-start
scs
__scs_entry_jumppad:
0x0: {  	(pc) =	sbr.rel $0x88, $3  }
0x1: {  	(tag) =	ssettag $0x0;
	lr =	simm.s32 $0x1  }
0x2: {  	[smem:$0x3F94] =	sst lr;
	_ =	strace $0xD0000000  }
0x3: {  	_ = 	snop  }
0x4: {  	_ = 	snop  }
0x5: {  	_ = 	snop  }
0x6: {  	_ = 	snop  }
0x7: {  	_ = 	snop  }
__scs_overlays_trampoline_lowered:
0x8: {  	[smem:$0x3FA3] =	sst s0  }
0x9: {  	[smem:$0x3FA4] =	sst s1  }
0xa: {  	[smem:$0x3FA5] =	sst s2  }
0xb: {  	[smem:$0x3FA6] =	sst s3  }
0xc: {  	[smem:$0x3FA7] =	sst s4  }
0xd: {  	[smem:$0x3FA8] =	sst s5  }
0xe: {  	[smem:$0x3FA9] =	sst s6  }
0xf: {  	[smem:$0x3FAA] =	sst s7  }
0x10: {  	[smem:$0x3FAB] =	sst s8  }
0x11: {  	[smem:$0x3FAC] =	sst s9;
	s0 =	simm.s32 @!p0 $0x0  }
0x12: {  	s1 =	sld [smem:$0x3F92];
	s0 =	simm.s32 @p0 $0x1  }
0x13: {  	[smem:$0x3FAD] =	sst s0;
	s0 =	simm.s32 @!p1 $0x0  }
0x14: {  	s2 =	sld [smem:$0x3F91];
	s0 =	simm.s32 @p1 $0x1  }
0x15: {  	[smem:$0x3FAE] =	sst s0;
	s0 =	simm.s32 @!p2 $0x0  }
0x16: {  	s3 =	sld [smem:$0x3FDB];
	s0 =	simm.s32 @p2 $0x1  }
0x17: {  	s4 =	simm.s32 $0x1BF5;
	[smem:$0x3FB0] =	sst s0  }
0x18: {  	s0 =	sld [smem:$0x3F93];
	_ =	swait.ge [sflag:s4], $0x0  }
0x19: {  	s7 =	sld [smem:$0x3F94]  }
0x1a: {  	s8 =	sadd.s32 $0xFFFFE003, lr  }
0x1b: {  	s9 =	sadd.s32 $0xFFFFFEF7, lr;
	s5 =	simm.s32 $0xFFFFFFFF;
	p2 =	slt.u32 s8, $0xFFFFF086  }
0x1c: {  	p1 =	slt.u32 s9, $0xF7A;
	s5 =	simm.s32 @!p2 $0x0  }
0x1d: {  	s5 =	simm.s32 @p1 $0x1;
	p0 =	seq.s32 s7, s2  }
0x1e: {  	s7 =	smul.u32 @!p0 $0xF7A, s2;
	p2 =	seq.s32 @!p0 s5, $0x0  }
0x1f: {  	s9 =	smul.u32 $0xF7A, s1;
	s8 =	simm.s32 @!p0 $0x1BF5;
	p2 =	por !p2, p0  }
0x20: {  	[sflag:s8] =	ssyncset.s32 @!p0 $0xFFFFF086;
	s6 =	sadd.s32 @!p0 s3, s7;
	s7 =	simm.s32 @!p0 $0x108  }
0x21: {  	s3 =	sadd.s32 s3, s9;
	s6 =	sadd.s32 @!p0 $0x88, s6;
	s7 =	simm.s32 @p2 $0x1082  }
0x22: {  	[simem:s7], [sflag:s8] =	dma.local @!p0 [hbm:s6], $0xF7A  }
0x23: {  	s9 =	sor.u32 $0xD0000000, s2;
	s6 =	simm.s32 $0x108;
	_ =	swait.ge @!p0 [sflag:s8], $0x0  }
0x24: {  	s3 =	sadd.s32 $0x88, s3;
	s6 =	simm.s32 @!p1 $0x1082;
	[sflag:s4] =	ssyncset.s32 $0xFFFFF086  }
0x25: {  	[simem:s6], [sflag:s4] =	dma.local [hbm:s3], $0xF7A  }
0x26: {  	[smem:$0x3F94] =	sst s1;
	(tag) =	ssettag s2;
	_ =	strace s9  }
0x27: {  	s1 =	sld [smem:$0x3FA4]  }
0x28: {  	s2 =	sld [smem:$0x3FA5]  }
0x29: {  	s4 =	sld [smem:$0x3FA7]  }
0x2a: {  	p0 =	seq.s32 s5, $0x0;
	s5 =	sld [smem:$0x3FA8]  }
0x2b: {  	s6 =	sld [smem:$0x3FA9]  }
0x2c: {  	s7 =	sld [smem:$0x3FAA]  }
0x2d: {  	s3 =	simm.s32 $0x108;
	s8 =	sld [smem:$0x3FAB]  }
0x2e: {  	s3 =	simm.s32 @!p0 $0x1082;
	s9 =	sld [smem:$0x3FAC]  }
0x2f: {  	lr =	sadd.s32 s0, s3;
	s0 =	sld [smem:$0x3FA3]  }
0x30: {  	s3 =	sld [smem:$0x3FA6]  }
0x31: {  	[smem:$0x3FAF] =	sst s10  }
0x32: {  	s10 =	sld [smem:$0x3FAD];
	_ =	sdelay $0x3  }
0x33: {  	p0 =	seq.s32 s10, $0x1;
	s10 =	sld [smem:$0x3FAF];
	_ =	sdelay $0x3  }
0x34: {  	[smem:$0x3FAF] =	sst s10  }
0x35: {  	s10 =	sld [smem:$0x3FAE];
	_ =	sdelay $0x3  }
0x36: {  	p1 =	seq.s32 s10, $0x1;
	s10 =	sld [smem:$0x3FAF];
	_ =	sdelay $0x3  }
0x37: {  	[smem:$0x3FAF] =	sst s10  }
0x38: {  	s10 =	sld [smem:$0x3FB0]  }
0x39: {  	_ = 	snop;
	(pc) =	sbr.ind lr, $3  }
0x3a: {  	_ = 	snop  }
0x3b: {  	_ = 	snop  }
0x3c: {  	p2 =	seq.s32 s10, $0x1;
	s10 =	sld [smem:$0x3FAF]  }
0x3d: {  	_ =	shalt  }
0x3e: {  	_ =	shalt  }
0x3f: {  	_ =	shalt  }
0x40: {  	_ =	shalt  }
0x41: {  	_ =	shalt  }
0x42: {  	_ =	shalt  }
0x43: {  	_ =	shalt  }
0x44: {  	_ =	shalt  }
0x45: {  	_ =	shalt  }
0x46: {  	_ =	shalt  }
0x47: {  	_ =	shalt  }
0x48: {  	_ =	shalt  }
0x49: {  	_ =	shalt  }
0x4a: {  	_ =	shalt  }
0x4b: {  	_ =	shalt  }
0x4c: {  	_ =	shalt  }
0x4d: {  	_ =	shalt  }
0x4e: {  	_ =	shalt  }
0x4f: {  	_ =	shalt  }
0x50: {  	_ =	shalt  }
0x51: {  	_ =	shalt  }
0x52: {  	_ =	shalt  }
0x53: {  	_ =	shalt  }
0x54: {  	_ =	shalt  }
0x55: {  	_ =	shalt  }
0x56: {  	_ =	shalt  }
0x57: {  	_ =	shalt  }
0x58: {  	_ =	shalt  }
0x59: {  	_ =	shalt  }
0x5a: {  	_ =	shalt  }
0x5b: {  	_ =	shalt  }
0x5c: {  	_ =	shalt  }
0x5d: {  	_ =	shalt  }
0x5e: {  	_ =	shalt  }
0x5f: {  	_ =	shalt  }
0x60: {  	_ =	shalt  }
0x61: {  	_ =	shalt  }
0x62: {  	_ =	shalt  }
0x63: {  	_ =	shalt  }
0x64: {  	_ =	shalt  }
0x65: {  	_ =	shalt  }
0x66: {  	_ =	shalt  }
0x67: {  	_ =	shalt  }
0x68: {  	_ =	shalt  }
0x69: {  	_ =	shalt  }
0x6a: {  	_ =	shalt  }
0x6b: {  	_ =	shalt  }
0x6c: {  	_ =	shalt  }
0x6d: {  	_ =	shalt  }
0x6e: {  	_ =	shalt  }
0x6f: {  	_ =	shalt  }
0x70: {  	_ =	shalt  }
0x71: {  	_ =	shalt  }
0x72: {  	_ =	shalt  }
0x73: {  	_ =	shalt  }
0x74: {  	_ =	shalt  }
0x75: {  	_ =	shalt  }
0x76: {  	_ =	shalt  }
0x77: {  	_ =	shalt  }
0x78: {  	_ =	shalt  }
0x79: {  	_ =	shalt  }
0x7a: {  	_ =	shalt  }
0x7b: {  	_ =	shalt  }
0x7c: {  	_ =	shalt  }
0x7d: {  	_ =	shalt  }
0x7e: {  	_ =	shalt  }
0x7f: {  	_ =	shalt  }
0x80: {  	_ =	shalt  }
0x81: {  	_ =	shalt  }
0x82: {  	_ =	shalt  }
0x83: {  	_ =	shalt  }
0x84: {  	_ =	shalt  }
0x85: {  	_ =	shalt  }
0x86: {  	_ =	shalt  }
0x87: {  	_ =	shalt  }
.Lfunc_end0:
.L_simem_size_0:
called_computation.1_lowered:
.L_overlay_start_0:
0x88: {  	s2 =	sld [smem:$0x3FD9]  }
0x89: {  	s3 =	sld [smem:$0x3FFE];
	_ =	sdelay $0x1  }
0x8a: {  	s1 =	srdreg.scid  }
0x8b: {  	s0 =	sand.u32 $0x1, s1  }
0x8c: {  	s17 =	sshll.u32 s0, $0xA;
	s2 =	sadd.s32 s3, s2  }
0x8d: {  	s2 =	sadd.s32 s2, s17  }
0x8e: {  	[smem:$0x3FBB] =	sst s2  }
0x8f: {  	_ = 	snop  }
0x90: {  	s2 =	sld [smem:$0x3FC8];
	(tm) =	ssettm $0x1  }
0x91: {  	s18 =	sld [smem:$0x3FFB];
	_ =	sdelay $0x3  }
0x92: {  	_ =	strace s18  }
0x93: {  	s3 =	sld [smem:$0x3FFC];
	_ =	sdelay $0x3  }
0x94: {  	_ =	strace s3  }
0x95: {  	s3 =	sld [smem:$0x3FFD];
	_ =	sdelay $0x3  }
0x96: {  	_ =	strace s3  }
0x97: {  	_ =	strace $0x8FFFFFFF  }
0x98: {  	s19 =	sld [smem:$0x3FDB];
	_ =	sdelay $0x1  }
0x99: {  	s4 =	simm.s32 $_scs_section_size  }
0x9a: {  	s5 =	simm.s32 $_size__tile_overlayer_lowered;
	s6 =	simm.s32 $_tile_overlayer_lowered  }
0x9b: {  	s22 =	simm.s32 $0x1BFF;
	s21 =	sshll.u32 s6, $0x1;
	s3 =	sadd.s32 s4, s19  }
0x9c: {  	s7 =	simm.s32 $0x0;
	s20 =	sshll.u32 s5, $0x1;
	s5 =	sadd.s32 s21, s3  }
0x9d: {  	[timem:s7], [sflag:s22] =	dma.local [hbm:s5], s20  }
0x9e: {  	_ =	swait.ge [sflag:s22], s20  }
0x9f: {  	s4 =	ssub.s32 $0x0, s20;
	[sflag:s22] =	ssyncset.done $0x0  }
0xa0: {  	[sflag:s22] =	ssyncadd.s32 s4;
	_ =	sdelay $0x1  }
0xa1: {  	s23 =	simm.s32 $0x1B8B  }
0xa2: {  	_ =	swait.ge [sflag:s23], $0x1  }
0xa3: {  	[sflag:s23] =	ssyncset.done $0x0  }
0xa4: {  	s25 =	simm.s32 $0x1B8E;
	s24 =	sld [smem:$0x3FFE];
	[sflag:s23] =	ssyncadd.s32 $0xFFFFFFFF  }
0xa5: {  	s26 =	simm.s32 $execute0_lowered;
	[smem:$0x3FD2] =	sst s25  }
0xa6: {  	s5 =	sshll.u32 s26, $0x1;
	_ =	strace $0x80000049;
	[dreg:$0x1] =	wrdreg $0xFFFFFFFF  }
0xa7: {  	s28 =	simm.s32 $_size_execute0_lowered;
	s3 =	sadd.s32 s3, s5;
	[dreg:$0x0] =	wrdreg $0x0  }
0xa8: {  	s5 =	sshll.u32 s28, $0x1;
	[dreg:$0x2] =	wrdreg s3  }
0xa9: {  	[dreg:$0x3] =	wrdreg s5  }
0xaa: {  	[dreg:$0x4] =	wrdreg $0xC0  }
0xab: {  	_ =	task [dreg:s7], $0x5FFFF  }
0xac: {  	[dreg:$0x1] =	wrdreg $0xFFFFFFFF  }
0xad: {  	[dreg:$0x0] =	wrdreg $0x60  }
0xae: {  	[dreg:$0x2] =	wrdreg s2  }
0xaf: {  	[dreg:$0x3] =	wrdreg s24  }
0xb0: {  	[dreg:$0x4] =	wrdreg $0x0  }
0xb1: {  	[dreg:$0x5] =	wrdreg $0x9  }
0xb2: {  	_ =	task.clear_ibuf [dreg:s7], $0x6FFFF;
	_ =	strace $0x90000049  }
0xb3: {  	s29 =	simm.s32 $0x9;
	_ =	strace $0x8000004B  }
0xb4: {  	_ =	swait.ge [sflag:s29], $0x1  }
0xb5: {  	[sflag:s29] =	ssyncadd.s32 $0xFFFFFFFF  }
0xb6: {  	_ =	strace $0x9000004B  }
0xb7: {  	_ =	sfence  }
0xb8: {  	s30 =	sld [smem:$0x0];
	_ =	sdelay $0x2  }
0xb9: {  	s31 =	sshll.u32 s1, $0xD;
	s1 =	sshrl.u32 s1, $0x2  }
0xba: {  	s3 =	sand.u32 $0x4000, s31;
	s1 =	sadd.s32 s1, s30  }
0xbb: {  	s0 =	sor.u32 s3, s0;
	s1 =	sshll.u32 s1, $0x11  }
0xbc: {  	s0 =	sor.u32 s1, s0  }
0xbd: {  	s0 =	sadd.s32 $0x8F2B, s0  }
0xbe: {  	[sflag:s0] =	ssyncadd.remote.s32 $0x1  }
0xbf: {  	_ =	sfence.sel $0xFFFF  }
0xc0: {  	[dreg:$0x0] =	wrdreg $0xFFFFFFFF;
	(pc) =	sbr.abs _section_cstart, $3  }
0xc1: {  	[dreg:$0x1] =	wrdreg $0xFFFFFFFF  }
0xc2: {  	_ =	task.clear_ibuf [dreg:s7], $0x2FFFF;
	_ =	strace $0x9FFFFFFF  }
0xc3: {  	(tm) =	ssettm $0x7FFFFFFF  }
tec
execute0_lowered:
.L_overlay_start_1:
0x0: {  	(tag) =	ssettag $0x1  }
0x1: {  	s18 =	rddreg [dreg:$0x0]  }
0x2: {  	s6 =	rddreg [dreg:$0x1]  }
0x3: {  	s1 =	rddreg [dreg:$0x2]  }
0x4: {  	s0 =	rddreg [dreg:$0x3];
	s3 =	simm.s32 $0x0;
	s2 =	stileid.u32  }
0x5: {  	s4 =	srdreg.scid;
	s10 =	simm.s32 $0x4F;
	s8 =	smul.u32 $0x50000, s2  }
0x6: {  	[smem:$0x7FF] =	sst s3;
	s12 =	sand.u32 $0x1, s4;
	s11 =	smul.u32 $0x14000, s2  }
0x7: {  	s4 =	sadd.s32 $0x2B200, s6;
	s5 =	sadd.s32 $0x7BA00, s6;
	s24 =	smul.u32 $0x4E, s2  }
0x8: {  	s16 =	sadd.s32 $0x7C200, s6;
	_ =	strace $0x8000004A;
	s20 =	smul.u32 $0x140000, s12  }
0x9: {  	s7 =	ssub.s32 $0x2, s12;
	s25 =	sshll.u32 s12, $0x4;
	s23 =	smul.u32 $0x4E0, s12  }
0xa: {  	s9 =	sshrl.u32 s7, $0x1;
	s26 =	sshrl.u32 s8, $0x2;
	s13 =	sadd.s32 $0x4000, s11  }
0xb: {  	s15 =	sor.u32 s2, s25;
	s14 =	sadd.s32 $0x8000, s11;
	s19 =	sadd.s32 $0xC000, s11  }
0xc: {  	s21 =	sadd.s32 $0x10000, s11;
	s17 =	ssub.s32 s7, s9;
	s6 =	sadd.s32 s26, s1  }
0xd: {  	s7 =	sadd.s32 s13, s1;
	s8 =	sadd.s32 s14, s1;
	s9 =	sadd.s32 s19, s1  }
0xe: {  	p0 =	slt.u32 s15, $0x4;
	s22 =	sadd.s32 s11, s20;
	s11 =	sadd.s32 s21, s1  }
0xf: {  	s13 =	sadd.s32 s20, s13;
	s14 =	sadd.s32 s20, s14;
	s19 =	sadd.s32 s20, s19  }
0x10: {  	s28 =	sadd.s32 s24, s23;
	s15 =	smin.u32 s15, $0x4;
	s20 =	sadd.s32 s20, s21  }
0x11: {  	s21 =	simm.s32 $0x18000;
	s23 =	simm.s32 $0x0;
	s10 =	simm.s32 @!p0 $0x4E  }
0x12: {  	s22 =	sshrl.u32 s22, $0x3;
	s13 =	sshrl.u32 s13, $0x3;
	s14 =	sshrl.u32 s14, $0x3  }
0x13: {  	s19 =	sshrl.u32 s19, $0x3;
	s29 =	sadd.s32 s15, s28;
	s30 =	sshrl.u32 s20, $0x3  }
0x14: {  	s17 =	smax.u32 s17, $0x1;
	s20 =	simm.s32 $0x1;
	s12 =	sadd.s32 s16, s22  }
0x15: {  	s13 =	sadd.s32 s16, s13;
	s14 =	sadd.s32 s16, s14;
	s31 =	sshll.u32 s29, $0x5  }
0x16: {  	s15 =	sadd.s32 s16, s19;
	s16 =	sadd.s32 s16, s30;
	s18 =	sadd.s32 s31, s18  }
0x17: {  	s19 =	simm.s32 $0x14000;
	s22 =	simm.s32 $0x80;
	s18 =	sadd.s32 $0x10, s18  }
.LBB2_1:
0x18: {  	[tilespmem:s19], [sflag:$0x1] =	stream.linear.gather [hbm4b:s4+s3], $0x4000, $0x38;
	[tilespmem:$0x18080] =	vst v63  }
0x19: {  	_ =	swait.ge [sflag:s20], $0x4000  }
0x1a: {  	[sflag:s20] =	ssyncset.done $0x0  }
0x1b: {  	[sflag:s20] =	ssyncadd.s32 $0xFFFFC000  }
0x1c: {  	[spmem:s6] =	stream.linear.scatter [tilespmem:s19], [sflag:$0x1], $0x4000, $0x38;
	[tilespmem:$0x18080] =	vst v63  }
0x1d: {  	_ =	swait.ge [sflag:s20], $0x4000  }
0x1e: {  	[sflag:s20] =	ssyncset.done $0x0  }
0x1f: {  	[sflag:s20] =	ssyncadd.s32 $0xFFFFC000  }
0x20: {  	[spmem:s7] =	stream.linear.scatter [tilespmem:s19], [sflag:$0x1], $0x4000, $0x38;
	[tilespmem:$0x18080] =	vst v63  }
0x21: {  	_ =	swait.ge [sflag:s20], $0x4000  }
0x22: {  	[sflag:s20] =	ssyncset.done $0x0  }
0x23: {  	[sflag:s20] =	ssyncadd.s32 $0xFFFFC000  }
0x24: {  	[spmem:s8] =	stream.linear.scatter [tilespmem:s19], [sflag:$0x1], $0x4000, $0x38;
	[tilespmem:$0x18080] =	vst v63  }
0x25: {  	_ =	swait.ge [sflag:s20], $0x4000  }
0x26: {  	[sflag:s20] =	ssyncset.done $0x0  }
0x27: {  	[sflag:s20] =	ssyncadd.s32 $0xFFFFC000  }
0x28: {  	[spmem:s9] =	stream.linear.scatter [tilespmem:s19], [sflag:$0x1], $0x4000, $0x38;
	[tilespmem:$0x18080] =	vst v63  }
0x29: {  	_ =	swait.ge [sflag:s20], $0x4000  }
0x2a: {  	[sflag:s20] =	ssyncset.done $0x0  }
0x2b: {  	[sflag:s20] =	ssyncadd.s32 $0xFFFFC000  }
0x2c: {  	[spmem:s11] =	stream.linear.scatter [tilespmem:s19], [sflag:$0x1], $0x4000, $0x38;
	[tilespmem:$0x18080] =	vst v63  }
0x2d: {  	_ =	swait.ge [sflag:s20], $0x4000  }
0x2e: {  	[sflag:s20] =	ssyncset.done $0x0  }
0x2f: {  	[sflag:s20] =	ssyncadd.s32 $0xFFFFC000  }
0x30: {  	[tilespmem:s19], [sflag:$0x1] =	stream.linear.gather [hbm4b:s5+s3], $0x4000, $0x38;
	[tilespmem:$0x18080] =	vst v63  }
0x31: {  	_ =	swait.ge [sflag:s20], $0x4000  }
0x32: {  	[sflag:s20] =	ssyncset.done $0x0  }
0x33: {  	[sflag:s20] =	ssyncadd.s32 $0xFFFFC000  }
0x34: {  	[bflag:$0x0] =	sbarrier.arrive $0xFFFF  }
0x35: {  	[tilespmem:s21], [sflag:$0x1] =	stream.linear.gather [hbm4b:s18+s3], $0x80, $0x38;
	[tilespmem:$0x18080] =	vst v63  }
0x36: {  	p0 =	sne.s32 s10, $0x1;
	_ =	swait.ge [sflag:s20], $0x80  }
.Ltmp0:
0x37: {  	[sflag:s20] =	ssyncset.done $0x0;
	(pc) =	sbr.rel @!p0 .LBB2_3-.Ltmp0, $4  }
0x38: {  	[sflag:s20] =	ssyncadd.s32 $0xFFFFFF80  }
0x39: {  	[spmem:s1] =	stream.indirect.scatter.add.f32 [tilespmem:s19], [sflag:$0x1], $0x80, s21, s22, $0xb8;
	[tilespmem:$0x18080] =	vst v63  }
0x3a: {  	_ =	swait.ge [sflag:s20], $0x4000  }
0x3b: {  	s24 =	sadd.s32 $0xFFFFFFFF, s10;
	s25 =	smov.u32 s18;
	[sflag:s20] =	ssyncset.done $0x0  }
.LBB2_2:
0x3c: {  	p0 =	sne.s32 s24, $0x1;
	[sflag:s20] =	ssyncadd.s32 $0xFFFFC000;
	s25 =	sadd.s32 $0x20, s25  }
0x3d: {  	[tilespmem:s21], [sflag:$0x1] =	stream.linear.gather [hbm4b:s25+s3], $0x80, $0x38;
	[tilespmem:$0x18080] =	vst v63  }
0x3e: {  	s24 =	sadd.s32 $0xFFFFFFFF, s24;
	_ =	swait.ge [sflag:s20], $0x80  }
.Ltmp1:
0x3f: {  	[sflag:s20] =	ssyncset.done $0x0;
	(pc) =	sbr.rel @p0 .LBB2_2-.Ltmp1, $4  }
0x40: {  	[sflag:s20] =	ssyncadd.s32 $0xFFFFFF80  }
0x41: {  	[spmem:s1] =	stream.indirect.scatter.add.f32 [tilespmem:s19], [sflag:$0x1], $0x80, s21, s22, $0xb8;
	[tilespmem:$0x18080] =	vst v63  }
0x42: {  	_ =	swait.ge [sflag:s20], $0x4000  }
0x43: {  	[sflag:s20] =	ssyncset.done $0x0  }
.LBB2_3:
0x44: {  	[sflag:s20] =	ssyncadd.s32 $0xFFFFC000  }
0x45: {  	[bflag:$0x0] =	sbarrier.arrive $0xFFFF  }
0x46: {  	[tilespmem:s19], [sflag:$0x1] =	stream.linear.gather [spmem:s6], $0x4000, $0x38;
	[tilespmem:$0x18080] =	vst v63  }
0x47: {  	_ =	swait.ge [sflag:s20], $0x4000  }
0x48: {  	[sflag:s20] =	ssyncset.done $0x0  }
0x49: {  	[sflag:s20] =	ssyncadd.s32 $0xFFFFC000  }
0x4a: {  	[hbm4b:s12+s3] =	stream.linear.scatter [tilespmem:s19], [sflag:$0x1], $0x4000, $0x38;
	[tilespmem:$0x18080] =	vst v63  }
0x4b: {  	_ =	swait.ge [sflag:s20], $0x4000  }
0x4c: {  	[sflag:s20] =	ssyncset.done $0x0  }
0x4d: {  	[sflag:s20] =	ssyncadd.s32 $0xFFFFC000  }
0x4e: {  	[tilespmem:s19], [sflag:$0x1] =	stream.linear.gather [spmem:s7], $0x4000, $0x38;
	[tilespmem:$0x18080] =	vst v63  }
0x4f: {  	_ =	swait.ge [sflag:s20], $0x4000  }
0x50: {  	[sflag:s20] =	ssyncset.done $0x0  }
0x51: {  	[sflag:s20] =	ssyncadd.s32 $0xFFFFC000  }
0x52: {  	[hbm4b:s13+s3] =	stream.linear.scatter [tilespmem:s19], [sflag:$0x1], $0x4000, $0x38;
	[tilespmem:$0x18080] =	vst v63  }
0x53: {  	_ =	swait.ge [sflag:s20], $0x4000  }
0x54: {  	[sflag:s20] =	ssyncset.done $0x0  }
0x55: {  	[sflag:s20] =	ssyncadd.s32 $0xFFFFC000  }
0x56: {  	[tilespmem:s19], [sflag:$0x1] =	stream.linear.gather [spmem:s8], $0x4000, $0x38;
	[tilespmem:$0x18080] =	vst v63  }
0x57: {  	_ =	swait.ge [sflag:s20], $0x4000  }
0x58: {  	[sflag:s20] =	ssyncset.done $0x0  }
0x59: {  	[sflag:s20] =	ssyncadd.s32 $0xFFFFC000  }
0x5a: {  	[hbm4b:s14+s3] =	stream.linear.scatter [tilespmem:s19], [sflag:$0x1], $0x4000, $0x38;
	[tilespmem:$0x18080] =	vst v63  }
0x5b: {  	_ =	swait.ge [sflag:s20], $0x4000  }
0x5c: {  	[sflag:s20] =	ssyncset.done $0x0  }
0x5d: {  	[sflag:s20] =	ssyncadd.s32 $0xFFFFC000  }
0x5e: {  	[tilespmem:s19], [sflag:$0x1] =	stream.linear.gather [spmem:s9], $0x4000, $0x38;
	[tilespmem:$0x18080] =	vst v63  }
0x5f: {  	_ =	swait.ge [sflag:s20], $0x4000  }
0x60: {  	[sflag:s20] =	ssyncset.done $0x0  }
0x61: {  	[sflag:s20] =	ssyncadd.s32 $0xFFFFC000  }
0x62: {  	[hbm4b:s15+s3] =	stream.linear.scatter [tilespmem:s19], [sflag:$0x1], $0x4000, $0x38;
	[tilespmem:$0x18080] =	vst v63  }
0x63: {  	_ =	swait.ge [sflag:s20], $0x4000  }
0x64: {  	[sflag:s20] =	ssyncset.done $0x0  }
0x65: {  	[sflag:s20] =	ssyncadd.s32 $0xFFFFC000  }
0x66: {  	[tilespmem:s19], [sflag:$0x1] =	stream.linear.gather [spmem:s11], $0x4000, $0x38;
	[tilespmem:$0x18080] =	vst v63  }
0x67: {  	s23 =	sadd.s32 $0x1, s23;
	_ =	swait.ge [sflag:s20], $0x4000  }
0x68: {  	p0 =	sne.s32 s23, s17;
	[sflag:s20] =	ssyncset.done $0x0  }
.Ltmp2:
0x69: {  	[sflag:s20] =	ssyncadd.s32 $0xFFFFC000;
	(pc) =	sbr.rel @p0 .LBB2_1-.Ltmp2, $4  }
0x6a: {  	[hbm4b:s16+s3] =	stream.linear.scatter [tilespmem:s19], [sflag:$0x1], $0x4000, $0x38;
	[tilespmem:$0x18080] =	vst v63  }
0x6b: {  	_ =	swait.ge [sflag:s20], $0x4000  }
0x6c: {  	[sflag:s20] =	ssyncset.done $0x0  }
0x6d: {  	[sflag:s20] =	ssyncadd.s32 $0xFFFFC000  }
0x6e: {  	_ =	sfence.sel $0x180000  }
0x6f: {  	[bflag:$0x0] =	sbarrier.arrive $0xFFFF  }
0x70: {  	p0 =	sne.s32 s2, $0x0;
	_ =	strace $0x9000004A  }
0x71: {  	s0 =	sadd.s32 @!p0 $0x100000, s0;
	[bflag:$0x2] =	sbarrier.arrive $0xFFFF  }
0x72: {  	[sflag:s0] =	ssyncadd.tile.s32 @!p0 $0x1;
	_ =	shalt  }
.Lfunc_end2:
_tile_overlayer_lowered:
.L_overlay_start_2:
0x73: {  	(tag) =	ssettag $0x2  }
0x74: {  	s0 =	rddreg [dreg:$0x0];
	s2 =	stileid.u32  }
0x75: {  	s1 =	rddreg [dreg:$0x1];
	p0 =	sne.s32 s2, $0x0  }
0x76: {  	s3 =	rddreg [dreg:$0x2];
	[bflag:$0x3] =	sbarrier.arrive $0xFFFF;
	s2 =	simm.s32 @!p0 $0x1C01  }
0x77: {  	[timem:s3], [sflag:s2] =	dma.local @!p0 [hbm:s0], s1  }
0x78: {  	s0 =	simm.s32 @!p0 $0x1  }
0x79: {  	_ =	swait.ge @!p0 [sflag:s0], s1  }
0x7a: {  	s1 =	ssub.s32 @!p0 $0x0, s1;
	[sflag:s0] =	ssyncset.done @!p0 $0x0  }
0x7b: {  	[sflag:s0] =	ssyncadd.s32 @!p0 s1  }
0x7c: {  	[bflag:$0x3] =	sbarrier.arrive $0xFFFF  }
0x7d: {  	_ =	shalt  }

// kernel: kernel.14.cloned.1.call-start
scs
__scs_entry_jumppad:
0x0: {  	(pc) =	sbr.rel $0x88, $3  }
0x1: {  	(tag) =	ssettag $0x0;
	lr =	simm.s32 $0x1  }
0x2: {  	[smem:$0x3F94] =	sst lr;
	_ =	strace $0xD0000000  }
0x3: {  	_ = 	snop  }
0x4: {  	_ = 	snop  }
0x5: {  	_ = 	snop  }
0x6: {  	_ = 	snop  }
0x7: {  	_ = 	snop  }
__scs_overlays_trampoline_lowered:
0x8: {  	[smem:$0x3FA3] =	sst s0  }
0x9: {  	[smem:$0x3FA4] =	sst s1  }
0xa: {  	[smem:$0x3FA5] =	sst s2  }
0xb: {  	[smem:$0x3FA6] =	sst s3  }
0xc: {  	[smem:$0x3FA7] =	sst s4  }
0xd: {  	[smem:$0x3FA8] =	sst s5  }
0xe: {  	[smem:$0x3FA9] =	sst s6  }
0xf: {  	[smem:$0x3FAA] =	sst s7  }
0x10: {  	[smem:$0x3FAB] =	sst s8  }
0x11: {  	[smem:$0x3FAC] =	sst s9;
	s0 =	simm.s32 @!p0 $0x0  }
0x12: {  	s1 =	sld [smem:$0x3F92];
	s0 =	simm.s32 @p0 $0x1  }
0x13: {  	[smem:$0x3FAD] =	sst s0;
	s0 =	simm.s32 @!p1 $0x0  }
0x14: {  	s2 =	sld [smem:$0x3F91];
	s0 =	simm.s32 @p1 $0x1  }
0x15: {  	[smem:$0x3FAE] =	sst s0;
	s0 =	simm.s32 @!p2 $0x0  }
0x16: {  	s3 =	sld [smem:$0x3FDB];
	s0 =	simm.s32 @p2 $0x1  }
0x17: {  	s4 =	simm.s32 $0x1BF5;
	[smem:$0x3FB0] =	sst s0  }
0x18: {  	s0 =	sld [smem:$0x3F93];
	_ =	swait.ge [sflag:s4], $0x0  }
0x19: {  	s7 =	sld [smem:$0x3F94]  }
0x1a: {  	s8 =	sadd.s32 $0xFFFFE003, lr  }
0x1b: {  	s9 =	sadd.s32 $0xFFFFFEF7, lr;
	s5 =	simm.s32 $0xFFFFFFFF;
	p2 =	slt.u32 s8, $0xFFFFF086  }
0x1c: {  	p1 =	slt.u32 s9, $0xF7A;
	s5 =	simm.s32 @!p2 $0x0  }
0x1d: {  	s5 =	simm.s32 @p1 $0x1;
	p0 =	seq.s32 s7, s2  }
0x1e: {  	s7 =	smul.u32 @!p0 $0xF7A, s2;
	p2 =	seq.s32 @!p0 s5, $0x0  }
0x1f: {  	s9 =	smul.u32 $0xF7A, s1;
	s8 =	simm.s32 @!p0 $0x1BF5;
	p2 =	por !p2, p0  }
0x20: {  	[sflag:s8] =	ssyncset.s32 @!p0 $0xFFFFF086;
	s6 =	sadd.s32 @!p0 s3, s7;
	s7 =	simm.s32 @!p0 $0x108  }
0x21: {  	s3 =	sadd.s32 s3, s9;
	s6 =	sadd.s32 @!p0 $0x88, s6;
	s7 =	simm.s32 @p2 $0x1082  }
0x22: {  	[simem:s7], [sflag:s8] =	dma.local @!p0 [hbm:s6], $0xF7A  }
0x23: {  	s9 =	sor.u32 $0xD0000000, s2;
	s6 =	simm.s32 $0x108;
	_ =	swait.ge @!p0 [sflag:s8], $0x0  }
0x24: {  	s3 =	sadd.s32 $0x88, s3;
	s6 =	simm.s32 @!p1 $0x1082;
	[sflag:s4] =	ssyncset.s32 $0xFFFFF086  }
0x25: {  	[simem:s6], [sflag:s4] =	dma.local [hbm:s3], $0xF7A  }
0x26: {  	[smem:$0x3F94] =	sst s1;
	(tag) =	ssettag s2;
	_ =	strace s9  }
0x27: {  	s1 =	sld [smem:$0x3FA4]  }
0x28: {  	s2 =	sld [smem:$0x3FA5]  }
0x29: {  	s4 =	sld [smem:$0x3FA7]  }
0x2a: {  	p0 =	seq.s32 s5, $0x0;
	s5 =	sld [smem:$0x3FA8]  }
0x2b: {  	s6 =	sld [smem:$0x3FA9]  }
0x2c: {  	s7 =	sld [smem:$0x3FAA]  }
0x2d: {  	s3 =	simm.s32 $0x108;
	s8 =	sld [smem:$0x3FAB]  }
0x2e: {  	s3 =	simm.s32 @!p0 $0x1082;
	s9 =	sld [smem:$0x3FAC]  }
0x2f: {  	lr =	sadd.s32 s0, s3;
	s0 =	sld [smem:$0x3FA3]  }
0x30: {  	s3 =	sld [smem:$0x3FA6]  }
0x31: {  	[smem:$0x3FAF] =	sst s10  }
0x32: {  	s10 =	sld [smem:$0x3FAD];
	_ =	sdelay $0x3  }
0x33: {  	p0 =	seq.s32 s10, $0x1;
	s10 =	sld [smem:$0x3FAF];
	_ =	sdelay $0x3  }
0x34: {  	[smem:$0x3FAF] =	sst s10  }
0x35: {  	s10 =	sld [smem:$0x3FAE];
	_ =	sdelay $0x3  }
0x36: {  	p1 =	seq.s32 s10, $0x1;
	s10 =	sld [smem:$0x3FAF];
	_ =	sdelay $0x3  }
0x37: {  	[smem:$0x3FAF] =	sst s10  }
0x38: {  	s10 =	sld [smem:$0x3FB0]  }
0x39: {  	_ = 	snop;
	(pc) =	sbr.ind lr, $3  }
0x3a: {  	_ = 	snop  }
0x3b: {  	_ = 	snop  }
0x3c: {  	p2 =	seq.s32 s10, $0x1;
	s10 =	sld [smem:$0x3FAF]  }
0x3d: {  	_ =	shalt  }
0x3e: {  	_ =	shalt  }
0x3f: {  	_ =	shalt  }
0x40: {  	_ =	shalt  }
0x41: {  	_ =	shalt  }
0x42: {  	_ =	shalt  }
0x43: {  	_ =	shalt  }
0x44: {  	_ =	shalt  }
0x45: {  	_ =	shalt  }
0x46: {  	_ =	shalt  }
0x47: {  	_ =	shalt  }
0x48: {  	_ =	shalt  }
0x49: {  	_ =	shalt  }
0x4a: {  	_ =	shalt  }
0x4b: {  	_ =	shalt  }
0x4c: {  	_ =	shalt  }
0x4d: {  	_ =	shalt  }
0x4e: {  	_ =	shalt  }
0x4f: {  	_ =	shalt  }
0x50: {  	_ =	shalt  }
0x51: {  	_ =	shalt  }
0x52: {  	_ =	shalt  }
0x53: {  	_ =	shalt  }
0x54: {  	_ =	shalt  }
0x55: {  	_ =	shalt  }
0x56: {  	_ =	shalt  }
0x57: {  	_ =	shalt  }
0x58: {  	_ =	shalt  }
0x59: {  	_ =	shalt  }
0x5a: {  	_ =	shalt  }
0x5b: {  	_ =	shalt  }
0x5c: {  	_ =	shalt  }
0x5d: {  	_ =	shalt  }
0x5e: {  	_ =	shalt  }
0x5f: {  	_ =	shalt  }
0x60: {  	_ =	shalt  }
0x61: {  	_ =	shalt  }
0x62: {  	_ =	shalt  }
0x63: {  	_ =	shalt  }
0x64: {  	_ =	shalt  }
0x65: {  	_ =	shalt  }
0x66: {  	_ =	shalt  }
0x67: {  	_ =	shalt  }
0x68: {  	_ =	shalt  }
0x69: {  	_ =	shalt  }
0x6a: {  	_ =	shalt  }
0x6b: {  	_ =	shalt  }
0x6c: {  	_ =	shalt  }
0x6d: {  	_ =	shalt  }
0x6e: {  	_ =	shalt  }
0x6f: {  	_ =	shalt  }
0x70: {  	_ =	shalt  }
0x71: {  	_ =	shalt  }
0x72: {  	_ =	shalt  }
0x73: {  	_ =	shalt  }
0x74: {  	_ =	shalt  }
0x75: {  	_ =	shalt  }
0x76: {  	_ =	shalt  }
0x77: {  	_ =	shalt  }
0x78: {  	_ =	shalt  }
0x79: {  	_ =	shalt  }
0x7a: {  	_ =	shalt  }
0x7b: {  	_ =	shalt  }
0x7c: {  	_ =	shalt  }
0x7d: {  	_ =	shalt  }
0x7e: {  	_ =	shalt  }
0x7f: {  	_ =	shalt  }
0x80: {  	_ =	shalt  }
0x81: {  	_ =	shalt  }
0x82: {  	_ =	shalt  }
0x83: {  	_ =	shalt  }
0x84: {  	_ =	shalt  }
0x85: {  	_ =	shalt  }
0x86: {  	_ =	shalt  }
0x87: {  	_ =	shalt  }
.Lfunc_end0:
.L_simem_size_0:
called_computation.2_lowered:
.L_overlay_start_0:
0x88: {  	s2 =	sld [smem:$0x3FD9]  }
0x89: {  	s3 =	sld [smem:$0x3FFE];
	_ =	sdelay $0x1  }
0x8a: {  	s1 =	srdreg.scid  }
0x8b: {  	s0 =	sand.u32 $0x1, s1  }
0x8c: {  	s17 =	sshll.u32 s0, $0xA;
	s2 =	sadd.s32 s3, s2  }
0x8d: {  	s2 =	sadd.s32 s2, s17  }
0x8e: {  	[smem:$0x3FBB] =	sst s2  }
0x8f: {  	_ = 	snop  }
0x90: {  	s2 =	sld [smem:$0x3FC8];
	(tm) =	ssettm $0x1  }
0x91: {  	s18 =	sld [smem:$0x3FFB];
	_ =	sdelay $0x3  }
0x92: {  	_ =	strace s18  }
0x93: {  	s3 =	sld [smem:$0x3FFC];
	_ =	sdelay $0x3  }
0x94: {  	_ =	strace s3  }
0x95: {  	s3 =	sld [smem:$0x3FFD];
	_ =	sdelay $0x3  }
0x96: {  	_ =	strace s3  }
0x97: {  	_ =	strace $0x8FFFFFFF  }
0x98: {  	s19 =	sld [smem:$0x3FDB];
	_ =	sdelay $0x1  }
0x99: {  	s4 =	simm.s32 $_scs_section_size  }
0x9a: {  	s5 =	simm.s32 $_size__tile_overlayer_lowered;
	s6 =	simm.s32 $_tile_overlayer_lowered  }
0x9b: {  	s22 =	simm.s32 $0x1BFF;
	s21 =	sshll.u32 s6, $0x1;
	s3 =	sadd.s32 s4, s19  }
0x9c: {  	s7 =	simm.s32 $0x0;
	s20 =	sshll.u32 s5, $0x1;
	s5 =	sadd.s32 s21, s3  }
0x9d: {  	[timem:s7], [sflag:s22] =	dma.local [hbm:s5], s20  }
0x9e: {  	_ =	swait.ge [sflag:s22], s20  }
0x9f: {  	s4 =	ssub.s32 $0x0, s20;
	[sflag:s22] =	ssyncset.done $0x0  }
0xa0: {  	[sflag:s22] =	ssyncadd.s32 s4;
	_ =	sdelay $0x1  }
0xa1: {  	s23 =	simm.s32 $0x1B8B  }
0xa2: {  	_ =	swait.ge [sflag:s23], $0x1  }
0xa3: {  	[sflag:s23] =	ssyncset.done $0x0  }
0xa4: {  	s25 =	simm.s32 $0x1B8E;
	s24 =	sld [smem:$0x3FFE];
	[sflag:s23] =	ssyncadd.s32 $0xFFFFFFFF  }
0xa5: {  	s26 =	simm.s32 $execute0_lowered;
	[smem:$0x3FD2] =	sst s25  }
0xa6: {  	s5 =	sshll.u32 s26, $0x1;
	_ =	strace $0x8000004C;
	[dreg:$0x1] =	wrdreg $0xFFFFFFFF  }
0xa7: {  	s28 =	simm.s32 $_size_execute0_lowered;
	s3 =	sadd.s32 s3, s5;
	[dreg:$0x0] =	wrdreg $0x0  }
0xa8: {  	s5 =	sshll.u32 s28, $0x1;
	[dreg:$0x2] =	wrdreg s3  }
0xa9: {  	[dreg:$0x3] =	wrdreg s5  }
0xaa: {  	[dreg:$0x4] =	wrdreg $0xC0  }
0xab: {  	_ =	task [dreg:s7], $0x5FFFF  }
0xac: {  	[dreg:$0x1] =	wrdreg $0xFFFFFFFF  }
0xad: {  	[dreg:$0x0] =	wrdreg $0x60  }
0xae: {  	[dreg:$0x2] =	wrdreg s24  }
0xaf: {  	[dreg:$0x3] =	wrdreg s2  }
0xb0: {  	[dreg:$0x4] =	wrdreg $0x0  }
0xb1: {  	[dreg:$0x5] =	wrdreg $0x9  }
0xb2: {  	_ =	task.clear_ibuf [dreg:s7], $0x6FFFF;
	_ =	strace $0x9000004C  }
0xb3: {  	s29 =	simm.s32 $0x9;
	_ =	strace $0x8000004E  }
0xb4: {  	_ =	swait.ge [sflag:s29], $0x1  }
0xb5: {  	[sflag:s29] =	ssyncadd.s32 $0xFFFFFFFF  }
0xb6: {  	_ =	strace $0x9000004E  }
0xb7: {  	_ =	sfence  }
0xb8: {  	s30 =	sld [smem:$0x0];
	_ =	sdelay $0x2  }
0xb9: {  	s31 =	sshll.u32 s1, $0xD;
	s1 =	sshrl.u32 s1, $0x2  }
0xba: {  	s3 =	sand.u32 $0x4000, s31;
	s1 =	sadd.s32 s1, s30  }
0xbb: {  	s0 =	sor.u32 s3, s0;
	s1 =	sshll.u32 s1, $0x11  }
0xbc: {  	s0 =	sor.u32 s1, s0  }
0xbd: {  	s0 =	sadd.s32 $0x8F2B, s0  }
0xbe: {  	[sflag:s0] =	ssyncadd.remote.s32 $0x1  }
0xbf: {  	_ =	sfence.sel $0xFFFF  }
0xc0: {  	[dreg:$0x0] =	wrdreg $0xFFFFFFFF;
	(pc) =	sbr.abs _section_cstart, $3  }
0xc1: {  	[dreg:$0x1] =	wrdreg $0xFFFFFFFF  }
0xc2: {  	_ =	task.clear_ibuf [dreg:s7], $0x2FFFF;
	_ =	strace $0x9FFFFFFF  }
0xc3: {  	(tm) =	ssettm $0x7FFFFFFF  }
tec
execute0_lowered:
.L_overlay_start_1:
0x0: {  	(tag) =	ssettag $0x1  }
0x1: {  	s6 =	rddreg [dreg:$0x0]  }
0x2: {  	s17 =	rddreg [dreg:$0x1]  }
0x3: {  	s1 =	rddreg [dreg:$0x2]  }
0x4: {  	s0 =	rddreg [dreg:$0x3];
	s2 =	simm.s32 $0x0  }
0x5: {  	s5 =	srdreg.scid;
	s3 =	stileid.u32;
	s10 =	simm.s32 $0x4F  }
0x6: {  	[smem:$0x7FF] =	sst s2;
	s4 =	sadd.s32 $0x3200, s6;
	s12 =	sand.u32 $0x1, s5  }
0x7: {  	s5 =	sadd.s32 $0x2B200, s6;
	s8 =	smul.u32 $0x50000, s3;
	s16 =	sadd.s32 $0x2BA00, s6  }
0x8: {  	s13 =	smul.u32 $0x14000, s3;
	_ =	strace $0x8000004D;
	s7 =	ssub.s32 $0x2, s12  }
0x9: {  	s23 =	sshll.u32 s12, $0x4;
	s21 =	smul.u32 $0x140000, s12;
	s22 =	sshrl.u32 s7, $0x1  }
0xa: {  	s24 =	sshrl.u32 s8, $0x2;
	s15 =	sor.u32 s3, s23;
	s14 =	sadd.s32 $0x4000, s13  }
0xb: {  	s19 =	sadd.s32 $0x8000, s13;
	s20 =	sadd.s32 $0xC000, s13;
	s23 =	smul.u32 $0x4E0, s12  }
0xc: {  	s18 =	ssub.s32 s7, s22;
	s6 =	sadd.s32 s24, s1;
	s7 =	sadd.s32 s14, s1  }
0xd: {  	s8 =	sadd.s32 s19, s1;
	s9 =	sadd.s32 s20, s1;
	s22 =	sadd.s32 $0x10000, s13  }
0xe: {  	p0 =	slt.u32 s15, $0x4;
	s13 =	sadd.s32 s13, s21;
	s14 =	sadd.s32 s21, s14  }
0xf: {  	s19 =	sadd.s32 s21, s19;
	s24 =	smul.u32 $0x4E, s3;
	s15 =	smin.u32 s15, $0x4  }
0x10: {  	s20 =	sadd.s32 s21, s20;
	s11 =	sadd.s32 s22, s1;
	s10 =	simm.s32 @!p0 $0x4E  }
0x11: {  	s13 =	sshrl.u32 s13, $0x3;
	s14 =	sshrl.u32 s14, $0x3;
	s25 =	sshrl.u32 s19, $0x3  }
0x12: {  	s21 =	sadd.s32 s21, s22;
	s28 =	sshrl.u32 s20, $0x3;
	s19 =	simm.s32 $0x14000  }
0x13: {  	s20 =	simm.s32 $0x2;
	s22 =	simm.s32 $0x18080;
	s12 =	sadd.s32 s16, s13  }
0x14: {  	s13 =	sadd.s32 s16, s14;
	s14 =	sadd.s32 s16, s25;
	s26 =	sadd.s32 s24, s23  }
0x15: {  	s29 =	sshrl.u32 s21, $0x3;
	s21 =	simm.s32 $0x18000;
	s15 =	sadd.s32 s15, s26  }
0x16: {  	s23 =	simm.s32 $0x80;
	s24 =	simm.s32 $0x1;
	s30 =	sshll.u32 s15, $0x5  }
0x17: {  	s25 =	simm.s32 $0x0;
	s15 =	sadd.s32 s16, s28;
	s31 =	sadd.s32 s30, s17  }
0x18: {  	s16 =	sadd.s32 s16, s29;
	s17 =	smax.u32 s18, $0x1;
	s18 =	sadd.s32 $0x10, s31  }
.LBB2_1:
0x19: {  	[tilespmem:s19], [sflag:$0x2] =	stream.linear.gather [hbm4b:s5+s2], $0x4000, $0x38;
	[tilespmem:$0x18100] =	vst v63  }
0x1a: {  	_ =	swait.ge [sflag:s20], $0x4000  }
0x1b: {  	[sflag:s20] =	ssyncset.done $0x0  }
0x1c: {  	[sflag:s20] =	ssyncadd.s32 $0xFFFFC000  }
0x1d: {  	[spmem:s6] =	stream.linear.scatter [tilespmem:s19], [sflag:$0x2], $0x4000, $0x38;
	[tilespmem:$0x18100] =	vst v63  }
0x1e: {  	_ =	swait.ge [sflag:s20], $0x4000  }
0x1f: {  	[sflag:s20] =	ssyncset.done $0x0  }
0x20: {  	[sflag:s20] =	ssyncadd.s32 $0xFFFFC000  }
0x21: {  	[spmem:s7] =	stream.linear.scatter [tilespmem:s19], [sflag:$0x2], $0x4000, $0x38;
	[tilespmem:$0x18100] =	vst v63  }
0x22: {  	_ =	swait.ge [sflag:s20], $0x4000  }
0x23: {  	[sflag:s20] =	ssyncset.done $0x0  }
0x24: {  	[sflag:s20] =	ssyncadd.s32 $0xFFFFC000  }
0x25: {  	[spmem:s8] =	stream.linear.scatter [tilespmem:s19], [sflag:$0x2], $0x4000, $0x38;
	[tilespmem:$0x18100] =	vst v63  }
0x26: {  	_ =	swait.ge [sflag:s20], $0x4000  }
0x27: {  	[sflag:s20] =	ssyncset.done $0x0  }
0x28: {  	[sflag:s20] =	ssyncadd.s32 $0xFFFFC000  }
0x29: {  	[spmem:s9] =	stream.linear.scatter [tilespmem:s19], [sflag:$0x2], $0x4000, $0x38;
	[tilespmem:$0x18100] =	vst v63  }
0x2a: {  	_ =	swait.ge [sflag:s20], $0x4000  }
0x2b: {  	[sflag:s20] =	ssyncset.done $0x0  }
0x2c: {  	p1 =	sne.s32 s10, $0x1;
	[sflag:s20] =	ssyncadd.s32 $0xFFFFC000  }
0x2d: {  	[spmem:s11] =	stream.linear.scatter [tilespmem:s19], [sflag:$0x2], $0x4000, $0x38;
	[tilespmem:$0x18100] =	vst v63  }
.Ltmp0:
0x2e: {  	_ =	swait.ge [sflag:s20], $0x4000;
	(pc) =	sbr.rel @!p1 .LBB2_4-.Ltmp0, $4  }
0x2f: {  	[sflag:s20] =	ssyncset.done $0x0  }
0x30: {  	[sflag:s20] =	ssyncadd.s32 $0xFFFFC000  }
0x31: {  	[bflag:$0x0] =	sbarrier.arrive $0xFFFF  }
0x32: {  	s28 =	sadd.s32 $0xFFFFFFFF, s10;
	p0 =	por $0x0, $0x0;
	s26 =	smov.u32 s18  }
0x33: {  	s26 =	sadd.s32 $0xFFFFFFF0, s18  }
0x34: {  	[tilespmem:s21], [sflag:$0x2] =	stream.linear.gather [hbm4b:s26+s2], $0x80, $0x38;
	[tilespmem:$0x18100] =	vst v63  }
0x35: {  	_ =	swait.ge [sflag:s20], $0x80  }
0x36: {  	[sflag:s20] =	ssyncset.done $0x0  }
0x37: {  	[sflag:s20] =	ssyncadd.s32 $0xFFFFFF80  }
0x38: {  	[tilespmem:s22], [sflag:$0x2] =	stream.linear.gather [hbm4b:s18+s2], $0x80, $0x38;
	[tilespmem:$0x18100] =	vst v63  }
0x39: {  	_ =	swait.ge [sflag:s20], $0x80  }
0x3a: {  	[sflag:s20] =	ssyncset.done $0x0  }
0x3b: {  	[sflag:s20] =	ssyncadd.s32 $0xFFFFFF80  }
0x3c: {  	[tilespmem:s19], [sflag:$0x1] =	stream.indirect.gather [hbm4b:s4+s23], $0x80, s21, s23, $0xb8;
	[tilespmem:$0x18100] =	vst v63  }
0x3d: {  	p1 =	sne.s32 s28, $0x1;
	_ =	swait.ge [sflag:s24], $0x4000  }
.Ltmp1:
0x3e: {  	[sflag:s24] =	ssyncset.done $0x0;
	(pc) =	sbr.rel @!p1 .LBB2_4-.Ltmp1, $4  }
0x3f: {  	[sflag:s24] =	ssyncadd.s32 $0xFFFFC000  }
0x40: {  	[spmem:s1] =	stream.indirect.scatter.add.f32 [tilespmem:s19], [sflag:$0x2], $0x80, s22, s23, $0xb8;
	[tilespmem:$0x18100] =	vst v63  }
0x41: {  	s28 =	sadd.s32 $0xFFFFFFFF, s28;
	_ =	swait.ge [sflag:s20], $0x4000  }
0x42: {  	p0 =	por $0x1, $0x1;
	s26 =	sadd.s32 $0x20, s18;
	[sflag:s20] =	ssyncset.done $0x0  }
.LBB2_3:
0x43: {  	p1 =	sne.s32 s28, $0x1;
	s29 =	sadd.s32 $0xFFFFFFF0, s26;
	[sflag:s20] =	ssyncadd.s32 $0xFFFFC000  }
0x44: {  	[tilespmem:s21], [sflag:$0x2] =	stream.linear.gather [hbm4b:s29+s2], $0x80, $0x38;
	[tilespmem:$0x18100] =	vst v63  }
0x45: {  	s28 =	sadd.s32 $0xFFFFFFFF, s28;
	_ =	swait.ge [sflag:s20], $0x80  }
0x46: {  	[sflag:s20] =	ssyncset.done $0x0  }
0x47: {  	[sflag:s20] =	ssyncadd.s32 $0xFFFFFF80  }
0x48: {  	[tilespmem:s22], [sflag:$0x2] =	stream.linear.gather [hbm4b:s26+s2], $0x80, $0x38;
	[tilespmem:$0x18100] =	vst v63  }
0x49: {  	_ =	swait.ge [sflag:s20], $0x80  }
0x4a: {  	[sflag:s20] =	ssyncset.done $0x0  }
0x4b: {  	[sflag:s20] =	ssyncadd.s32 $0xFFFFFF80  }
0x4c: {  	[tilespmem:s19], [sflag:$0x1] =	stream.indirect.gather [hbm4b:s4+s23], $0x80, s21, s23, $0xb8;
	[tilespmem:$0x18100] =	vst v63  }
0x4d: {  	_ =	swait.ge [sflag:s24], $0x4000  }
.Ltmp2:
0x4e: {  	[sflag:s24] =	ssyncset.done $0x0;
	(pc) =	sbr.rel @p1 .LBB2_3-.Ltmp2, $4  }
0x4f: {  	[sflag:s24] =	ssyncadd.s32 $0xFFFFC000  }
0x50: {  	[spmem:s1] =	stream.indirect.scatter.add.f32 [tilespmem:s19], [sflag:$0x2], $0x80, s22, s23, $0xb8;
	[tilespmem:$0x18100] =	vst v63  }
0x51: {  	_ =	swait.ge [sflag:s20], $0x4000  }
0x52: {  	s26 =	sadd.s32 $0x20, s26;
	[sflag:s20] =	ssyncset.done $0x0  }
.LBB2_4:
0x53: {  	s28 =	sadd.s32 $0xFFFFFFF0, s26;
	[sflag:s20] =	ssyncadd.s32 @p0 $0xFFFFC000  }
0x54: {  	[tilespmem:s21], [sflag:$0x2] =	stream.linear.gather [hbm4b:s28+s2], $0x80, $0x38;
	[tilespmem:$0x18100] =	vst v63  }
0x55: {  	_ =	swait.ge [sflag:s20], $0x80  }
0x56: {  	[sflag:s20] =	ssyncset.done $0x0  }
0x57: {  	[sflag:s20] =	ssyncadd.s32 $0xFFFFFF80  }
0x58: {  	[tilespmem:s22], [sflag:$0x2] =	stream.linear.gather [hbm4b:s26+s2], $0x80, $0x38;
	[tilespmem:$0x18100] =	vst v63  }
0x59: {  	_ =	swait.ge [sflag:s20], $0x80  }
0x5a: {  	[sflag:s20] =	ssyncset.done $0x0  }
0x5b: {  	[sflag:s20] =	ssyncadd.s32 $0xFFFFFF80  }
0x5c: {  	[tilespmem:s19], [sflag:$0x1] =	stream.indirect.gather [hbm4b:s4+s23], $0x80, s21, s23, $0xb8;
	[tilespmem:$0x18100] =	vst v63  }
0x5d: {  	_ =	swait.ge [sflag:s24], $0x4000  }
0x5e: {  	[sflag:s24] =	ssyncset.done $0x0  }
0x5f: {  	[sflag:s24] =	ssyncadd.s32 $0xFFFFC000  }
0x60: {  	[spmem:s1] =	stream.indirect.scatter.add.f32 [tilespmem:s19], [sflag:$0x2], $0x80, s22, s23, $0xb8;
	[tilespmem:$0x18100] =	vst v63  }
0x61: {  	_ =	swait.ge [sflag:s20], $0x4000  }
0x62: {  	[sflag:s20] =	ssyncset.done $0x0  }
0x63: {  	[sflag:s20] =	ssyncadd.s32 $0xFFFFC000  }
0x64: {  	[bflag:$0x0] =	sbarrier.arrive $0xFFFF  }
0x65: {  	[tilespmem:s19], [sflag:$0x2] =	stream.linear.gather [spmem:s6], $0x4000, $0x38;
	[tilespmem:$0x18100] =	vst v63  }
0x66: {  	_ =	swait.ge [sflag:s20], $0x4000  }
0x67: {  	[sflag:s20] =	ssyncset.done $0x0  }
0x68: {  	[sflag:s20] =	ssyncadd.s32 $0xFFFFC000  }
0x69: {  	[hbm4b:s12+s2] =	stream.linear.scatter [tilespmem:s19], [sflag:$0x2], $0x4000, $0x38;
	[tilespmem:$0x18100] =	vst v63  }
0x6a: {  	_ =	swait.ge [sflag:s20], $0x4000  }
0x6b: {  	[sflag:s20] =	ssyncset.done $0x0  }
0x6c: {  	[sflag:s20] =	ssyncadd.s32 $0xFFFFC000  }
0x6d: {  	[tilespmem:s19], [sflag:$0x2] =	stream.linear.gather [spmem:s7], $0x4000, $0x38;
	[tilespmem:$0x18100] =	vst v63  }
0x6e: {  	_ =	swait.ge [sflag:s20], $0x4000  }
0x6f: {  	[sflag:s20] =	ssyncset.done $0x0  }
0x70: {  	[sflag:s20] =	ssyncadd.s32 $0xFFFFC000  }
0x71: {  	[hbm4b:s13+s2] =	stream.linear.scatter [tilespmem:s19], [sflag:$0x2], $0x4000, $0x38;
	[tilespmem:$0x18100] =	vst v63  }
0x72: {  	_ =	swait.ge [sflag:s20], $0x4000  }
0x73: {  	[sflag:s20] =	ssyncset.done $0x0  }
0x74: {  	[sflag:s20] =	ssyncadd.s32 $0xFFFFC000  }
0x75: {  	[tilespmem:s19], [sflag:$0x2] =	stream.linear.gather [spmem:s8], $0x4000, $0x38;
	[tilespmem:$0x18100] =	vst v63  }
0x76: {  	_ =	swait.ge [sflag:s20], $0x4000  }
0x77: {  	[sflag:s20] =	ssyncset.done $0x0  }
0x78: {  	[sflag:s20] =	ssyncadd.s32 $0xFFFFC000  }
0x79: {  	[hbm4b:s14+s2] =	stream.linear.scatter [tilespmem:s19], [sflag:$0x2], $0x4000, $0x38;
	[tilespmem:$0x18100] =	vst v63  }
0x7a: {  	_ =	swait.ge [sflag:s20], $0x4000  }
0x7b: {  	[sflag:s20] =	ssyncset.done $0x0  }
0x7c: {  	[sflag:s20] =	ssyncadd.s32 $0xFFFFC000  }
0x7d: {  	[tilespmem:s19], [sflag:$0x2] =	stream.linear.gather [spmem:s9], $0x4000, $0x38;
	[tilespmem:$0x18100] =	vst v63  }
0x7e: {  	_ =	swait.ge [sflag:s20], $0x4000  }
0x7f: {  	[sflag:s20] =	ssyncset.done $0x0  }
0x80: {  	[sflag:s20] =	ssyncadd.s32 $0xFFFFC000  }
0x81: {  	[hbm4b:s15+s2] =	stream.linear.scatter [tilespmem:s19], [sflag:$0x2], $0x4000, $0x38;
	[tilespmem:$0x18100] =	vst v63  }
0x82: {  	_ =	swait.ge [sflag:s20], $0x4000  }
0x83: {  	[sflag:s20] =	ssyncset.done $0x0  }
0x84: {  	[sflag:s20] =	ssyncadd.s32 $0xFFFFC000  }
0x85: {  	[tilespmem:s19], [sflag:$0x2] =	stream.linear.gather [spmem:s11], $0x4000, $0x38;
	[tilespmem:$0x18100] =	vst v63  }
0x86: {  	s25 =	sadd.s32 $0x1, s25;
	_ =	swait.ge [sflag:s20], $0x4000  }
0x87: {  	p0 =	sne.s32 s25, s17;
	[sflag:s20] =	ssyncset.done $0x0  }
.Ltmp3:
0x88: {  	[sflag:s20] =	ssyncadd.s32 $0xFFFFC000;
	(pc) =	sbr.rel @p0 .LBB2_1-.Ltmp3, $4  }
0x89: {  	[hbm4b:s16+s2] =	stream.linear.scatter [tilespmem:s19], [sflag:$0x2], $0x4000, $0x38;
	[tilespmem:$0x18100] =	vst v63  }
0x8a: {  	_ =	swait.ge [sflag:s20], $0x4000  }
0x8b: {  	[sflag:s20] =	ssyncset.done $0x0  }
0x8c: {  	[sflag:s20] =	ssyncadd.s32 $0xFFFFC000  }
0x8d: {  	_ =	sfence.sel $0x180000  }
0x8e: {  	[bflag:$0x0] =	sbarrier.arrive $0xFFFF  }
0x8f: {  	p0 =	sne.s32 s3, $0x0;
	_ =	strace $0x9000004D  }
0x90: {  	s0 =	sadd.s32 @!p0 $0x100000, s0;
	[bflag:$0x2] =	sbarrier.arrive $0xFFFF  }
0x91: {  	[sflag:s0] =	ssyncadd.tile.s32 @!p0 $0x1;
	_ =	shalt  }
.Lfunc_end2:
_tile_overlayer_lowered:
.L_overlay_start_2:
0x92: {  	(tag) =	ssettag $0x2  }
0x93: {  	s0 =	rddreg [dreg:$0x0];
	s2 =	stileid.u32  }
0x94: {  	s1 =	rddreg [dreg:$0x1];
	p0 =	sne.s32 s2, $0x0  }
0x95: {  	s3 =	rddreg [dreg:$0x2];
	[bflag:$0x3] =	sbarrier.arrive $0xFFFF;
	s2 =	simm.s32 @!p0 $0x1C02  }
0x96: {  	[timem:s3], [sflag:s2] =	dma.local @!p0 [hbm:s0], s1  }
0x97: {  	s0 =	simm.s32 @!p0 $0x2  }
0x98: {  	_ =	swait.ge @!p0 [sflag:s0], s1  }
0x99: {  	s1 =	ssub.s32 @!p0 $0x0, s1;
	[sflag:s0] =	ssyncset.done @!p0 $0x0  }
0x9a: {  	[sflag:s0] =	ssyncadd.s32 @!p0 s1  }
0x9b: {  	[bflag:$0x3] =	sbarrier.arrive $0xFFFF  }
0x9c: {  	_ =	shalt  }

// kernel: kernel.8.cloned.1.call-start
scs
__scs_entry_jumppad:
0x0: {  	(pc) =	sbr.rel $0x88, $3  }
0x1: {  	(tag) =	ssettag $0x0;
	lr =	simm.s32 $0x1  }
0x2: {  	[smem:$0x3F94] =	sst lr;
	_ =	strace $0xD0000000  }
0x3: {  	_ = 	snop  }
0x4: {  	_ = 	snop  }
0x5: {  	_ = 	snop  }
0x6: {  	_ = 	snop  }
0x7: {  	_ = 	snop  }
__scs_overlays_trampoline_lowered:
0x8: {  	[smem:$0x3FA3] =	sst s0  }
0x9: {  	[smem:$0x3FA4] =	sst s1  }
0xa: {  	[smem:$0x3FA5] =	sst s2  }
0xb: {  	[smem:$0x3FA6] =	sst s3  }
0xc: {  	[smem:$0x3FA7] =	sst s4  }
0xd: {  	[smem:$0x3FA8] =	sst s5  }
0xe: {  	[smem:$0x3FA9] =	sst s6  }
0xf: {  	[smem:$0x3FAA] =	sst s7  }
0x10: {  	[smem:$0x3FAB] =	sst s8  }
0x11: {  	[smem:$0x3FAC] =	sst s9;
	s0 =	simm.s32 @!p0 $0x0  }
0x12: {  	s1 =	sld [smem:$0x3F92];
	s0 =	simm.s32 @p0 $0x1  }
0x13: {  	[smem:$0x3FAD] =	sst s0;
	s0 =	simm.s32 @!p1 $0x0  }
0x14: {  	s2 =	sld [smem:$0x3F91];
	s0 =	simm.s32 @p1 $0x1  }
0x15: {  	[smem:$0x3FAE] =	sst s0;
	s0 =	simm.s32 @!p2 $0x0  }
0x16: {  	s3 =	sld [smem:$0x3FDB];
	s0 =	simm.s32 @p2 $0x1  }
0x17: {  	s4 =	simm.s32 $0x1BF5;
	[smem:$0x3FB0] =	sst s0  }
0x18: {  	s0 =	sld [smem:$0x3F93];
	_ =	swait.ge [sflag:s4], $0x0  }
0x19: {  	s7 =	sld [smem:$0x3F94]  }
0x1a: {  	s8 =	sadd.s32 $0xFFFFE003, lr  }
0x1b: {  	s9 =	sadd.s32 $0xFFFFFEF7, lr;
	s5 =	simm.s32 $0xFFFFFFFF;
	p2 =	slt.u32 s8, $0xFFFFF086  }
0x1c: {  	p1 =	slt.u32 s9, $0xF7A;
	s5 =	simm.s32 @!p2 $0x0  }
0x1d: {  	s5 =	simm.s32 @p1 $0x1;
	p0 =	seq.s32 s7, s2  }
0x1e: {  	s7 =	smul.u32 @!p0 $0xF7A, s2;
	p2 =	seq.s32 @!p0 s5, $0x0  }
0x1f: {  	s9 =	smul.u32 $0xF7A, s1;
	s8 =	simm.s32 @!p0 $0x1BF5;
	p2 =	por !p2, p0  }
0x20: {  	[sflag:s8] =	ssyncset.s32 @!p0 $0xFFFFF086;
	s6 =	sadd.s32 @!p0 s3, s7;
	s7 =	simm.s32 @!p0 $0x108  }
0x21: {  	s3 =	sadd.s32 s3, s9;
	s6 =	sadd.s32 @!p0 $0x88, s6;
	s7 =	simm.s32 @p2 $0x1082  }
0x22: {  	[simem:s7], [sflag:s8] =	dma.local @!p0 [hbm:s6], $0xF7A  }
0x23: {  	s9 =	sor.u32 $0xD0000000, s2;
	s6 =	simm.s32 $0x108;
	_ =	swait.ge @!p0 [sflag:s8], $0x0  }
0x24: {  	s3 =	sadd.s32 $0x88, s3;
	s6 =	simm.s32 @!p1 $0x1082;
	[sflag:s4] =	ssyncset.s32 $0xFFFFF086  }
0x25: {  	[simem:s6], [sflag:s4] =	dma.local [hbm:s3], $0xF7A  }
0x26: {  	[smem:$0x3F94] =	sst s1;
	(tag) =	ssettag s2;
	_ =	strace s9  }
0x27: {  	s1 =	sld [smem:$0x3FA4]  }
0x28: {  	s2 =	sld [smem:$0x3FA5]  }
0x29: {  	s4 =	sld [smem:$0x3FA7]  }
0x2a: {  	p0 =	seq.s32 s5, $0x0;
	s5 =	sld [smem:$0x3FA8]  }
0x2b: {  	s6 =	sld [smem:$0x3FA9]  }
0x2c: {  	s7 =	sld [smem:$0x3FAA]  }
0x2d: {  	s3 =	simm.s32 $0x108;
	s8 =	sld [smem:$0x3FAB]  }
0x2e: {  	s3 =	simm.s32 @!p0 $0x1082;
	s9 =	sld [smem:$0x3FAC]  }
0x2f: {  	lr =	sadd.s32 s0, s3;
	s0 =	sld [smem:$0x3FA3]  }
0x30: {  	s3 =	sld [smem:$0x3FA6]  }
0x31: {  	[smem:$0x3FAF] =	sst s10  }
0x32: {  	s10 =	sld [smem:$0x3FAD];
	_ =	sdelay $0x3  }
0x33: {  	p0 =	seq.s32 s10, $0x1;
	s10 =	sld [smem:$0x3FAF];
	_ =	sdelay $0x3  }
0x34: {  	[smem:$0x3FAF] =	sst s10  }
0x35: {  	s10 =	sld [smem:$0x3FAE];
	_ =	sdelay $0x3  }
0x36: {  	p1 =	seq.s32 s10, $0x1;
	s10 =	sld [smem:$0x3FAF];
	_ =	sdelay $0x3  }
0x37: {  	[smem:$0x3FAF] =	sst s10  }
0x38: {  	s10 =	sld [smem:$0x3FB0]  }
0x39: {  	_ = 	snop;
	(pc) =	sbr.ind lr, $3  }
0x3a: {  	_ = 	snop  }
0x3b: {  	_ = 	snop  }
0x3c: {  	p2 =	seq.s32 s10, $0x1;
	s10 =	sld [smem:$0x3FAF]  }
0x3d: {  	_ =	shalt  }
0x3e: {  	_ =	shalt  }
0x3f: {  	_ =	shalt  }
0x40: {  	_ =	shalt  }
0x41: {  	_ =	shalt  }
0x42: {  	_ =	shalt  }
0x43: {  	_ =	shalt  }
0x44: {  	_ =	shalt  }
0x45: {  	_ =	shalt  }
0x46: {  	_ =	shalt  }
0x47: {  	_ =	shalt  }
0x48: {  	_ =	shalt  }
0x49: {  	_ =	shalt  }
0x4a: {  	_ =	shalt  }
0x4b: {  	_ =	shalt  }
0x4c: {  	_ =	shalt  }
0x4d: {  	_ =	shalt  }
0x4e: {  	_ =	shalt  }
0x4f: {  	_ =	shalt  }
0x50: {  	_ =	shalt  }
0x51: {  	_ =	shalt  }
0x52: {  	_ =	shalt  }
0x53: {  	_ =	shalt  }
0x54: {  	_ =	shalt  }
0x55: {  	_ =	shalt  }
0x56: {  	_ =	shalt  }
0x57: {  	_ =	shalt  }
0x58: {  	_ =	shalt  }
0x59: {  	_ =	shalt  }
0x5a: {  	_ =	shalt  }
0x5b: {  	_ =	shalt  }
0x5c: {  	_ =	shalt  }
0x5d: {  	_ =	shalt  }
0x5e: {  	_ =	shalt  }
0x5f: {  	_ =	shalt  }
0x60: {  	_ =	shalt  }
0x61: {  	_ =	shalt  }
0x62: {  	_ =	shalt  }
0x63: {  	_ =	shalt  }
0x64: {  	_ =	shalt  }
0x65: {  	_ =	shalt  }
0x66: {  	_ =	shalt  }
0x67: {  	_ =	shalt  }
0x68: {  	_ =	shalt  }
0x69: {  	_ =	shalt  }
0x6a: {  	_ =	shalt  }
0x6b: {  	_ =	shalt  }
0x6c: {  	_ =	shalt  }
0x6d: {  	_ =	shalt  }
0x6e: {  	_ =	shalt  }
0x6f: {  	_ =	shalt  }
0x70: {  	_ =	shalt  }
0x71: {  	_ =	shalt  }
0x72: {  	_ =	shalt  }
0x73: {  	_ =	shalt  }
0x74: {  	_ =	shalt  }
0x75: {  	_ =	shalt  }
0x76: {  	_ =	shalt  }
0x77: {  	_ =	shalt  }
0x78: {  	_ =	shalt  }
0x79: {  	_ =	shalt  }
0x7a: {  	_ =	shalt  }
0x7b: {  	_ =	shalt  }
0x7c: {  	_ =	shalt  }
0x7d: {  	_ =	shalt  }
0x7e: {  	_ =	shalt  }
0x7f: {  	_ =	shalt  }
0x80: {  	_ =	shalt  }
0x81: {  	_ =	shalt  }
0x82: {  	_ =	shalt  }
0x83: {  	_ =	shalt  }
0x84: {  	_ =	shalt  }
0x85: {  	_ =	shalt  }
0x86: {  	_ =	shalt  }
0x87: {  	_ =	shalt  }
.Lfunc_end0:
.L_simem_size_0:
called_computation_lowered:
.L_overlay_start_0:
0x88: {  	s2 =	sld [smem:$0x3FD9]  }
0x89: {  	s3 =	sld [smem:$0x3FFE];
	_ =	sdelay $0x1  }
0x8a: {  	s1 =	srdreg.scid  }
0x8b: {  	s0 =	sand.u32 $0x1, s1  }
0x8c: {  	s17 =	sshll.u32 s0, $0xA;
	s2 =	sadd.s32 s3, s2  }
0x8d: {  	s2 =	sadd.s32 s2, s17  }
0x8e: {  	[smem:$0x3FBB] =	sst s2  }
0x8f: {  	_ = 	snop  }
0x90: {  	s2 =	sld [smem:$0x3FC8];
	(tm) =	ssettm $0x1  }
0x91: {  	s18 =	sld [smem:$0x3FFB];
	_ =	sdelay $0x3  }
0x92: {  	_ =	strace s18  }
0x93: {  	s3 =	sld [smem:$0x3FFC];
	_ =	sdelay $0x3  }
0x94: {  	_ =	strace s3  }
0x95: {  	s3 =	sld [smem:$0x3FFD];
	_ =	sdelay $0x3  }
0x96: {  	_ =	strace s3  }
0x97: {  	_ =	strace $0x8FFFFFFF  }
0x98: {  	s19 =	sld [smem:$0x3FDB];
	_ =	sdelay $0x1  }
0x99: {  	s4 =	simm.s32 $_scs_section_size  }
0x9a: {  	s5 =	simm.s32 $_size__tile_overlayer_lowered;
	s6 =	simm.s32 $_tile_overlayer_lowered  }
0x9b: {  	s22 =	simm.s32 $0x1BFF;
	s21 =	sshll.u32 s6, $0x1;
	s3 =	sadd.s32 s4, s19  }
0x9c: {  	s7 =	simm.s32 $0x0;
	s20 =	sshll.u32 s5, $0x1;
	s5 =	sadd.s32 s21, s3  }
0x9d: {  	[timem:s7], [sflag:s22] =	dma.local [hbm:s5], s20  }
0x9e: {  	_ =	swait.ge [sflag:s22], s20  }
0x9f: {  	s4 =	ssub.s32 $0x0, s20;
	[sflag:s22] =	ssyncset.done $0x0  }
0xa0: {  	[sflag:s22] =	ssyncadd.s32 s4;
	_ =	sdelay $0x1  }
0xa1: {  	s23 =	simm.s32 $0x1B8B  }
0xa2: {  	_ =	swait.ge [sflag:s23], $0x1  }
0xa3: {  	[sflag:s23] =	ssyncset.done $0x0  }
0xa4: {  	s25 =	simm.s32 $0x1B8E;
	s24 =	sld [smem:$0x3FFE];
	[sflag:s23] =	ssyncadd.s32 $0xFFFFFFFF  }
0xa5: {  	s26 =	simm.s32 $execute0_lowered;
	[smem:$0x3FD2] =	sst s25  }
0xa6: {  	s5 =	sshll.u32 s26, $0x1;
	_ =	strace $0x80000046;
	[dreg:$0x1] =	wrdreg $0xFFFFFFFF  }
0xa7: {  	s28 =	simm.s32 $_size_execute0_lowered;
	s3 =	sadd.s32 s3, s5;
	[dreg:$0x0] =	wrdreg $0x0  }
0xa8: {  	s5 =	sshll.u32 s28, $0x1;
	[dreg:$0x2] =	wrdreg s3  }
0xa9: {  	[dreg:$0x3] =	wrdreg s5  }
0xaa: {  	[dreg:$0x4] =	wrdreg $0xC0  }
0xab: {  	_ =	task [dreg:s7], $0x5FFFF  }
0xac: {  	[dreg:$0x1] =	wrdreg $0xFFFFFFFF  }
0xad: {  	[dreg:$0x0] =	wrdreg $0x60  }
0xae: {  	[dreg:$0x2] =	wrdreg s24  }
0xaf: {  	[dreg:$0x3] =	wrdreg s2  }
0xb0: {  	[dreg:$0x4] =	wrdreg $0x0  }
0xb1: {  	[dreg:$0x5] =	wrdreg $0x9  }
0xb2: {  	_ =	task.clear_ibuf [dreg:s7], $0x6FFFF;
	_ =	strace $0x90000046  }
0xb3: {  	s29 =	simm.s32 $0x9;
	_ =	strace $0x80000048  }
0xb4: {  	_ =	swait.ge [sflag:s29], $0x1  }
0xb5: {  	[sflag:s29] =	ssyncadd.s32 $0xFFFFFFFF  }
0xb6: {  	_ =	strace $0x90000048  }
0xb7: {  	_ =	sfence  }
0xb8: {  	s30 =	sld [smem:$0x0];
	_ =	sdelay $0x2  }
0xb9: {  	s31 =	sshll.u32 s1, $0xD;
	s1 =	sshrl.u32 s1, $0x2  }
0xba: {  	s3 =	sand.u32 $0x4000, s31;
	s1 =	sadd.s32 s1, s30  }
0xbb: {  	s0 =	sor.u32 s3, s0;
	s1 =	sshll.u32 s1, $0x11  }
0xbc: {  	s0 =	sor.u32 s1, s0  }
0xbd: {  	s0 =	sadd.s32 $0x8F2B, s0  }
0xbe: {  	[sflag:s0] =	ssyncadd.remote.s32 $0x1  }
0xbf: {  	_ =	sfence.sel $0xFFFF  }
0xc0: {  	[dreg:$0x0] =	wrdreg $0xFFFFFFFF;
	(pc) =	sbr.abs _section_cstart, $3  }
0xc1: {  	[dreg:$0x1] =	wrdreg $0xFFFFFFFF  }
0xc2: {  	_ =	task.clear_ibuf [dreg:s7], $0x2FFFF;
	_ =	strace $0x9FFFFFFF  }
0xc3: {  	(tm) =	ssettm $0x7FFFFFFF  }
tec
execute0_lowered:
.L_overlay_start_1:
0x0: {  	(tag) =	ssettag $0x1  }
0x1: {  	s6 =	rddreg [dreg:$0x0]  }
0x2: {  	s17 =	rddreg [dreg:$0x1]  }
0x3: {  	s1 =	rddreg [dreg:$0x2]  }
0x4: {  	s0 =	rddreg [dreg:$0x3];
	s2 =	simm.s32 $0x0  }
0x5: {  	s5 =	srdreg.scid;
	s3 =	stileid.u32;
	s10 =	simm.s32 $0x4F  }
0x6: {  	[smem:$0x7FF] =	sst s2;
	s4 =	sadd.s32 $0x3200, s6;
	s12 =	sand.u32 $0x1, s5  }
0x7: {  	s5 =	sadd.s32 $0x2B200, s6;
	s8 =	smul.u32 $0x50000, s3;
	s16 =	sadd.s32 $0x2BA00, s6  }
0x8: {  	s13 =	smul.u32 $0x14000, s3;
	_ =	strace $0x80000047;
	s7 =	ssub.s32 $0x2, s12  }
0x9: {  	s23 =	sshll.u32 s12, $0x4;
	s21 =	smul.u32 $0x140000, s12;
	s22 =	sshrl.u32 s7, $0x1  }
0xa: {  	s24 =	sshrl.u32 s8, $0x2;
	s15 =	sor.u32 s3, s23;
	s14 =	sadd.s32 $0x4000, s13  }
0xb: {  	s19 =	sadd.s32 $0x8000, s13;
	s20 =	sadd.s32 $0xC000, s13;
	s23 =	smul.u32 $0x4E0, s12  }
0xc: {  	s18 =	ssub.s32 s7, s22;
	s6 =	sadd.s32 s24, s1;
	s7 =	sadd.s32 s14, s1  }
0xd: {  	s8 =	sadd.s32 s19, s1;
	s9 =	sadd.s32 s20, s1;
	s22 =	sadd.s32 $0x10000, s13  }
0xe: {  	p0 =	slt.u32 s15, $0x4;
	s13 =	sadd.s32 s13, s21;
	s14 =	sadd.s32 s21, s14  }
0xf: {  	s19 =	sadd.s32 s21, s19;
	s24 =	smul.u32 $0x4E, s3;
	s15 =	smin.u32 s15, $0x4  }
0x10: {  	s20 =	sadd.s32 s21, s20;
	s11 =	sadd.s32 s22, s1;
	s10 =	simm.s32 @!p0 $0x4E  }
0x11: {  	s13 =	sshrl.u32 s13, $0x3;
	s14 =	sshrl.u32 s14, $0x3;
	s25 =	sshrl.u32 s19, $0x3  }
0x12: {  	s21 =	sadd.s32 s21, s22;
	s28 =	sshrl.u32 s20, $0x3;
	s19 =	simm.s32 $0x14000  }
0x13: {  	s20 =	simm.s32 $0x2;
	s22 =	simm.s32 $0x18080;
	s12 =	sadd.s32 s16, s13  }
0x14: {  	s13 =	sadd.s32 s16, s14;
	s14 =	sadd.s32 s16, s25;
	s26 =	sadd.s32 s24, s23  }
0x15: {  	s29 =	sshrl.u32 s21, $0x3;
	s21 =	simm.s32 $0x18000;
	s15 =	sadd.s32 s15, s26  }
0x16: {  	s23 =	simm.s32 $0x80;
	s24 =	simm.s32 $0x1;
	s30 =	sshll.u32 s15, $0x5  }
0x17: {  	s25 =	simm.s32 $0x0;
	s15 =	sadd.s32 s16, s28;
	s31 =	sadd.s32 s30, s17  }
0x18: {  	s16 =	sadd.s32 s16, s29;
	s17 =	smax.u32 s18, $0x1;
	s18 =	sadd.s32 $0x10, s31  }
.LBB2_1:
0x19: {  	[tilespmem:s19], [sflag:$0x2] =	stream.linear.gather [hbm4b:s5+s2], $0x4000, $0x38;
	[tilespmem:$0x18100] =	vst v63  }
0x1a: {  	_ =	swait.ge [sflag:s20], $0x4000  }
0x1b: {  	[sflag:s20] =	ssyncset.done $0x0  }
0x1c: {  	[sflag:s20] =	ssyncadd.s32 $0xFFFFC000  }
0x1d: {  	[spmem:s6] =	stream.linear.scatter [tilespmem:s19], [sflag:$0x2], $0x4000, $0x38;
	[tilespmem:$0x18100] =	vst v63  }
0x1e: {  	_ =	swait.ge [sflag:s20], $0x4000  }
0x1f: {  	[sflag:s20] =	ssyncset.done $0x0  }
0x20: {  	[sflag:s20] =	ssyncadd.s32 $0xFFFFC000  }
0x21: {  	[spmem:s7] =	stream.linear.scatter [tilespmem:s19], [sflag:$0x2], $0x4000, $0x38;
	[tilespmem:$0x18100] =	vst v63  }
0x22: {  	_ =	swait.ge [sflag:s20], $0x4000  }
0x23: {  	[sflag:s20] =	ssyncset.done $0x0  }
0x24: {  	[sflag:s20] =	ssyncadd.s32 $0xFFFFC000  }
0x25: {  	[spmem:s8] =	stream.linear.scatter [tilespmem:s19], [sflag:$0x2], $0x4000, $0x38;
	[tilespmem:$0x18100] =	vst v63  }
0x26: {  	_ =	swait.ge [sflag:s20], $0x4000  }
0x27: {  	[sflag:s20] =	ssyncset.done $0x0  }
0x28: {  	[sflag:s20] =	ssyncadd.s32 $0xFFFFC000  }
0x29: {  	[spmem:s9] =	stream.linear.scatter [tilespmem:s19], [sflag:$0x2], $0x4000, $0x38;
	[tilespmem:$0x18100] =	vst v63  }
0x2a: {  	_ =	swait.ge [sflag:s20], $0x4000  }
0x2b: {  	[sflag:s20] =	ssyncset.done $0x0  }
0x2c: {  	p1 =	sne.s32 s10, $0x1;
	[sflag:s20] =	ssyncadd.s32 $0xFFFFC000  }
0x2d: {  	[spmem:s11] =	stream.linear.scatter [tilespmem:s19], [sflag:$0x2], $0x4000, $0x38;
	[tilespmem:$0x18100] =	vst v63  }
.Ltmp0:
0x2e: {  	_ =	swait.ge [sflag:s20], $0x4000;
	(pc) =	sbr.rel @!p1 .LBB2_4-.Ltmp0, $4  }
0x2f: {  	[sflag:s20] =	ssyncset.done $0x0  }
0x30: {  	[sflag:s20] =	ssyncadd.s32 $0xFFFFC000  }
0x31: {  	[bflag:$0x0] =	sbarrier.arrive $0xFFFF  }
0x32: {  	s28 =	sadd.s32 $0xFFFFFFFF, s10;
	p0 =	por $0x0, $0x0;
	s26 =	smov.u32 s18  }
0x33: {  	s26 =	sadd.s32 $0xFFFFFFF0, s18  }
0x34: {  	[tilespmem:s21], [sflag:$0x2] =	stream.linear.gather [hbm4b:s26+s2], $0x80, $0x38;
	[tilespmem:$0x18100] =	vst v63  }
0x35: {  	_ =	swait.ge [sflag:s20], $0x80  }
0x36: {  	[sflag:s20] =	ssyncset.done $0x0  }
0x37: {  	[sflag:s20] =	ssyncadd.s32 $0xFFFFFF80  }
0x38: {  	[tilespmem:s22], [sflag:$0x2] =	stream.linear.gather [hbm4b:s18+s2], $0x80, $0x38;
	[tilespmem:$0x18100] =	vst v63  }
0x39: {  	_ =	swait.ge [sflag:s20], $0x80  }
0x3a: {  	[sflag:s20] =	ssyncset.done $0x0  }
0x3b: {  	[sflag:s20] =	ssyncadd.s32 $0xFFFFFF80  }
0x3c: {  	[tilespmem:s19], [sflag:$0x1] =	stream.indirect.gather [hbm4b:s4+s23], $0x80, s21, s23, $0xb8;
	[tilespmem:$0x18100] =	vst v63  }
0x3d: {  	p1 =	sne.s32 s28, $0x1;
	_ =	swait.ge [sflag:s24], $0x4000  }
.Ltmp1:
0x3e: {  	[sflag:s24] =	ssyncset.done $0x0;
	(pc) =	sbr.rel @!p1 .LBB2_4-.Ltmp1, $4  }
0x3f: {  	[sflag:s24] =	ssyncadd.s32 $0xFFFFC000  }
0x40: {  	[spmem:s1] =	stream.indirect.scatter.add.f32 [tilespmem:s19], [sflag:$0x2], $0x80, s22, s23, $0xb8;
	[tilespmem:$0x18100] =	vst v63  }
0x41: {  	s28 =	sadd.s32 $0xFFFFFFFF, s28;
	_ =	swait.ge [sflag:s20], $0x4000  }
0x42: {  	p0 =	por $0x1, $0x1;
	s26 =	sadd.s32 $0x20, s18;
	[sflag:s20] =	ssyncset.done $0x0  }
.LBB2_3:
0x43: {  	p1 =	sne.s32 s28, $0x1;
	s29 =	sadd.s32 $0xFFFFFFF0, s26;
	[sflag:s20] =	ssyncadd.s32 $0xFFFFC000  }
0x44: {  	[tilespmem:s21], [sflag:$0x2] =	stream.linear.gather [hbm4b:s29+s2], $0x80, $0x38;
	[tilespmem:$0x18100] =	vst v63  }
0x45: {  	s28 =	sadd.s32 $0xFFFFFFFF, s28;
	_ =	swait.ge [sflag:s20], $0x80  }
0x46: {  	[sflag:s20] =	ssyncset.done $0x0  }
0x47: {  	[sflag:s20] =	ssyncadd.s32 $0xFFFFFF80  }
0x48: {  	[tilespmem:s22], [sflag:$0x2] =	stream.linear.gather [hbm4b:s26+s2], $0x80, $0x38;
	[tilespmem:$0x18100] =	vst v63  }
0x49: {  	_ =	swait.ge [sflag:s20], $0x80  }
0x4a: {  	[sflag:s20] =	ssyncset.done $0x0  }
0x4b: {  	[sflag:s20] =	ssyncadd.s32 $0xFFFFFF80  }
0x4c: {  	[tilespmem:s19], [sflag:$0x1] =	stream.indirect.gather [hbm4b:s4+s23], $0x80, s21, s23, $0xb8;
	[tilespmem:$0x18100] =	vst v63  }
0x4d: {  	_ =	swait.ge [sflag:s24], $0x4000  }
.Ltmp2:
0x4e: {  	[sflag:s24] =	ssyncset.done $0x0;
	(pc) =	sbr.rel @p1 .LBB2_3-.Ltmp2, $4  }
0x4f: {  	[sflag:s24] =	ssyncadd.s32 $0xFFFFC000  }
0x50: {  	[spmem:s1] =	stream.indirect.scatter.add.f32 [tilespmem:s19], [sflag:$0x2], $0x80, s22, s23, $0xb8;
	[tilespmem:$0x18100] =	vst v63  }
0x51: {  	_ =	swait.ge [sflag:s20], $0x4000  }
0x52: {  	s26 =	sadd.s32 $0x20, s26;
	[sflag:s20] =	ssyncset.done $0x0  }
.LBB2_4:
0x53: {  	s28 =	sadd.s32 $0xFFFFFFF0, s26;
	[sflag:s20] =	ssyncadd.s32 @p0 $0xFFFFC000  }
0x54: {  	[tilespmem:s21], [sflag:$0x2] =	stream.linear.gather [hbm4b:s28+s2], $0x80, $0x38;
	[tilespmem:$0x18100] =	vst v63  }
0x55: {  	_ =	swait.ge [sflag:s20], $0x80  }
0x56: {  	[sflag:s20] =	ssyncset.done $0x0  }
0x57: {  	[sflag:s20] =	ssyncadd.s32 $0xFFFFFF80  }
0x58: {  	[tilespmem:s22], [sflag:$0x2] =	stream.linear.gather [hbm4b:s26+s2], $0x80, $0x38;
	[tilespmem:$0x18100] =	vst v63  }
0x59: {  	_ =	swait.ge [sflag:s20], $0x80  }
0x5a: {  	[sflag:s20] =	ssyncset.done $0x0  }
0x5b: {  	[sflag:s20] =	ssyncadd.s32 $0xFFFFFF80  }
0x5c: {  	[tilespmem:s19], [sflag:$0x1] =	stream.indirect.gather [hbm4b:s4+s23], $0x80, s21, s23, $0xb8;
	[tilespmem:$0x18100] =	vst v63  }
0x5d: {  	_ =	swait.ge [sflag:s24], $0x4000  }
0x5e: {  	[sflag:s24] =	ssyncset.done $0x0  }
0x5f: {  	[sflag:s24] =	ssyncadd.s32 $0xFFFFC000  }
0x60: {  	[spmem:s1] =	stream.indirect.scatter.add.f32 [tilespmem:s19], [sflag:$0x2], $0x80, s22, s23, $0xb8;
	[tilespmem:$0x18100] =	vst v63  }
0x61: {  	_ =	swait.ge [sflag:s20], $0x4000  }
0x62: {  	[sflag:s20] =	ssyncset.done $0x0  }
0x63: {  	[sflag:s20] =	ssyncadd.s32 $0xFFFFC000  }
0x64: {  	[bflag:$0x0] =	sbarrier.arrive $0xFFFF  }
0x65: {  	[tilespmem:s19], [sflag:$0x2] =	stream.linear.gather [spmem:s6], $0x4000, $0x38;
	[tilespmem:$0x18100] =	vst v63  }
0x66: {  	_ =	swait.ge [sflag:s20], $0x4000  }
0x67: {  	[sflag:s20] =	ssyncset.done $0x0  }
0x68: {  	[sflag:s20] =	ssyncadd.s32 $0xFFFFC000  }
0x69: {  	[hbm4b:s12+s2] =	stream.linear.scatter [tilespmem:s19], [sflag:$0x2], $0x4000, $0x38;
	[tilespmem:$0x18100] =	vst v63  }
0x6a: {  	_ =	swait.ge [sflag:s20], $0x4000  }
0x6b: {  	[sflag:s20] =	ssyncset.done $0x0  }
0x6c: {  	[sflag:s20] =	ssyncadd.s32 $0xFFFFC000  }
0x6d: {  	[tilespmem:s19], [sflag:$0x2] =	stream.linear.gather [spmem:s7], $0x4000, $0x38;
	[tilespmem:$0x18100] =	vst v63  }
0x6e: {  	_ =	swait.ge [sflag:s20], $0x4000  }
0x6f: {  	[sflag:s20] =	ssyncset.done $0x0  }
0x70: {  	[sflag:s20] =	ssyncadd.s32 $0xFFFFC000  }
0x71: {  	[hbm4b:s13+s2] =	stream.linear.scatter [tilespmem:s19], [sflag:$0x2], $0x4000, $0x38;
	[tilespmem:$0x18100] =	vst v63  }
0x72: {  	_ =	swait.ge [sflag:s20], $0x4000  }
0x73: {  	[sflag:s20] =	ssyncset.done $0x0  }
0x74: {  	[sflag:s20] =	ssyncadd.s32 $0xFFFFC000  }
0x75: {  	[tilespmem:s19], [sflag:$0x2] =	stream.linear.gather [spmem:s8], $0x4000, $0x38;
	[tilespmem:$0x18100] =	vst v63  }
0x76: {  	_ =	swait.ge [sflag:s20], $0x4000  }
0x77: {  	[sflag:s20] =	ssyncset.done $0x0  }
0x78: {  	[sflag:s20] =	ssyncadd.s32 $0xFFFFC000  }
0x79: {  	[hbm4b:s14+s2] =	stream.linear.scatter [tilespmem:s19], [sflag:$0x2], $0x4000, $0x38;
	[tilespmem:$0x18100] =	vst v63  }
0x7a: {  	_ =	swait.ge [sflag:s20], $0x4000  }
0x7b: {  	[sflag:s20] =	ssyncset.done $0x0  }
0x7c: {  	[sflag:s20] =	ssyncadd.s32 $0xFFFFC000  }
0x7d: {  	[tilespmem:s19], [sflag:$0x2] =	stream.linear.gather [spmem:s9], $0x4000, $0x38;
	[tilespmem:$0x18100] =	vst v63  }
0x7e: {  	_ =	swait.ge [sflag:s20], $0x4000  }
0x7f: {  	[sflag:s20] =	ssyncset.done $0x0  }
0x80: {  	[sflag:s20] =	ssyncadd.s32 $0xFFFFC000  }
0x81: {  	[hbm4b:s15+s2] =	stream.linear.scatter [tilespmem:s19], [sflag:$0x2], $0x4000, $0x38;
	[tilespmem:$0x18100] =	vst v63  }
0x82: {  	_ =	swait.ge [sflag:s20], $0x4000  }
0x83: {  	[sflag:s20] =	ssyncset.done $0x0  }
0x84: {  	[sflag:s20] =	ssyncadd.s32 $0xFFFFC000  }
0x85: {  	[tilespmem:s19], [sflag:$0x2] =	stream.linear.gather [spmem:s11], $0x4000, $0x38;
	[tilespmem:$0x18100] =	vst v63  }
0x86: {  	s25 =	sadd.s32 $0x1, s25;
	_ =	swait.ge [sflag:s20], $0x4000  }
0x87: {  	p0 =	sne.s32 s25, s17;
	[sflag:s20] =	ssyncset.done $0x0  }
.Ltmp3:
0x88: {  	[sflag:s20] =	ssyncadd.s32 $0xFFFFC000;
	(pc) =	sbr.rel @p0 .LBB2_1-.Ltmp3, $4  }
0x89: {  	[hbm4b:s16+s2] =	stream.linear.scatter [tilespmem:s19], [sflag:$0x2], $0x4000, $0x38;
	[tilespmem:$0x18100] =	vst v63  }
0x8a: {  	_ =	swait.ge [sflag:s20], $0x4000  }
0x8b: {  	[sflag:s20] =	ssyncset.done $0x0  }
0x8c: {  	[sflag:s20] =	ssyncadd.s32 $0xFFFFC000  }
0x8d: {  	_ =	sfence.sel $0x180000  }
0x8e: {  	[bflag:$0x0] =	sbarrier.arrive $0xFFFF  }
0x8f: {  	p0 =	sne.s32 s3, $0x0;
	_ =	strace $0x90000047  }
0x90: {  	s0 =	sadd.s32 @!p0 $0x100000, s0;
	[bflag:$0x2] =	sbarrier.arrive $0xFFFF  }
0x91: {  	[sflag:s0] =	ssyncadd.tile.s32 @!p0 $0x1;
	_ =	shalt  }
.Lfunc_end2:
_tile_overlayer_lowered:
.L_overlay_start_2:
0x92: {  	(tag) =	ssettag $0x2  }
0x93: {  	s0 =	rddreg [dreg:$0x0];
	s2 =	stileid.u32  }
0x94: {  	s1 =	rddreg [dreg:$0x1];
	p0 =	sne.s32 s2, $0x0  }
0x95: {  	s3 =	rddreg [dreg:$0x2];
	[bflag:$0x3] =	sbarrier.arrive $0xFFFF;
	s2 =	simm.s32 @!p0 $0x1C02  }
0x96: {  	[timem:s3], [sflag:s2] =	dma.local @!p0 [hbm:s0], s1  }
0x97: {  	s0 =	simm.s32 @!p0 $0x2  }
0x98: {  	_ =	swait.ge @!p0 [sflag:s0], s1  }
0x99: {  	s1 =	ssub.s32 @!p0 $0x0, s1;
	[sflag:s0] =	ssyncset.done @!p0 $0x0  }
0x9a: {  	[sflag:s0] =	ssyncadd.s32 @!p0 s1  }
0x9b: {  	[bflag:$0x3] =	sbarrier.arrive $0xFFFF  }
0x9c: {  	_ =	shalt  }

</sc_bundles>
